<compile_context>
chip_gen: v7x
topology: tpu7x:2x2x1
jax: 0.10.2.dev20260603
libtpu: 0.0.44.dev20260713+nightly
codegen_flags: <defaults>
</compile_context>

<pallas_src>
import functools

import jax
import jax.numpy as jnp
from jax import lax
from jax.experimental import pallas as pl
from jax.experimental.pallas import tpu as pltpu
from jax.experimental.pallas import tpu_sc as plsc

N = 10000
F = 128
E = 320000
HID = 128

NPAD = 10240
NPT = NPAD // 16
EB = 64
NBW = 160
ER = 32 * NBW
EPAD = ER * EB
RPS = ER // 16
NBUF = 4
RING = 16


def _deg_body(dst_hbm, w_hbm, deg_out, deg_sh, dstb, wb, dloc, sem):
    c = lax.axis_index("c")
    s = lax.axis_index("s")
    base = s * NPT

    def zero_dloc(i, _):
        dloc[pl.ds(i * 16, 16)] = jnp.zeros((16,), jnp.float32)
        return 0
    lax.fori_loop(0, NPAD // 16, zero_dloc, 0)
    pltpu.sync_copy(dloc.at[pl.ds(0, NPT)], deg_sh.at[pl.ds(base, NPT)])
    plsc.subcore_barrier()

    def deg_chunk(ch, _):
        row0 = pl.multiple_of((c * 16 + s) * (ER // 32) + ch * RING, 16)
        pltpu.sync_copy(dst_hbm.at[pl.ds(row0, RING)], dstb)
        pltpu.sync_copy(w_hbm.at[pl.ds(row0, RING)], wb)

        def fire(i, _):
            pltpu.async_copy(wb.at[i], deg_sh.at[dstb.at[i]], sem, add=True)
            return 0
        lax.fori_loop(0, RING, fire, 0)

        def drain(i, _):
            pltpu.make_async_copy(wb.at[i], deg_sh.at[dstb.at[i]], sem).wait()
            return 0
        lax.fori_loop(0, RING, drain, 0)
        return 0
    lax.fori_loop(0, (ER // 32) // RING, deg_chunk, 0)
    plsc.subcore_barrier()
    pltpu.sync_copy(deg_sh.at[pl.ds(base, NPT)], deg_out.at[c, pl.ds(base, NPT)])


_deg_pass = functools.partial(
    pl.kernel,
    out_type=jax.ShapeDtypeStruct((2, NPAD), jnp.float32),
    mesh=plsc.VectorSubcoreMesh(core_axis_name="c", subcore_axis_name="s",
                                num_cores=2, num_subcores=16),
    compiler_params=pltpu.CompilerParams(needs_layout_passes=False),
    scratch_types=(
        pltpu.VMEM_SHARED((NPAD,), jnp.float32),
        pltpu.VMEM((RING, EB), jnp.int32),
        pltpu.VMEM((RING, EB), jnp.float32),
        pltpu.VMEM((NPAD,), jnp.float32),
        pltpu.SemaphoreType.DMA,
    ),
)(_deg_body)


def _sc_body(y_hbm, src_hbm, dst_hbm, w_hbm, z_out,
             z_sh, rows, srcb, dstb, wb,
             gsems, ssems):
    c = lax.axis_index("c")
    s = lax.axis_index("s")
    base = s * NPT
    erow0 = pl.multiple_of((s * 2 + c) * NBW, 8)

    def zero_rows(i, _):
        rows[0, i >> 3, pl.ds((i & 7) * 16, 16)] = jnp.zeros((16,), jnp.float32)
        return 0
    lax.fori_loop(0, EB * (F // 16), zero_rows, 0)

    for k in range(NPT // EB):
        pltpu.sync_copy(rows.at[0], z_sh.at[pl.ds(base + k * EB, EB)])
    plsc.subcore_barrier()

    pltpu.sync_copy(src_hbm.at[pl.ds(erow0, RING)], srcb)
    pltpu.sync_copy(dst_hbm.at[pl.ds(erow0, RING)], dstb)
    pltpu.sync_copy(w_hbm.at[pl.ds(erow0, RING)], wb)

    def start_gather(j):
        pltpu.async_copy(y_hbm.at[srcb.at[j % RING]], rows.at[j % NBUF],
                         gsems.at[j % NBUF])

    def wait_gather(j):
        pltpu.make_async_copy(y_hbm.at[srcb.at[j % RING]], rows.at[j % NBUF],
                              gsems.at[j % NBUF]).wait()

    def start_scatter(j):
        pltpu.async_copy(rows.at[j % NBUF], z_sh.at[dstb.at[j % RING]],
                         ssems.at[j % NBUF], add=True)

    def wait_scatter(j):
        pltpu.make_async_copy(rows.at[j % NBUF], z_sh.at[dstb.at[j % RING]],
                              ssems.at[j % NBUF]).wait()

    start_gather(0)
    start_gather(1)

    def edge_body(j, _):
        @pl.when(jnp.logical_and((j & 7) == 0, j + 8 < NBW))
        def _():
            row = pl.multiple_of(erow0 + j + 8, 8)
            slot = pl.multiple_of((j + 8) & (RING - 1), 8)
            pltpu.sync_copy(src_hbm.at[pl.ds(row, 8)], srcb.at[pl.ds(slot, 8)])
            pltpu.sync_copy(dst_hbm.at[pl.ds(row, 8)], dstb.at[pl.ds(slot, 8)])
            pltpu.sync_copy(w_hbm.at[pl.ds(row, 8)], wb.at[pl.ds(slot, 8)])

        @pl.when(j >= NBUF - 2)
        def _():
            wait_scatter(j - (NBUF - 2))

        @pl.when(j + 2 < NBW)
        def _():
            start_gather(j + 2)

        wait_gather(j)
        bsel = j % NBUF
        slot_j = j % RING

        def scale_row(r, _):
            coef = plsc.load_gather(
                wb, [jnp.full((16,), slot_j, jnp.int32),
                     jnp.full((16,), r, jnp.int32)])
            for k in range(F // 16):
                rows[bsel, r, pl.ds(k * 16, 16)] = (
                    rows[bsel, r, pl.ds(k * 16, 16)] * coef)
            return 0
        lax.fori_loop(0, EB, scale_row, 0, unroll=4)

        start_scatter(j)
        return 0
    lax.fori_loop(0, NBW, edge_body, 0)
    for t in range(NBUF - 2, 0, -1):
        wait_scatter(NBW - t)
    plsc.subcore_barrier()

    pltpu.sync_copy(z_sh.at[pl.ds(base, NPT)], z_out.at[c, pl.ds(base, NPT)])


_sc_pass = functools.partial(
    pl.kernel,
    out_type=jax.ShapeDtypeStruct((2, NPAD, F), jnp.float32),
    mesh=plsc.VectorSubcoreMesh(core_axis_name="c", subcore_axis_name="s",
                                num_cores=2, num_subcores=16),
    compiler_params=pltpu.CompilerParams(needs_layout_passes=False),
    scratch_types=(
        pltpu.VMEM_SHARED((NPAD, F), jnp.float32),
        pltpu.VMEM((NBUF, EB, F), jnp.float32),
        pltpu.VMEM((RING, EB), jnp.int32),
        pltpu.VMEM((RING, EB), jnp.int32),
        pltpu.VMEM((RING, EB), jnp.float32),
        pltpu.SemaphoreType.DMA((NBUF,)),
        pltpu.SemaphoreType.DMA((NBUF,)),
    ),
)(_sc_body)


def _gru_body(xt_ref, h0_ref, wih_ref, whh_ref, bih_ref, bhh_ref, out_ref):
    xt = xt_ref[...]
    h0 = h0_ref[...]
    gi = jax.lax.dot_general(xt, wih_ref[...], (((1,), (1,)), ((), ())),
                             preferred_element_type=jnp.float32) + bih_ref[...]
    gh = jax.lax.dot_general(h0, whh_ref[...], (((1,), (1,)), ((), ())),
                             preferred_element_type=jnp.float32) + bhh_ref[...]
    i_r, i_z, i_n = gi[:, :F], gi[:, F:2 * F], gi[:, 2 * F:]
    h_r, h_z, h_n = gh[:, :F], gh[:, F:2 * F], gh[:, 2 * F:]
    r = jax.nn.sigmoid(i_r + h_r)
    z = jax.nn.sigmoid(i_z + h_z)
    n = jnp.tanh(i_n + r * h_n)
    out_ref[...] = (1.0 - z) * n + z * h0


def _gru(x_tilde, h0, W_ih, W_hh, b_ih, b_hh):
    return pl.pallas_call(
        _gru_body,
        out_shape=jax.ShapeDtypeStruct((F, F), jnp.float32),
    )(x_tilde, h0, W_ih, W_hh, b_ih.reshape(1, 3 * F), b_hh.reshape(1, 3 * F))


def _final_body(z0_ref, z1_ref, x_ref, dinv_ref, w_ref, wlin_ref, blin_ref,
                out_ref):
    dinv = dinv_ref[...]
    pre = dinv * (z0_ref[...] + z1_ref[...]) + (dinv * dinv) * x_ref[...]
    h = jnp.dot(pre, w_ref[...], preferred_element_type=jnp.float32)
    h = jnp.maximum(h, 0.0)
    out_ref[...] = jax.lax.dot_general(
        h, wlin_ref[...], (((1,), (1,)), ((), ())),
        preferred_element_type=jnp.float32) + blin_ref[...]


def _final(z0, z1, x, dinv_col, W, W_lin, b_lin):
    R = 2000
    grid = N // R
    return pl.pallas_call(
        _final_body,
        grid=(grid,),
        in_specs=[
            pl.BlockSpec((R, F), lambda i: (i, 0)),
            pl.BlockSpec((R, F), lambda i: (i, 0)),
            pl.BlockSpec((R, F), lambda i: (i, 0)),
            pl.BlockSpec((R, 1), lambda i: (i, 0)),
            pl.BlockSpec((F, F), lambda i: (0, 0)),
            pl.BlockSpec((HID, F), lambda i: (0, 0)),
            pl.BlockSpec((1, HID), lambda i: (0, 0)),
        ],
        out_specs=pl.BlockSpec((R, HID), lambda i: (i, 0)),
        out_shape=jax.ShapeDtypeStruct((N, HID), jnp.float32),
    )(z0, z1, x, dinv_col, W, W_lin, b_lin.reshape(1, HID))


def kernel(x, edge_index, edge_weight, p, W_ih, W_hh, b_ih, b_hh, h0, W_lin, b_lin):
    score = jnp.tanh((x @ p) / jnp.linalg.norm(p))
    vals, perm = jax.lax.top_k(score, F)
    x_tilde = x[perm] * vals[:, None]
    W = _gru(x_tilde, h0, W_ih, W_hh, b_ih, b_hh)
    npad = EPAD - E
    src2 = jnp.concatenate([edge_index[0], jnp.zeros((npad,), jnp.int32)])
    dst2 = jnp.concatenate([edge_index[1], jnp.zeros((npad,), jnp.int32)])
    w2 = jnp.concatenate([edge_weight, jnp.zeros((npad,), jnp.float32)])
    src2d = src2.reshape(ER, EB)
    dst2d = dst2.reshape(ER, EB)
    w2d = w2.reshape(ER, EB)
    deg_parts = _deg_pass(dst2d, w2d)
    dinv = jax.lax.rsqrt(deg_parts[0] + deg_parts[1] + 1.0)[:N]
    y = dinv[:, None] * x
    z_parts = _sc_pass(y, src2d, dst2d, w2d)
    return _final(z_parts[0, :N], z_parts[1, :N], x,
                  dinv.reshape(N, 1), W, W_lin, b_lin)

# --- scband reference (transcript-rebuilt; emitter-appended) ---
"""Pipeline reference for scband-recurrent-gcn-1812476199144 (READ-ONLY COPY).

The authoritative reference and input builder live on the scoring server;
editing this copy changes nothing except your own understanding.
"""

import jax, jax.numpy as jnp
import numpy as np

N = 10000
F = 128
E = 320000
HID = 128


def setup_inputs(seed: int = 0) -> dict:
    key = jax.random.key(seed)
    ks = jax.random.split(key, 12)
    x = jax.random.normal(ks[0], (N, F), dtype=jnp.float32)
    edge_index = jax.random.randint(ks[1], (2, E), 0, N, dtype=jnp.int32)
    edge_weight = jax.random.uniform(ks[2], (E,), dtype=jnp.float32)
    s = 1.0 / np.sqrt(F)
    # TopKPooling projection vector p (torch weight shape [1, F])
    p = jax.random.uniform(ks[3], (F,), minval=-s, maxval=s, dtype=jnp.float32)
    # GRU parameters (input_size=F, hidden_size=F), gate order r,z,n
    W_ih = jax.random.uniform(ks[4], (3 * F, F), minval=-s, maxval=s, dtype=jnp.float32)
    W_hh = jax.random.uniform(ks[5], (3 * F, F), minval=-s, maxval=s, dtype=jnp.float32)
    b_ih = jax.random.uniform(ks[6], (3 * F,), minval=-s, maxval=s, dtype=jnp.float32)
    b_hh = jax.random.uniform(ks[7], (3 * F,), minval=-s, maxval=s, dtype=jnp.float32)
    # EvolveGCNH initial_weight (GRU initial hidden state, acts as evolving GCN weight)
    h0 = jax.random.normal(ks[8], (F, F), dtype=jnp.float32) * 0.1
    # Final linear layer F -> HID
    W_lin = jax.random.uniform(ks[9], (HID, F), minval=-s, maxval=s, dtype=jnp.float32)
    b_lin = jax.random.uniform(ks[10], (HID,), minval=-s, maxval=s, dtype=jnp.float32)
    return dict(x=x, edge_index=edge_index, edge_weight=edge_weight, p=p,
                W_ih=W_ih, W_hh=W_hh, b_ih=b_ih, b_hh=b_hh, h0=h0,
                W_lin=W_lin, b_lin=b_lin)


def reference(x, edge_index, edge_weight, p, W_ih, W_hh, b_ih, b_hh, h0, W_lin, b_lin):
    # ---- TopKPooling (ratio = F/N -> k = F nodes), tanh nonlinearity ----
    score = (x @ p) / jnp.linalg.norm(p)
    score = jnp.tanh(score)
    vals, perm = jax.lax.top_k(score, F)
    x_tilde = x[perm] * vals[:, None]  # [F, F]
    # ---- GRU single step: input X_tilde (batch=F), hidden h0 (batch=F) ----
    gi = x_tilde @ W_ih.T + b_ih
    gh = h0 @ W_hh.T + b_hh
    i_r, i_z, i_n = jnp.split(gi, 3, axis=1)
    h_r, h_z, h_n = jnp.split(gh, 3, axis=1)
    r = jax.nn.sigmoid(i_r + h_r)
    z = jax.nn.sigmoid(i_z + h_z)
    n = jnp.tanh(i_n + r * h_n)
    W = (1.0 - z) * n + z * h0  # evolved GCN weight [F, F]
    # ---- GCNConv with fixed (evolved) W: gcn_norm with self-loops ----
    src, dst = edge_index[0], edge_index[1]
    loop = jnp.arange(N, dtype=src.dtype)
    src2 = jnp.concatenate([src, loop])
    dst2 = jnp.concatenate([dst, loop])
    w2 = jnp.concatenate([edge_weight, jnp.ones((N,), dtype=edge_weight.dtype)])
    deg = jnp.zeros((N,), dtype=x.dtype).at[dst2].add(w2)
    dinv = jnp.where(deg > 0, deg ** -0.5, 0.0)
    norm = dinv[src2] * w2 * dinv[dst2]
    xw = x @ W
    msg = norm[:, None] * xw[src2]
    h = jnp.zeros((N, F), dtype=x.dtype).at[dst2].add(msg)
    # ---- ReLU + Linear ----
    h = jax.nn.relu(h)
    return h @ W_lin.T + b_lin

if __name__ == "__main__":
    import jax
    _d = setup_inputs()
    print(jax.jit(kernel)(*tuple(_d.values())))

</pallas_src>

<mosaic_0001>
#map = affine_map<(d0, d1) -> (0, 0)>
module attributes {stable_mosaic.version = 14 : i64} {
  func.func @_deg_body(%arg0: i32, %arg1: i32, %arg2: memref<5120x64xi32, #tpu.memory_space<hbm>>, %arg3: memref<5120x64xf32, #tpu.memory_space<hbm>>, %arg4: memref<2x10240xf32, #tpu.memory_space<hbm>>, %arg5: memref<10240xf32, #tpu.memory_space<vmem_shared>>, %arg6: memref<16x64xi32, #tpu.memory_space<vmem>>, %arg7: memref<16x64xf32, #tpu.memory_space<vmem>>, %arg8: memref<10240xf32, #tpu.memory_space<vmem>>, %arg9: memref<!tpu.dma_semaphore, #tpu.memory_space<semaphore_mem>>) attributes {dimension_semantics = [#tpu.dimension_semantics<core_parallel>, #tpu.dimension_semantics<subcore_parallel>], iteration_bounds = array<i64: 2, 16>, scalar_prefetch = 0 : i64, scratch_operands = 5 : i64, tpu.core_type = #tpu.core_type<sc_vector_subcore>, window_params = [{transform_indices = #map}, {transform_indices = #map}, {transform_indices = #map}]} {
    %mul3A = arith.constant 640 : i32
    %mul3A_0 = arith.muli %arg1, %mul3A : i32
    %scan3A = arith.constant 0 : i32
    %scan3A_1 = arith.constant 0 : i32
    %scan3A_2 = arith.constant 640 : i32
    %scan3A_3 = arith.addi %scan3A_1, %scan3A_2 : i32
    %scan3A_4 = arith.constant 1 : i32
    %scan3A_5 = scf.for %scan3A_15 = %scan3A_1 to %scan3A_3 step %scan3A_4 iter_args(%scan3A_16 = %scan3A) -> (i32)  : i32 {
      %broadcast_in_dim3A = arith.constant 0.000000e+00 : f32
      %broadcast_in_dim3A_17 = vector.broadcast %broadcast_in_dim3A : f32 to vector<16xf32>
      %mul3A_18 = arith.constant 16 : i32
      %mul3A_19 = arith.muli %scan3A_15, %mul3A_18 : i32
      %swap3A = arith.index_cast %mul3A_19 : i32 to index
      %swap3A_20 = tpu.vector_load %arg8[%swap3A] {strides = array<i32>} : memref<10240xf32, #tpu.memory_space<vmem>>, vector<16xf32>,
      tpu.vector_store %arg8[%swap3A], %broadcast_in_dim3A_17 {strides = array<i32>} : memref<10240xf32, #tpu.memory_space<vmem>>, vector<16xf32>,
      %scan3A_21 = arith.constant 0 : i32
      scf.yield %scan3A_21 : i32
    }
    %scan3A_6 = arith.constant 640 : i32
    "tpu.region"() ({
      %run_scoped3A = tpu.sem_alloc : memref<!tpu.dma_semaphore, #tpu.memory_space<semaphore_mem>>
      %dma_start3A = arith.constant 0 : i32
      %dma_start3A_15 = tpu.memref_slice %arg8[%dma_start3A] : memref<10240xf32, #tpu.memory_space<vmem>> -> memref<640xf32, #tpu.memory_space<vmem>>
      %dma_start3A_16 = tpu.memref_slice %arg5[%mul3A_0] : memref<10240xf32, #tpu.memory_space<vmem_shared>> -> memref<640xf32, #tpu.memory_space<vmem_shared>>
      %dma_start3A_17 = tpu.memref_slice %arg5[%mul3A_0] : memref<10240xf32, #tpu.memory_space<vmem_shared>> -> memref<640xf32, #tpu.memory_space<vmem_shared>>
      %dma_start3A_18 = arith.constant 0 : i32
      %dma_start3A_19 = tpu.memref_slice %arg8[%dma_start3A_18] : memref<10240xf32, #tpu.memory_space<vmem>> -> memref<640xf32, #tpu.memory_space<vmem>>
      tpu.enqueue_dma source(%dma_start3A_19 : memref<640xf32, #tpu.memory_space<vmem>>) target(%dma_start3A_17 : memref<640xf32, #tpu.memory_space<vmem_shared>>) target_semaphore(%run_scoped3A : memref<!tpu.dma_semaphore, #tpu.memory_space<semaphore_mem>>)
      %dma_wait3A = arith.constant 0 : i32
      %dma_wait3A_20 = tpu.memref_slice %arg8[%dma_wait3A] : memref<10240xf32, #tpu.memory_space<vmem>> -> memref<640xf32, #tpu.memory_space<vmem>>
      %dma_wait3A_21 = tpu.memref_slice %arg5[%mul3A_0] : memref<10240xf32, #tpu.memory_space<vmem_shared>> -> memref<640xf32, #tpu.memory_space<vmem_shared>>
      %dma_wait3A_22 = tpu.memref_slice %arg5[%mul3A_0] : memref<10240xf32, #tpu.memory_space<vmem_shared>> -> memref<640xf32, #tpu.memory_space<vmem_shared>>
      %dma_wait3A_23 = arith.constant 0 : i32
      %dma_wait3A_24 = tpu.memref_slice %arg8[%dma_wait3A_23] : memref<10240xf32, #tpu.memory_space<vmem>> -> memref<640xf32, #tpu.memory_space<vmem>>
      tpu.wait_dma2 semaphore(%run_scoped3A : memref<!tpu.dma_semaphore, #tpu.memory_space<semaphore_mem>>) src(%dma_wait3A_24 : memref<640xf32, #tpu.memory_space<vmem>>) dst(%dma_wait3A_22 : memref<640xf32, #tpu.memory_space<vmem_shared>>)
      tpu.yield
    }) : () -> ()
    %barrier3A = arith.constant 0 : index
    tpu.barrier barrier_id(%barrier3A)
    %scan3A_7 = arith.constant 0 : i32
    %scan3A_8 = arith.constant 0 : i32
    %scan3A_9 = arith.constant 10 : i32
    %scan3A_10 = arith.addi %scan3A_8, %scan3A_9 : i32
    %scan3A_11 = arith.constant 1 : i32
    %scan3A_12 = scf.for %scan3A_15 = %scan3A_8 to %scan3A_10 step %scan3A_11 iter_args(%scan3A_16 = %scan3A_7) -> (i32)  : i32 {
      %mul3A_17 = arith.constant 16 : i32
      %mul3A_18 = arith.muli %arg0, %mul3A_17 : i32
      %add3A = arith.addi %mul3A_18, %arg1 : i32
      %mul3A_19 = arith.constant 160 : i32
      %mul3A_20 = arith.muli %add3A, %mul3A_19 : i32
      %mul3A_21 = arith.constant 16 : i32
      %mul3A_22 = arith.muli %scan3A_15, %mul3A_21 : i32
      %add3A_23 = arith.addi %mul3A_20, %mul3A_22 : i32
      %multiple_of3A = tpu.assume_multiple %add3A_23, 16 : i32
      "tpu.region"() ({
        %run_scoped3A = tpu.sem_alloc : memref<!tpu.dma_semaphore, #tpu.memory_space<semaphore_mem>>
        %dma_start3A = arith.constant 0 : i32
        %dma_start3A_39 = tpu.memref_slice %arg2[%multiple_of3A, %dma_start3A] : memref<5120x64xi32, #tpu.memory_space<hbm>> -> memref<16x64xi32, #tpu.memory_space<hbm>>
        %dma_start3A_40 = arith.constant 0 : i32
        %dma_start3A_41 = tpu.memref_slice %arg2[%multiple_of3A, %dma_start3A_40] : memref<5120x64xi32, #tpu.memory_space<hbm>> -> memref<16x64xi32, #tpu.memory_space<hbm>>
        tpu.enqueue_dma source(%dma_start3A_41 : memref<16x64xi32, #tpu.memory_space<hbm>>) target(%arg6 : memref<16x64xi32, #tpu.memory_space<vmem>>) target_semaphore(%run_scoped3A : memref<!tpu.dma_semaphore, #tpu.memory_space<semaphore_mem>>)
        %dma_wait3A = arith.constant 0 : i32
        %dma_wait3A_42 = tpu.memref_slice %arg2[%multiple_of3A, %dma_wait3A] : memref<5120x64xi32, #tpu.memory_space<hbm>> -> memref<16x64xi32, #tpu.memory_space<hbm>>
        %dma_wait3A_43 = arith.constant 0 : i32
        %dma_wait3A_44 = tpu.memref_slice %arg2[%multiple_of3A, %dma_wait3A_43] : memref<5120x64xi32, #tpu.memory_space<hbm>> -> memref<16x64xi32, #tpu.memory_space<hbm>>
        tpu.wait_dma2 semaphore(%run_scoped3A : memref<!tpu.dma_semaphore, #tpu.memory_space<semaphore_mem>>) src(%dma_wait3A_44 : memref<16x64xi32, #tpu.memory_space<hbm>>) dst(%arg6 : memref<16x64xi32, #tpu.memory_space<vmem>>)
        tpu.yield
      }) : () -> ()
      "tpu.region"() ({
        %run_scoped3A = tpu.sem_alloc : memref<!tpu.dma_semaphore, #tpu.memory_space<semaphore_mem>>
        %dma_start3A = arith.constant 0 : i32
        %dma_start3A_39 = tpu.memref_slice %arg3[%multiple_of3A, %dma_start3A] : memref<5120x64xf32, #tpu.memory_space<hbm>> -> memref<16x64xf32, #tpu.memory_space<hbm>>
        %dma_start3A_40 = arith.constant 0 : i32
        %dma_start3A_41 = tpu.memref_slice %arg3[%multiple_of3A, %dma_start3A_40] : memref<5120x64xf32, #tpu.memory_space<hbm>> -> memref<16x64xf32, #tpu.memory_space<hbm>>
        tpu.enqueue_dma source(%dma_start3A_41 : memref<16x64xf32, #tpu.memory_space<hbm>>) target(%arg7 : memref<16x64xf32, #tpu.memory_space<vmem>>) target_semaphore(%run_scoped3A : memref<!tpu.dma_semaphore, #tpu.memory_space<semaphore_mem>>)
        %dma_wait3A = arith.constant 0 : i32
        %dma_wait3A_42 = tpu.memref_slice %arg3[%multiple_of3A, %dma_wait3A] : memref<5120x64xf32, #tpu.memory_space<hbm>> -> memref<16x64xf32, #tpu.memory_space<hbm>>
        %dma_wait3A_43 = arith.constant 0 : i32
        %dma_wait3A_44 = tpu.memref_slice %arg3[%multiple_of3A, %dma_wait3A_43] : memref<5120x64xf32, #tpu.memory_space<hbm>> -> memref<16x64xf32, #tpu.memory_space<hbm>>
        tpu.wait_dma2 semaphore(%run_scoped3A : memref<!tpu.dma_semaphore, #tpu.memory_space<semaphore_mem>>) src(%dma_wait3A_44 : memref<16x64xf32, #tpu.memory_space<hbm>>) dst(%arg7 : memref<16x64xf32, #tpu.memory_space<vmem>>)
        tpu.yield
      }) : () -> ()
      %scan3A_24 = arith.constant 0 : i32
      %scan3A_25 = arith.constant 0 : i32
      %scan3A_26 = arith.constant 16 : i32
      %scan3A_27 = arith.addi %scan3A_25, %scan3A_26 : i32
      %scan3A_28 = arith.constant 1 : i32
      %scan3A_29 = scf.for %scan3A_39 = %scan3A_25 to %scan3A_27 step %scan3A_28 iter_args(%scan3A_40 = %scan3A_24) -> (i32)  : i32 {
        %dma_start3A = arith.constant 0 : i32
        %dma_start3A_41 = tpu.memref_slice %arg7[%scan3A_39, %dma_start3A] : memref<16x64xf32, #tpu.memory_space<vmem>> -> memref<1x64xf32, #tpu.memory_space<vmem>>
        %dma_start3A_42 = tpu.memref_squeeze %dma_start3A_41 : memref<1x64xf32, #tpu.memory_space<vmem>> -> memref<64xf32, #tpu.memory_space<vmem>>
        %dma_start3A_43 = arith.constant 0 : i32
        %dma_start3A_44 = tpu.memref_slice %arg6[%scan3A_39, %dma_start3A_43] : memref<16x64xi32, #tpu.memory_space<vmem>> -> memref<1x64xi32, #tpu.memory_space<vmem>>
        %dma_start3A_45 = tpu.memref_squeeze %dma_start3A_44 : memref<1x64xi32, #tpu.memory_space<vmem>> -> memref<64xi32, #tpu.memory_space<vmem>>
        %dma_start3A_46 = arith.constant 0 : i32
        %dma_start3A_47 = tpu.memref_slice %arg5[%dma_start3A_46] : memref<10240xf32, #tpu.memory_space<vmem_shared>> -> memref<10240xf32, #tpu.memory_space<vmem_shared>>
        tpu.enqueue_indirect_dma source(%dma_start3A_42 : memref<64xf32, #tpu.memory_space<vmem>>) target(%dma_start3A_47 : memref<10240xf32, #tpu.memory_space<vmem_shared>>) offsets(%dma_start3A_45 : memref<64xi32, #tpu.memory_space<vmem>>) semaphore(%arg9 : memref<!tpu.dma_semaphore, #tpu.memory_space<semaphore_mem>>) {add = true}
        %scan3A_48 = arith.constant 0 : i32
        scf.yield %scan3A_48 : i32
      }
      %scan3A_30 = arith.constant 16 : i32
      %scan3A_31 = arith.constant 0 : i32
      %scan3A_32 = arith.constant 0 : i32
      %scan3A_33 = arith.constant 16 : i32
      %scan3A_34 = arith.addi %scan3A_32, %scan3A_33 : i32
      %scan3A_35 = arith.constant 1 : i32
      %scan3A_36 = scf.for %scan3A_39 = %scan3A_32 to %scan3A_34 step %scan3A_35 iter_args(%scan3A_40 = %scan3A_31) -> (i32)  : i32 {
        %dma_wait3A = arith.constant 0 : i32
        %dma_wait3A_41 = tpu.memref_slice %arg7[%scan3A_39, %dma_wait3A] : memref<16x64xf32, #tpu.memory_space<vmem>> -> memref<1x64xf32, #tpu.memory_space<vmem>>
        %dma_wait3A_42 = tpu.memref_squeeze %dma_wait3A_41 : memref<1x64xf32, #tpu.memory_space<vmem>> -> memref<64xf32, #tpu.memory_space<vmem>>
        %dma_wait3A_43 = arith.constant 0 : i32
        %dma_wait3A_44 = tpu.memref_slice %arg6[%scan3A_39, %dma_wait3A_43] : memref<16x64xi32, #tpu.memory_space<vmem>> -> memref<1x64xi32, #tpu.memory_space<vmem>>
        %dma_wait3A_45 = tpu.memref_squeeze %dma_wait3A_44 : memref<1x64xi32, #tpu.memory_space<vmem>> -> memref<64xi32, #tpu.memory_space<vmem>>
        %dma_wait3A_46 = arith.constant 0 : i32
        %dma_wait3A_47 = tpu.memref_slice %arg5[%dma_wait3A_46] : memref<10240xf32, #tpu.memory_space<vmem_shared>> -> memref<10240xf32, #tpu.memory_space<vmem_shared>>
        tpu.wait_indirect_dma semaphore(%arg9 : memref<!tpu.dma_semaphore, #tpu.memory_space<semaphore_mem>>) src(%dma_wait3A_42 : memref<64xf32, #tpu.memory_space<vmem>>) dst(%dma_wait3A_47 : memref<10240xf32, #tpu.memory_space<vmem_shared>>)
        %scan3A_48 = arith.constant 0 : i32
        scf.yield %scan3A_48 : i32
      }
      %scan3A_37 = arith.constant 16 : i32
      %scan3A_38 = arith.constant 0 : i32
      scf.yield %scan3A_38 : i32
    }
    %scan3A_13 = arith.constant 10 : i32
    %barrier3A_14 = arith.constant 0 : index
    tpu.barrier barrier_id(%barrier3A_14)
    "tpu.region"() ({
      %run_scoped3A = tpu.sem_alloc : memref<!tpu.dma_semaphore, #tpu.memory_space<semaphore_mem>>
      %dma_start3A = tpu.memref_slice %arg4[%arg0, %mul3A_0] : memref<2x10240xf32, #tpu.memory_space<hbm>> -> memref<1x640xf32, #tpu.memory_space<hbm>>
      %dma_start3A_15 = tpu.memref_squeeze %dma_start3A : memref<1x640xf32, #tpu.memory_space<hbm>> -> memref<640xf32, #tpu.memory_space<hbm>>
      %dma_start3A_16 = tpu.memref_slice %arg5[%mul3A_0] : memref<10240xf32, #tpu.memory_space<vmem_shared>> -> memref<640xf32, #tpu.memory_space<vmem_shared>>
      tpu.enqueue_dma source(%dma_start3A_16 : memref<640xf32, #tpu.memory_space<vmem_shared>>) target(%dma_start3A_15 : memref<640xf32, #tpu.memory_space<hbm>>) target_semaphore(%run_scoped3A : memref<!tpu.dma_semaphore, #tpu.memory_space<semaphore_mem>>)
      %dma_wait3A = tpu.memref_slice %arg4[%arg0, %mul3A_0] : memref<2x10240xf32, #tpu.memory_space<hbm>> -> memref<1x640xf32, #tpu.memory_space<hbm>>
      %dma_wait3A_17 = tpu.memref_squeeze %dma_wait3A : memref<1x640xf32, #tpu.memory_space<hbm>> -> memref<640xf32, #tpu.memory_space<hbm>>
      %dma_wait3A_18 = tpu.memref_slice %arg5[%mul3A_0] : memref<10240xf32, #tpu.memory_space<vmem_shared>> -> memref<640xf32, #tpu.memory_space<vmem_shared>>
      tpu.wait_dma2 semaphore(%run_scoped3A : memref<!tpu.dma_semaphore, #tpu.memory_space<semaphore_mem>>) src(%dma_wait3A_18 : memref<640xf32, #tpu.memory_space<vmem_shared>>) dst(%dma_wait3A_17 : memref<640xf32, #tpu.memory_space<hbm>>)
      tpu.yield
    }) : () -> ()
    return
  }
}

#map = affine_map<(d0, d1) -> (0, 0)>
#map1 = affine_map<(d0, d1) -> (0, 0, 0)>
module attributes {stable_mosaic.version = 14 : i64} {
  func.func @_sc_body(%arg0: i32, %arg1: i32, %arg2: memref<10000x128xf32, #tpu.memory_space<hbm>>, %arg3: memref<5120x64xi32, #tpu.memory_space<hbm>>, %arg4: memref<5120x64xi32, #tpu.memory_space<hbm>>, %arg5: memref<5120x64xf32, #tpu.memory_space<hbm>>, %arg6: memref<2x10240x128xf32, #tpu.memory_space<hbm>>, %arg7: memref<10240x128xf32, #tpu.memory_space<vmem_shared>>, %arg8: memref<4x64x128xf32, #tpu.memory_space<vmem>>, %arg9: memref<16x64xi32, #tpu.memory_space<vmem>>, %arg10: memref<16x64xi32, #tpu.memory_space<vmem>>, %arg11: memref<16x64xf32, #tpu.memory_space<vmem>>, %arg12: memref<4x!tpu.dma_semaphore, #tpu.memory_space<semaphore_mem>>, %arg13: memref<4x!tpu.dma_semaphore, #tpu.memory_space<semaphore_mem>>) attributes {dimension_semantics = [#tpu.dimension_semantics<core_parallel>, #tpu.dimension_semantics<subcore_parallel>], iteration_bounds = array<i64: 2, 16>, scalar_prefetch = 0 : i64, scratch_operands = 7 : i64, tpu.core_type = #tpu.core_type<sc_vector_subcore>, window_params = [{transform_indices = #map}, {transform_indices = #map}, {transform_indices = #map}, {transform_indices = #map}, {transform_indices = #map1}]} {
    %mul3A = arith.constant 640 : i32
    %mul3A_0 = arith.muli %arg1, %mul3A : i32
    %mul3A_1 = arith.constant 2 : i32
    %mul3A_2 = arith.muli %arg1, %mul3A_1 : i32
    %add3A = arith.addi %mul3A_2, %arg0 : i32
    %mul3A_3 = arith.constant 160 : i32
    %mul3A_4 = arith.muli %add3A, %mul3A_3 : i32
    %multiple_of3A = tpu.assume_multiple %mul3A_4, 8 : i32
    %scan3A = arith.constant 0 : i32
    %scan3A_5 = arith.constant 0 : i32
    %scan3A_6 = arith.constant 512 : i32
    %scan3A_7 = arith.addi %scan3A_5, %scan3A_6 : i32
    %scan3A_8 = arith.constant 1 : i32
    %scan3A_9 = scf.for %scan3A_106 = %scan3A_5 to %scan3A_7 step %scan3A_8 iter_args(%scan3A_107 = %scan3A) -> (i32)  : i32 {
      %broadcast_in_dim3A = arith.constant 0.000000e+00 : f32
      %broadcast_in_dim3A_108 = vector.broadcast %broadcast_in_dim3A : f32 to vector<16xf32>
      %shift_right_arithmetic3A = arith.constant 3 : i32
      %shift_right_arithmetic3A_109 = arith.shrsi %scan3A_106, %shift_right_arithmetic3A : i32
      %and3A = arith.constant 7 : i32
      %and3A_110 = arith.andi %scan3A_106, %and3A : i32
      %mul3A_111 = arith.constant 16 : i32
      %mul3A_112 = arith.muli %and3A_110, %mul3A_111 : i32
      %swap3A = arith.constant 0 : i32
      %swap3A_113 = arith.index_cast %swap3A : i32 to index
      %swap3A_114 = arith.index_cast %shift_right_arithmetic3A_109 : i32 to index
      %swap3A_115 = arith.index_cast %mul3A_112 : i32 to index
      %swap3A_116 = tpu.vector_load %arg8[%swap3A_113, %swap3A_114, %swap3A_115] {strides = array<i32>} : memref<4x64x128xf32, #tpu.memory_space<vmem>>, vector<16xf32>,
      tpu.vector_store %arg8[%swap3A_113, %swap3A_114, %swap3A_115], %broadcast_in_dim3A_108 {strides = array<i32>} : memref<4x64x128xf32, #tpu.memory_space<vmem>>, vector<16xf32>,
      %scan3A_117 = arith.constant 0 : i32
      scf.yield %scan3A_117 : i32
    }
    %scan3A_10 = arith.constant 512 : i32
    %add3A_11 = arith.constant 0 : i32
    %add3A_12 = arith.addi %mul3A_0, %add3A_11 : i32
    %run_scoped3A = arith.constant 0 : i32
    "tpu.region"() ({
      %run_scoped3A_106 = tpu.sem_alloc : memref<!tpu.dma_semaphore, #tpu.memory_space<semaphore_mem>>
      %dma_start3A_107 = arith.constant 0 : i32
      %dma_start3A_108 = arith.constant 0 : i32
      %dma_start3A_109 = tpu.memref_slice %arg8[%run_scoped3A, %dma_start3A_107, %dma_start3A_108] : memref<4x64x128xf32, #tpu.memory_space<vmem>> -> memref<1x64x128xf32, #tpu.memory_space<vmem>>
      %dma_start3A_110 = tpu.memref_squeeze %dma_start3A_109 : memref<1x64x128xf32, #tpu.memory_space<vmem>> -> memref<64x128xf32, #tpu.memory_space<vmem>>
      %dma_start3A_111 = arith.constant 0 : i32
      %dma_start3A_112 = tpu.memref_slice %arg7[%add3A_12, %dma_start3A_111] : memref<10240x128xf32, #tpu.memory_space<vmem_shared>> -> memref<64x128xf32, #tpu.memory_space<vmem_shared>>
      %dma_start3A_113 = arith.constant 0 : i32
      %dma_start3A_114 = tpu.memref_slice %arg7[%add3A_12, %dma_start3A_113] : memref<10240x128xf32, #tpu.memory_space<vmem_shared>> -> memref<64x128xf32, #tpu.memory_space<vmem_shared>>
      %dma_start3A_115 = arith.constant 0 : i32
      %dma_start3A_116 = arith.constant 0 : i32
      %dma_start3A_117 = tpu.memref_slice %arg8[%run_scoped3A, %dma_start3A_115, %dma_start3A_116] : memref<4x64x128xf32, #tpu.memory_space<vmem>> -> memref<1x64x128xf32, #tpu.memory_space<vmem>>
      %dma_start3A_118 = tpu.memref_squeeze %dma_start3A_117 : memref<1x64x128xf32, #tpu.memory_space<vmem>> -> memref<64x128xf32, #tpu.memory_space<vmem>>
      tpu.enqueue_dma source(%dma_start3A_118 : memref<64x128xf32, #tpu.memory_space<vmem>>) target(%dma_start3A_114 : memref<64x128xf32, #tpu.memory_space<vmem_shared>>) target_semaphore(%run_scoped3A_106 : memref<!tpu.dma_semaphore, #tpu.memory_space<semaphore_mem>>)
      %dma_wait3A_119 = arith.constant 0 : i32
      %dma_wait3A_120 = arith.constant 0 : i32
      %dma_wait3A_121 = tpu.memref_slice %arg8[%run_scoped3A, %dma_wait3A_119, %dma_wait3A_120] : memref<4x64x128xf32, #tpu.memory_space<vmem>> -> memref<1x64x128xf32, #tpu.memory_space<vmem>>
      %dma_wait3A_122 = tpu.memref_squeeze %dma_wait3A_121 : memref<1x64x128xf32, #tpu.memory_space<vmem>> -> memref<64x128xf32, #tpu.memory_space<vmem>>
      %dma_wait3A_123 = arith.constant 0 : i32
      %dma_wait3A_124 = tpu.memref_slice %arg7[%add3A_12, %dma_wait3A_123] : memref<10240x128xf32, #tpu.memory_space<vmem_shared>> -> memref<64x128xf32, #tpu.memory_space<vmem_shared>>
      %dma_wait3A_125 = arith.constant 0 : i32
      %dma_wait3A_126 = tpu.memref_slice %arg7[%add3A_12, %dma_wait3A_125] : memref<10240x128xf32, #tpu.memory_space<vmem_shared>> -> memref<64x128xf32, #tpu.memory_space<vmem_shared>>
      %dma_wait3A_127 = arith.constant 0 : i32
      %dma_wait3A_128 = arith.constant 0 : i32
      %dma_wait3A_129 = tpu.memref_slice %arg8[%run_scoped3A, %dma_wait3A_127, %dma_wait3A_128] : memref<4x64x128xf32, #tpu.memory_space<vmem>> -> memref<1x64x128xf32, #tpu.memory_space<vmem>>
      %dma_wait3A_130 = tpu.memref_squeeze %dma_wait3A_129 : memref<1x64x128xf32, #tpu.memory_space<vmem>> -> memref<64x128xf32, #tpu.memory_space<vmem>>
      tpu.wait_dma2 semaphore(%run_scoped3A_106 : memref<!tpu.dma_semaphore, #tpu.memory_space<semaphore_mem>>) src(%dma_wait3A_130 : memref<64x128xf32, #tpu.memory_space<vmem>>) dst(%dma_wait3A_126 : memref<64x128xf32, #tpu.memory_space<vmem_shared>>)
      tpu.yield
    }) : () -> ()
    %add3A_13 = arith.constant 64 : i32
    %add3A_14 = arith.addi %mul3A_0, %add3A_13 : i32
    %run_scoped3A_15 = arith.constant 0 : i32
    "tpu.region"() ({
      %run_scoped3A_106 = tpu.sem_alloc : memref<!tpu.dma_semaphore, #tpu.memory_space<semaphore_mem>>
      %dma_start3A_107 = arith.constant 0 : i32
      %dma_start3A_108 = arith.constant 0 : i32
      %dma_start3A_109 = tpu.memref_slice %arg8[%run_scoped3A_15, %dma_start3A_107, %dma_start3A_108] : memref<4x64x128xf32, #tpu.memory_space<vmem>> -> memref<1x64x128xf32, #tpu.memory_space<vmem>>
      %dma_start3A_110 = tpu.memref_squeeze %dma_start3A_109 : memref<1x64x128xf32, #tpu.memory_space<vmem>> -> memref<64x128xf32, #tpu.memory_space<vmem>>
      %dma_start3A_111 = arith.constant 0 : i32
      %dma_start3A_112 = tpu.memref_slice %arg7[%add3A_14, %dma_start3A_111] : memref<10240x128xf32, #tpu.memory_space<vmem_shared>> -> memref<64x128xf32, #tpu.memory_space<vmem_shared>>
      %dma_start3A_113 = arith.constant 0 : i32
      %dma_start3A_114 = tpu.memref_slice %arg7[%add3A_14, %dma_start3A_113] : memref<10240x128xf32, #tpu.memory_space<vmem_shared>> -> memref<64x128xf32, #tpu.memory_space<vmem_shared>>
      %dma_start3A_115 = arith.constant 0 : i32
      %dma_start3A_116 = arith.constant 0 : i32
      %dma_start3A_117 = tpu.memref_slice %arg8[%run_scoped3A_15, %dma_start3A_115, %dma_start3A_116] : memref<4x64x128xf32, #tpu.memory_space<vmem>> -> memref<1x64x128xf32, #tpu.memory_space<vmem>>
      %dma_start3A_118 = tpu.memref_squeeze %dma_start3A_117 : memref<1x64x128xf32, #tpu.memory_space<vmem>> -> memref<64x128xf32, #tpu.memory_space<vmem>>
      tpu.enqueue_dma source(%dma_start3A_118 : memref<64x128xf32, #tpu.memory_space<vmem>>) target(%dma_start3A_114 : memref<64x128xf32, #tpu.memory_space<vmem_shared>>) target_semaphore(%run_scoped3A_106 : memref<!tpu.dma_semaphore, #tpu.memory_space<semaphore_mem>>)
      %dma_wait3A_119 = arith.constant 0 : i32
      %dma_wait3A_120 = arith.constant 0 : i32
      %dma_wait3A_121 = tpu.memref_slice %arg8[%run_scoped3A_15, %dma_wait3A_119, %dma_wait3A_120] : memref<4x64x128xf32, #tpu.memory_space<vmem>> -> memref<1x64x128xf32, #tpu.memory_space<vmem>>
      %dma_wait3A_122 = tpu.memref_squeeze %dma_wait3A_121 : memref<1x64x128xf32, #tpu.memory_space<vmem>> -> memref<64x128xf32, #tpu.memory_space<vmem>>
      %dma_wait3A_123 = arith.constant 0 : i32
      %dma_wait3A_124 = tpu.memref_slice %arg7[%add3A_14, %dma_wait3A_123] : memref<10240x128xf32, #tpu.memory_space<vmem_shared>> -> memref<64x128xf32, #tpu.memory_space<vmem_shared>>
      %dma_wait3A_125 = arith.constant 0 : i32
      %dma_wait3A_126 = tpu.memref_slice %arg7[%add3A_14, %dma_wait3A_125] : memref<10240x128xf32, #tpu.memory_space<vmem_shared>> -> memref<64x128xf32, #tpu.memory_space<vmem_shared>>
      %dma_wait3A_127 = arith.constant 0 : i32
      %dma_wait3A_128 = arith.constant 0 : i32
      %dma_wait3A_129 = tpu.memref_slice %arg8[%run_scoped3A_15, %dma_wait3A_127, %dma_wait3A_128] : memref<4x64x128xf32, #tpu.memory_space<vmem>> -> memref<1x64x128xf32, #tpu.memory_space<vmem>>
      %dma_wait3A_130 = tpu.memref_squeeze %dma_wait3A_129 : memref<1x64x128xf32, #tpu.memory_space<vmem>> -> memref<64x128xf32, #tpu.memory_space<vmem>>
      tpu.wait_dma2 semaphore(%run_scoped3A_106 : memref<!tpu.dma_semaphore, #tpu.memory_space<semaphore_mem>>) src(%dma_wait3A_130 : memref<64x128xf32, #tpu.memory_space<vmem>>) dst(%dma_wait3A_126 : memref<64x128xf32, #tpu.memory_space<vmem_shared>>)
      tpu.yield
    }) : () -> ()
    %add3A_16 = arith.constant 128 : i32
    %add3A_17 = arith.addi %mul3A_0, %add3A_16 : i32
    %run_scoped3A_18 = arith.constant 0 : i32
    "tpu.region"() ({
      %run_scoped3A_106 = tpu.sem_alloc : memref<!tpu.dma_semaphore, #tpu.memory_space<semaphore_mem>>
      %dma_start3A_107 = arith.constant 0 : i32
      %dma_start3A_108 = arith.constant 0 : i32
      %dma_start3A_109 = tpu.memref_slice %arg8[%run_scoped3A_18, %dma_start3A_107, %dma_start3A_108] : memref<4x64x128xf32, #tpu.memory_space<vmem>> -> memref<1x64x128xf32, #tpu.memory_space<vmem>>
      %dma_start3A_110 = tpu.memref_squeeze %dma_start3A_109 : memref<1x64x128xf32, #tpu.memory_space<vmem>> -> memref<64x128xf32, #tpu.memory_space<vmem>>
      %dma_start3A_111 = arith.constant 0 : i32
      %dma_start3A_112 = tpu.memref_slice %arg7[%add3A_17, %dma_start3A_111] : memref<10240x128xf32, #tpu.memory_space<vmem_shared>> -> memref<64x128xf32, #tpu.memory_space<vmem_shared>>
      %dma_start3A_113 = arith.constant 0 : i32
      %dma_start3A_114 = tpu.memref_slice %arg7[%add3A_17, %dma_start3A_113] : memref<10240x128xf32, #tpu.memory_space<vmem_shared>> -> memref<64x128xf32, #tpu.memory_space<vmem_shared>>
      %dma_start3A_115 = arith.constant 0 : i32
      %dma_start3A_116 = arith.constant 0 : i32
      %dma_start3A_117 = tpu.memref_slice %arg8[%run_scoped3A_18, %dma_start3A_115, %dma_start3A_116] : memref<4x64x128xf32, #tpu.memory_space<vmem>> -> memref<1x64x128xf32, #tpu.memory_space<vmem>>
      %dma_start3A_118 = tpu.memref_squeeze %dma_start3A_117 : memref<1x64x128xf32, #tpu.memory_space<vmem>> -> memref<64x128xf32, #tpu.memory_space<vmem>>
      tpu.enqueue_dma source(%dma_start3A_118 : memref<64x128xf32, #tpu.memory_space<vmem>>) target(%dma_start3A_114 : memref<64x128xf32, #tpu.memory_space<vmem_shared>>) target_semaphore(%run_scoped3A_106 : memref<!tpu.dma_semaphore, #tpu.memory_space<semaphore_mem>>)
      %dma_wait3A_119 = arith.constant 0 : i32
      %dma_wait3A_120 = arith.constant 0 : i32
      %dma_wait3A_121 = tpu.memref_slice %arg8[%run_scoped3A_18, %dma_wait3A_119, %dma_wait3A_120] : memref<4x64x128xf32, #tpu.memory_space<vmem>> -> memref<1x64x128xf32, #tpu.memory_space<vmem>>
      %dma_wait3A_122 = tpu.memref_squeeze %dma_wait3A_121 : memref<1x64x128xf32, #tpu.memory_space<vmem>> -> memref<64x128xf32, #tpu.memory_space<vmem>>
      %dma_wait3A_123 = arith.constant 0 : i32
      %dma_wait3A_124 = tpu.memref_slice %arg7[%add3A_17, %dma_wait3A_123] : memref<10240x128xf32, #tpu.memory_space<vmem_shared>> -> memref<64x128xf32, #tpu.memory_space<vmem_shared>>
      %dma_wait3A_125 = arith.constant 0 : i32
      %dma_wait3A_126 = tpu.memref_slice %arg7[%add3A_17, %dma_wait3A_125] : memref<10240x128xf32, #tpu.memory_space<vmem_shared>> -> memref<64x128xf32, #tpu.memory_space<vmem_shared>>
      %dma_wait3A_127 = arith.constant 0 : i32
      %dma_wait3A_128 = arith.constant 0 : i32
      %dma_wait3A_129 = tpu.memref_slice %arg8[%run_scoped3A_18, %dma_wait3A_127, %dma_wait3A_128] : memref<4x64x128xf32, #tpu.memory_space<vmem>> -> memref<1x64x128xf32, #tpu.memory_space<vmem>>
      %dma_wait3A_130 = tpu.memref_squeeze %dma_wait3A_129 : memref<1x64x128xf32, #tpu.memory_space<vmem>> -> memref<64x128xf32, #tpu.memory_space<vmem>>
      tpu.wait_dma2 semaphore(%run_scoped3A_106 : memref<!tpu.dma_semaphore, #tpu.memory_space<semaphore_mem>>) src(%dma_wait3A_130 : memref<64x128xf32, #tpu.memory_space<vmem>>) dst(%dma_wait3A_126 : memref<64x128xf32, #tpu.memory_space<vmem_shared>>)
      tpu.yield
    }) : () -> ()
    %add3A_19 = arith.constant 192 : i32
    %add3A_20 = arith.addi %mul3A_0, %add3A_19 : i32
    %run_scoped3A_21 = arith.constant 0 : i32
    "tpu.region"() ({
      %run_scoped3A_106 = tpu.sem_alloc : memref<!tpu.dma_semaphore, #tpu.memory_space<semaphore_mem>>
      %dma_start3A_107 = arith.constant 0 : i32
      %dma_start3A_108 = arith.constant 0 : i32
      %dma_start3A_109 = tpu.memref_slice %arg8[%run_scoped3A_21, %dma_start3A_107, %dma_start3A_108] : memref<4x64x128xf32, #tpu.memory_space<vmem>> -> memref<1x64x128xf32, #tpu.memory_space<vmem>>
      %dma_start3A_110 = tpu.memref_squeeze %dma_start3A_109 : memref<1x64x128xf32, #tpu.memory_space<vmem>> -> memref<64x128xf32, #tpu.memory_space<vmem>>
      %dma_start3A_111 = arith.constant 0 : i32
      %dma_start3A_112 = tpu.memref_slice %arg7[%add3A_20, %dma_start3A_111] : memref<10240x128xf32, #tpu.memory_space<vmem_shared>> -> memref<64x128xf32, #tpu.memory_space<vmem_shared>>
      %dma_start3A_113 = arith.constant 0 : i32
      %dma_start3A_114 = tpu.memref_slice %arg7[%add3A_20, %dma_start3A_113] : memref<10240x128xf32, #tpu.memory_space<vmem_shared>> -> memref<64x128xf32, #tpu.memory_space<vmem_shared>>
      %dma_start3A_115 = arith.constant 0 : i32
      %dma_start3A_116 = arith.constant 0 : i32
      %dma_start3A_117 = tpu.memref_slice %arg8[%run_scoped3A_21, %dma_start3A_115, %dma_start3A_116] : memref<4x64x128xf32, #tpu.memory_space<vmem>> -> memref<1x64x128xf32, #tpu.memory_space<vmem>>
      %dma_start3A_118 = tpu.memref_squeeze %dma_start3A_117 : memref<1x64x128xf32, #tpu.memory_space<vmem>> -> memref<64x128xf32, #tpu.memory_space<vmem>>
      tpu.enqueue_dma source(%dma_start3A_118 : memref<64x128xf32, #tpu.memory_space<vmem>>) target(%dma_start3A_114 : memref<64x128xf32, #tpu.memory_space<vmem_shared>>) target_semaphore(%run_scoped3A_106 : memref<!tpu.dma_semaphore, #tpu.memory_space<semaphore_mem>>)
      %dma_wait3A_119 = arith.constant 0 : i32
      %dma_wait3A_120 = arith.constant 0 : i32
      %dma_wait3A_121 = tpu.memref_slice %arg8[%run_scoped3A_21, %dma_wait3A_119, %dma_wait3A_120] : memref<4x64x128xf32, #tpu.memory_space<vmem>> -> memref<1x64x128xf32, #tpu.memory_space<vmem>>
      %dma_wait3A_122 = tpu.memref_squeeze %dma_wait3A_121 : memref<1x64x128xf32, #tpu.memory_space<vmem>> -> memref<64x128xf32, #tpu.memory_space<vmem>>
      %dma_wait3A_123 = arith.constant 0 : i32
      %dma_wait3A_124 = tpu.memref_slice %arg7[%add3A_20, %dma_wait3A_123] : memref<10240x128xf32, #tpu.memory_space<vmem_shared>> -> memref<64x128xf32, #tpu.memory_space<vmem_shared>>
      %dma_wait3A_125 = arith.constant 0 : i32
      %dma_wait3A_126 = tpu.memref_slice %arg7[%add3A_20, %dma_wait3A_125] : memref<10240x128xf32, #tpu.memory_space<vmem_shared>> -> memref<64x128xf32, #tpu.memory_space<vmem_shared>>
      %dma_wait3A_127 = arith.constant 0 : i32
      %dma_wait3A_128 = arith.constant 0 : i32
      %dma_wait3A_129 = tpu.memref_slice %arg8[%run_scoped3A_21, %dma_wait3A_127, %dma_wait3A_128] : memref<4x64x128xf32, #tpu.memory_space<vmem>> -> memref<1x64x128xf32, #tpu.memory_space<vmem>>
      %dma_wait3A_130 = tpu.memref_squeeze %dma_wait3A_129 : memref<1x64x128xf32, #tpu.memory_space<vmem>> -> memref<64x128xf32, #tpu.memory_space<vmem>>
      tpu.wait_dma2 semaphore(%run_scoped3A_106 : memref<!tpu.dma_semaphore, #tpu.memory_space<semaphore_mem>>) src(%dma_wait3A_130 : memref<64x128xf32, #tpu.memory_space<vmem>>) dst(%dma_wait3A_126 : memref<64x128xf32, #tpu.memory_space<vmem_shared>>)
      tpu.yield
    }) : () -> ()
    %add3A_22 = arith.constant 256 : i32
    %add3A_23 = arith.addi %mul3A_0, %add3A_22 : i32
    %run_scoped3A_24 = arith.constant 0 : i32
    "tpu.region"() ({
      %run_scoped3A_106 = tpu.sem_alloc : memref<!tpu.dma_semaphore, #tpu.memory_space<semaphore_mem>>
      %dma_start3A_107 = arith.constant 0 : i32
      %dma_start3A_108 = arith.constant 0 : i32
      %dma_start3A_109 = tpu.memref_slice %arg8[%run_scoped3A_24, %dma_start3A_107, %dma_start3A_108] : memref<4x64x128xf32, #tpu.memory_space<vmem>> -> memref<1x64x128xf32, #tpu.memory_space<vmem>>
      %dma_start3A_110 = tpu.memref_squeeze %dma_start3A_109 : memref<1x64x128xf32, #tpu.memory_space<vmem>> -> memref<64x128xf32, #tpu.memory_space<vmem>>
      %dma_start3A_111 = arith.constant 0 : i32
      %dma_start3A_112 = tpu.memref_slice %arg7[%add3A_23, %dma_start3A_111] : memref<10240x128xf32, #tpu.memory_space<vmem_shared>> -> memref<64x128xf32, #tpu.memory_space<vmem_shared>>
      %dma_start3A_113 = arith.constant 0 : i32
      %dma_start3A_114 = tpu.memref_slice %arg7[%add3A_23, %dma_start3A_113] : memref<10240x128xf32, #tpu.memory_space<vmem_shared>> -> memref<64x128xf32, #tpu.memory_space<vmem_shared>>
      %dma_start3A_115 = arith.constant 0 : i32
      %dma_start3A_116 = arith.constant 0 : i32
      %dma_start3A_117 = tpu.memref_slice %arg8[%run_scoped3A_24, %dma_start3A_115, %dma_start3A_116] : memref<4x64x128xf32, #tpu.memory_space<vmem>> -> memref<1x64x128xf32, #tpu.memory_space<vmem>>
      %dma_start3A_118 = tpu.memref_squeeze %dma_start3A_117 : memref<1x64x128xf32, #tpu.memory_space<vmem>> -> memref<64x128xf32, #tpu.memory_space<vmem>>
      tpu.enqueue_dma source(%dma_start3A_118 : memref<64x128xf32, #tpu.memory_space<vmem>>) target(%dma_start3A_114 : memref<64x128xf32, #tpu.memory_space<vmem_shared>>) target_semaphore(%run_scoped3A_106 : memref<!tpu.dma_semaphore, #tpu.memory_space<semaphore_mem>>)
      %dma_wait3A_119 = arith.constant 0 : i32
      %dma_wait3A_120 = arith.constant 0 : i32
      %dma_wait3A_121 = tpu.memref_slice %arg8[%run_scoped3A_24, %dma_wait3A_119, %dma_wait3A_120] : memref<4x64x128xf32, #tpu.memory_space<vmem>> -> memref<1x64x128xf32, #tpu.memory_space<vmem>>
      %dma_wait3A_122 = tpu.memref_squeeze %dma_wait3A_121 : memref<1x64x128xf32, #tpu.memory_space<vmem>> -> memref<64x128xf32, #tpu.memory_space<vmem>>
      %dma_wait3A_123 = arith.constant 0 : i32
      %dma_wait3A_124 = tpu.memref_slice %arg7[%add3A_23, %dma_wait3A_123] : memref<10240x128xf32, #tpu.memory_space<vmem_shared>> -> memref<64x128xf32, #tpu.memory_space<vmem_shared>>
      %dma_wait3A_125 = arith.constant 0 : i32
      %dma_wait3A_126 = tpu.memref_slice %arg7[%add3A_23, %dma_wait3A_125] : memref<10240x128xf32, #tpu.memory_space<vmem_shared>> -> memref<64x128xf32, #tpu.memory_space<vmem_shared>>
      %dma_wait3A_127 = arith.constant 0 : i32
      %dma_wait3A_128 = arith.constant 0 : i32
      %dma_wait3A_129 = tpu.memref_slice %arg8[%run_scoped3A_24, %dma_wait3A_127, %dma_wait3A_128] : memref<4x64x128xf32, #tpu.memory_space<vmem>> -> memref<1x64x128xf32, #tpu.memory_space<vmem>>
      %dma_wait3A_130 = tpu.memref_squeeze %dma_wait3A_129 : memref<1x64x128xf32, #tpu.memory_space<vmem>> -> memref<64x128xf32, #tpu.memory_space<vmem>>
      tpu.wait_dma2 semaphore(%run_scoped3A_106 : memref<!tpu.dma_semaphore, #tpu.memory_space<semaphore_mem>>) src(%dma_wait3A_130 : memref<64x128xf32, #tpu.memory_space<vmem>>) dst(%dma_wait3A_126 : memref<64x128xf32, #tpu.memory_space<vmem_shared>>)
      tpu.yield
    }) : () -> ()
    %add3A_25 = arith.constant 320 : i32
    %add3A_26 = arith.addi %mul3A_0, %add3A_25 : i32
    %run_scoped3A_27 = arith.constant 0 : i32
    "tpu.region"() ({
      %run_scoped3A_106 = tpu.sem_alloc : memref<!tpu.dma_semaphore, #tpu.memory_space<semaphore_mem>>
      %dma_start3A_107 = arith.constant 0 : i32
      %dma_start3A_108 = arith.constant 0 : i32
      %dma_start3A_109 = tpu.memref_slice %arg8[%run_scoped3A_27, %dma_start3A_107, %dma_start3A_108] : memref<4x64x128xf32, #tpu.memory_space<vmem>> -> memref<1x64x128xf32, #tpu.memory_space<vmem>>
      %dma_start3A_110 = tpu.memref_squeeze %dma_start3A_109 : memref<1x64x128xf32, #tpu.memory_space<vmem>> -> memref<64x128xf32, #tpu.memory_space<vmem>>
      %dma_start3A_111 = arith.constant 0 : i32
      %dma_start3A_112 = tpu.memref_slice %arg7[%add3A_26, %dma_start3A_111] : memref<10240x128xf32, #tpu.memory_space<vmem_shared>> -> memref<64x128xf32, #tpu.memory_space<vmem_shared>>
      %dma_start3A_113 = arith.constant 0 : i32
      %dma_start3A_114 = tpu.memref_slice %arg7[%add3A_26, %dma_start3A_113] : memref<10240x128xf32, #tpu.memory_space<vmem_shared>> -> memref<64x128xf32, #tpu.memory_space<vmem_shared>>
      %dma_start3A_115 = arith.constant 0 : i32
      %dma_start3A_116 = arith.constant 0 : i32
      %dma_start3A_117 = tpu.memref_slice %arg8[%run_scoped3A_27, %dma_start3A_115, %dma_start3A_116] : memref<4x64x128xf32, #tpu.memory_space<vmem>> -> memref<1x64x128xf32, #tpu.memory_space<vmem>>
      %dma_start3A_118 = tpu.memref_squeeze %dma_start3A_117 : memref<1x64x128xf32, #tpu.memory_space<vmem>> -> memref<64x128xf32, #tpu.memory_space<vmem>>
      tpu.enqueue_dma source(%dma_start3A_118 : memref<64x128xf32, #tpu.memory_space<vmem>>) target(%dma_start3A_114 : memref<64x128xf32, #tpu.memory_space<vmem_shared>>) target_semaphore(%run_scoped3A_106 : memref<!tpu.dma_semaphore, #tpu.memory_space<semaphore_mem>>)
      %dma_wait3A_119 = arith.constant 0 : i32
      %dma_wait3A_120 = arith.constant 0 : i32
      %dma_wait3A_121 = tpu.memref_slice %arg8[%run_scoped3A_27, %dma_wait3A_119, %dma_wait3A_120] : memref<4x64x128xf32, #tpu.memory_space<vmem>> -> memref<1x64x128xf32, #tpu.memory_space<vmem>>
      %dma_wait3A_122 = tpu.memref_squeeze %dma_wait3A_121 : memref<1x64x128xf32, #tpu.memory_space<vmem>> -> memref<64x128xf32, #tpu.memory_space<vmem>>
      %dma_wait3A_123 = arith.constant 0 : i32
      %dma_wait3A_124 = tpu.memref_slice %arg7[%add3A_26, %dma_wait3A_123] : memref<10240x128xf32, #tpu.memory_space<vmem_shared>> -> memref<64x128xf32, #tpu.memory_space<vmem_shared>>
      %dma_wait3A_125 = arith.constant 0 : i32
      %dma_wait3A_126 = tpu.memref_slice %arg7[%add3A_26, %dma_wait3A_125] : memref<10240x128xf32, #tpu.memory_space<vmem_shared>> -> memref<64x128xf32, #tpu.memory_space<vmem_shared>>
      %dma_wait3A_127 = arith.constant 0 : i32
      %dma_wait3A_128 = arith.constant 0 : i32
      %dma_wait3A_129 = tpu.memref_slice %arg8[%run_scoped3A_27, %dma_wait3A_127, %dma_wait3A_128] : memref<4x64x128xf32, #tpu.memory_space<vmem>> -> memref<1x64x128xf32, #tpu.memory_space<vmem>>
      %dma_wait3A_130 = tpu.memref_squeeze %dma_wait3A_129 : memref<1x64x128xf32, #tpu.memory_space<vmem>> -> memref<64x128xf32, #tpu.memory_space<vmem>>
      tpu.wait_dma2 semaphore(%run_scoped3A_106 : memref<!tpu.dma_semaphore, #tpu.memory_space<semaphore_mem>>) src(%dma_wait3A_130 : memref<64x128xf32, #tpu.memory_space<vmem>>) dst(%dma_wait3A_126 : memref<64x128xf32, #tpu.memory_space<vmem_shared>>)
      tpu.yield
    }) : () -> ()
    %add3A_28 = arith.constant 384 : i32
    %add3A_29 = arith.addi %mul3A_0, %add3A_28 : i32
    %run_scoped3A_30 = arith.constant 0 : i32
    "tpu.region"() ({
      %run_scoped3A_106 = tpu.sem_alloc : memref<!tpu.dma_semaphore, #tpu.memory_space<semaphore_mem>>
      %dma_start3A_107 = arith.constant 0 : i32
      %dma_start3A_108 = arith.constant 0 : i32
      %dma_start3A_109 = tpu.memref_slice %arg8[%run_scoped3A_30, %dma_start3A_107, %dma_start3A_108] : memref<4x64x128xf32, #tpu.memory_space<vmem>> -> memref<1x64x128xf32, #tpu.memory_space<vmem>>
      %dma_start3A_110 = tpu.memref_squeeze %dma_start3A_109 : memref<1x64x128xf32, #tpu.memory_space<vmem>> -> memref<64x128xf32, #tpu.memory_space<vmem>>
      %dma_start3A_111 = arith.constant 0 : i32
      %dma_start3A_112 = tpu.memref_slice %arg7[%add3A_29, %dma_start3A_111] : memref<10240x128xf32, #tpu.memory_space<vmem_shared>> -> memref<64x128xf32, #tpu.memory_space<vmem_shared>>
      %dma_start3A_113 = arith.constant 0 : i32
      %dma_start3A_114 = tpu.memref_slice %arg7[%add3A_29, %dma_start3A_113] : memref<10240x128xf32, #tpu.memory_space<vmem_shared>> -> memref<64x128xf32, #tpu.memory_space<vmem_shared>>
      %dma_start3A_115 = arith.constant 0 : i32
      %dma_start3A_116 = arith.constant 0 : i32
      %dma_start3A_117 = tpu.memref_slice %arg8[%run_scoped3A_30, %dma_start3A_115, %dma_start3A_116] : memref<4x64x128xf32, #tpu.memory_space<vmem>> -> memref<1x64x128xf32, #tpu.memory_space<vmem>>
      %dma_start3A_118 = tpu.memref_squeeze %dma_start3A_117 : memref<1x64x128xf32, #tpu.memory_space<vmem>> -> memref<64x128xf32, #tpu.memory_space<vmem>>
      tpu.enqueue_dma source(%dma_start3A_118 : memref<64x128xf32, #tpu.memory_space<vmem>>) target(%dma_start3A_114 : memref<64x128xf32, #tpu.memory_space<vmem_shared>>) target_semaphore(%run_scoped3A_106 : memref<!tpu.dma_semaphore, #tpu.memory_space<semaphore_mem>>)
      %dma_wait3A_119 = arith.constant 0 : i32
      %dma_wait3A_120 = arith.constant 0 : i32
      %dma_wait3A_121 = tpu.memref_slice %arg8[%run_scoped3A_30, %dma_wait3A_119, %dma_wait3A_120] : memref<4x64x128xf32, #tpu.memory_space<vmem>> -> memref<1x64x128xf32, #tpu.memory_space<vmem>>
      %dma_wait3A_122 = tpu.memref_squeeze %dma_wait3A_121 : memref<1x64x128xf32, #tpu.memory_space<vmem>> -> memref<64x128xf32, #tpu.memory_space<vmem>>
      %dma_wait3A_123 = arith.constant 0 : i32
      %dma_wait3A_124 = tpu.memref_slice %arg7[%add3A_29, %dma_wait3A_123] : memref<10240x128xf32, #tpu.memory_space<vmem_shared>> -> memref<64x128xf32, #tpu.memory_space<vmem_shared>>
      %dma_wait3A_125 = arith.constant 0 : i32
      %dma_wait3A_126 = tpu.memref_slice %arg7[%add3A_29, %dma_wait3A_125] : memref<10240x128xf32, #tpu.memory_space<vmem_shared>> -> memref<64x128xf32, #tpu.memory_space<vmem_shared>>
      %dma_wait3A_127 = arith.constant 0 : i32
      %dma_wait3A_128 = arith.constant 0 : i32
      %dma_wait3A_129 = tpu.memref_slice %arg8[%run_scoped3A_30, %dma_wait3A_127, %dma_wait3A_128] : memref<4x64x128xf32, #tpu.memory_space<vmem>> -> memref<1x64x128xf32, #tpu.memory_space<vmem>>
      %dma_wait3A_130 = tpu.memref_squeeze %dma_wait3A_129 : memref<1x64x128xf32, #tpu.memory_space<vmem>> -> memref<64x128xf32, #tpu.memory_space<vmem>>
      tpu.wait_dma2 semaphore(%run_scoped3A_106 : memref<!tpu.dma_semaphore, #tpu.memory_space<semaphore_mem>>) src(%dma_wait3A_130 : memref<64x128xf32, #tpu.memory_space<vmem>>) dst(%dma_wait3A_126 : memref<64x128xf32, #tpu.memory_space<vmem_shared>>)
      tpu.yield
    }) : () -> ()
    %add3A_31 = arith.constant 448 : i32
    %add3A_32 = arith.addi %mul3A_0, %add3A_31 : i32
    %run_scoped3A_33 = arith.constant 0 : i32
    "tpu.region"() ({
      %run_scoped3A_106 = tpu.sem_alloc : memref<!tpu.dma_semaphore, #tpu.memory_space<semaphore_mem>>
      %dma_start3A_107 = arith.constant 0 : i32
      %dma_start3A_108 = arith.constant 0 : i32
      %dma_start3A_109 = tpu.memref_slice %arg8[%run_scoped3A_33, %dma_start3A_107, %dma_start3A_108] : memref<4x64x128xf32, #tpu.memory_space<vmem>> -> memref<1x64x128xf32, #tpu.memory_space<vmem>>
      %dma_start3A_110 = tpu.memref_squeeze %dma_start3A_109 : memref<1x64x128xf32, #tpu.memory_space<vmem>> -> memref<64x128xf32, #tpu.memory_space<vmem>>
      %dma_start3A_111 = arith.constant 0 : i32
      %dma_start3A_112 = tpu.memref_slice %arg7[%add3A_32, %dma_start3A_111] : memref<10240x128xf32, #tpu.memory_space<vmem_shared>> -> memref<64x128xf32, #tpu.memory_space<vmem_shared>>
      %dma_start3A_113 = arith.constant 0 : i32
      %dma_start3A_114 = tpu.memref_slice %arg7[%add3A_32, %dma_start3A_113] : memref<10240x128xf32, #tpu.memory_space<vmem_shared>> -> memref<64x128xf32, #tpu.memory_space<vmem_shared>>
      %dma_start3A_115 = arith.constant 0 : i32
      %dma_start3A_116 = arith.constant 0 : i32
      %dma_start3A_117 = tpu.memref_slice %arg8[%run_scoped3A_33, %dma_start3A_115, %dma_start3A_116] : memref<4x64x128xf32, #tpu.memory_space<vmem>> -> memref<1x64x128xf32, #tpu.memory_space<vmem>>
      %dma_start3A_118 = tpu.memref_squeeze %dma_start3A_117 : memref<1x64x128xf32, #tpu.memory_space<vmem>> -> memref<64x128xf32, #tpu.memory_space<vmem>>
      tpu.enqueue_dma source(%dma_start3A_118 : memref<64x128xf32, #tpu.memory_space<vmem>>) target(%dma_start3A_114 : memref<64x128xf32, #tpu.memory_space<vmem_shared>>) target_semaphore(%run_scoped3A_106 : memref<!tpu.dma_semaphore, #tpu.memory_space<semaphore_mem>>)
      %dma_wait3A_119 = arith.constant 0 : i32
      %dma_wait3A_120 = arith.constant 0 : i32
      %dma_wait3A_121 = tpu.memref_slice %arg8[%run_scoped3A_33, %dma_wait3A_119, %dma_wait3A_120] : memref<4x64x128xf32, #tpu.memory_space<vmem>> -> memref<1x64x128xf32, #tpu.memory_space<vmem>>
      %dma_wait3A_122 = tpu.memref_squeeze %dma_wait3A_121 : memref<1x64x128xf32, #tpu.memory_space<vmem>> -> memref<64x128xf32, #tpu.memory_space<vmem>>
      %dma_wait3A_123 = arith.constant 0 : i32
      %dma_wait3A_124 = tpu.memref_slice %arg7[%add3A_32, %dma_wait3A_123] : memref<10240x128xf32, #tpu.memory_space<vmem_shared>> -> memref<64x128xf32, #tpu.memory_space<vmem_shared>>
      %dma_wait3A_125 = arith.constant 0 : i32
      %dma_wait3A_126 = tpu.memref_slice %arg7[%add3A_32, %dma_wait3A_125] : memref<10240x128xf32, #tpu.memory_space<vmem_shared>> -> memref<64x128xf32, #tpu.memory_space<vmem_shared>>
      %dma_wait3A_127 = arith.constant 0 : i32
      %dma_wait3A_128 = arith.constant 0 : i32
      %dma_wait3A_129 = tpu.memref_slice %arg8[%run_scoped3A_33, %dma_wait3A_127, %dma_wait3A_128] : memref<4x64x128xf32, #tpu.memory_space<vmem>> -> memref<1x64x128xf32, #tpu.memory_space<vmem>>
      %dma_wait3A_130 = tpu.memref_squeeze %dma_wait3A_129 : memref<1x64x128xf32, #tpu.memory_space<vmem>> -> memref<64x128xf32, #tpu.memory_space<vmem>>
      tpu.wait_dma2 semaphore(%run_scoped3A_106 : memref<!tpu.dma_semaphore, #tpu.memory_space<semaphore_mem>>) src(%dma_wait3A_130 : memref<64x128xf32, #tpu.memory_space<vmem>>) dst(%dma_wait3A_126 : memref<64x128xf32, #tpu.memory_space<vmem_shared>>)
      tpu.yield
    }) : () -> ()
    %add3A_34 = arith.constant 512 : i32
    %add3A_35 = arith.addi %mul3A_0, %add3A_34 : i32
    %run_scoped3A_36 = arith.constant 0 : i32
    "tpu.region"() ({
      %run_scoped3A_106 = tpu.sem_alloc : memref<!tpu.dma_semaphore, #tpu.memory_space<semaphore_mem>>
      %dma_start3A_107 = arith.constant 0 : i32
      %dma_start3A_108 = arith.constant 0 : i32
      %dma_start3A_109 = tpu.memref_slice %arg8[%run_scoped3A_36, %dma_start3A_107, %dma_start3A_108] : memref<4x64x128xf32, #tpu.memory_space<vmem>> -> memref<1x64x128xf32, #tpu.memory_space<vmem>>
      %dma_start3A_110 = tpu.memref_squeeze %dma_start3A_109 : memref<1x64x128xf32, #tpu.memory_space<vmem>> -> memref<64x128xf32, #tpu.memory_space<vmem>>
      %dma_start3A_111 = arith.constant 0 : i32
      %dma_start3A_112 = tpu.memref_slice %arg7[%add3A_35, %dma_start3A_111] : memref<10240x128xf32, #tpu.memory_space<vmem_shared>> -> memref<64x128xf32, #tpu.memory_space<vmem_shared>>
      %dma_start3A_113 = arith.constant 0 : i32
      %dma_start3A_114 = tpu.memref_slice %arg7[%add3A_35, %dma_start3A_113] : memref<10240x128xf32, #tpu.memory_space<vmem_shared>> -> memref<64x128xf32, #tpu.memory_space<vmem_shared>>
      %dma_start3A_115 = arith.constant 0 : i32
      %dma_start3A_116 = arith.constant 0 : i32
      %dma_start3A_117 = tpu.memref_slice %arg8[%run_scoped3A_36, %dma_start3A_115, %dma_start3A_116] : memref<4x64x128xf32, #tpu.memory_space<vmem>> -> memref<1x64x128xf32, #tpu.memory_space<vmem>>
      %dma_start3A_118 = tpu.memref_squeeze %dma_start3A_117 : memref<1x64x128xf32, #tpu.memory_space<vmem>> -> memref<64x128xf32, #tpu.memory_space<vmem>>
      tpu.enqueue_dma source(%dma_start3A_118 : memref<64x128xf32, #tpu.memory_space<vmem>>) target(%dma_start3A_114 : memref<64x128xf32, #tpu.memory_space<vmem_shared>>) target_semaphore(%run_scoped3A_106 : memref<!tpu.dma_semaphore, #tpu.memory_space<semaphore_mem>>)
      %dma_wait3A_119 = arith.constant 0 : i32
      %dma_wait3A_120 = arith.constant 0 : i32
      %dma_wait3A_121 = tpu.memref_slice %arg8[%run_scoped3A_36, %dma_wait3A_119, %dma_wait3A_120] : memref<4x64x128xf32, #tpu.memory_space<vmem>> -> memref<1x64x128xf32, #tpu.memory_space<vmem>>
      %dma_wait3A_122 = tpu.memref_squeeze %dma_wait3A_121 : memref<1x64x128xf32, #tpu.memory_space<vmem>> -> memref<64x128xf32, #tpu.memory_space<vmem>>
      %dma_wait3A_123 = arith.constant 0 : i32
      %dma_wait3A_124 = tpu.memref_slice %arg7[%add3A_35, %dma_wait3A_123] : memref<10240x128xf32, #tpu.memory_space<vmem_shared>> -> memref<64x128xf32, #tpu.memory_space<vmem_shared>>
      %dma_wait3A_125 = arith.constant 0 : i32
      %dma_wait3A_126 = tpu.memref_slice %arg7[%add3A_35, %dma_wait3A_125] : memref<10240x128xf32, #tpu.memory_space<vmem_shared>> -> memref<64x128xf32, #tpu.memory_space<vmem_shared>>
      %dma_wait3A_127 = arith.constant 0 : i32
      %dma_wait3A_128 = arith.constant 0 : i32
      %dma_wait3A_129 = tpu.memref_slice %arg8[%run_scoped3A_36, %dma_wait3A_127, %dma_wait3A_128] : memref<4x64x128xf32, #tpu.memory_space<vmem>> -> memref<1x64x128xf32, #tpu.memory_space<vmem>>
      %dma_wait3A_130 = tpu.memref_squeeze %dma_wait3A_129 : memref<1x64x128xf32, #tpu.memory_space<vmem>> -> memref<64x128xf32, #tpu.memory_space<vmem>>
      tpu.wait_dma2 semaphore(%run_scoped3A_106 : memref<!tpu.dma_semaphore, #tpu.memory_space<semaphore_mem>>) src(%dma_wait3A_130 : memref<64x128xf32, #tpu.memory_space<vmem>>) dst(%dma_wait3A_126 : memref<64x128xf32, #tpu.memory_space<vmem_shared>>)
      tpu.yield
    }) : () -> ()
    %add3A_37 = arith.constant 576 : i32
    %add3A_38 = arith.addi %mul3A_0, %add3A_37 : i32
    %run_scoped3A_39 = arith.constant 0 : i32
    "tpu.region"() ({
      %run_scoped3A_106 = tpu.sem_alloc : memref<!tpu.dma_semaphore, #tpu.memory_space<semaphore_mem>>
      %dma_start3A_107 = arith.constant 0 : i32
      %dma_start3A_108 = arith.constant 0 : i32
      %dma_start3A_109 = tpu.memref_slice %arg8[%run_scoped3A_39, %dma_start3A_107, %dma_start3A_108] : memref<4x64x128xf32, #tpu.memory_space<vmem>> -> memref<1x64x128xf32, #tpu.memory_space<vmem>>
      %dma_start3A_110 = tpu.memref_squeeze %dma_start3A_109 : memref<1x64x128xf32, #tpu.memory_space<vmem>> -> memref<64x128xf32, #tpu.memory_space<vmem>>
      %dma_start3A_111 = arith.constant 0 : i32
      %dma_start3A_112 = tpu.memref_slice %arg7[%add3A_38, %dma_start3A_111] : memref<10240x128xf32, #tpu.memory_space<vmem_shared>> -> memref<64x128xf32, #tpu.memory_space<vmem_shared>>
      %dma_start3A_113 = arith.constant 0 : i32
      %dma_start3A_114 = tpu.memref_slice %arg7[%add3A_38, %dma_start3A_113] : memref<10240x128xf32, #tpu.memory_space<vmem_shared>> -> memref<64x128xf32, #tpu.memory_space<vmem_shared>>
      %dma_start3A_115 = arith.constant 0 : i32
      %dma_start3A_116 = arith.constant 0 : i32
      %dma_start3A_117 = tpu.memref_slice %arg8[%run_scoped3A_39, %dma_start3A_115, %dma_start3A_116] : memref<4x64x128xf32, #tpu.memory_space<vmem>> -> memref<1x64x128xf32, #tpu.memory_space<vmem>>
      %dma_start3A_118 = tpu.memref_squeeze %dma_start3A_117 : memref<1x64x128xf32, #tpu.memory_space<vmem>> -> memref<64x128xf32, #tpu.memory_space<vmem>>
      tpu.enqueue_dma source(%dma_start3A_118 : memref<64x128xf32, #tpu.memory_space<vmem>>) target(%dma_start3A_114 : memref<64x128xf32, #tpu.memory_space<vmem_shared>>) target_semaphore(%run_scoped3A_106 : memref<!tpu.dma_semaphore, #tpu.memory_space<semaphore_mem>>)
      %dma_wait3A_119 = arith.constant 0 : i32
      %dma_wait3A_120 = arith.constant 0 : i32
      %dma_wait3A_121 = tpu.memref_slice %arg8[%run_scoped3A_39, %dma_wait3A_119, %dma_wait3A_120] : memref<4x64x128xf32, #tpu.memory_space<vmem>> -> memref<1x64x128xf32, #tpu.memory_space<vmem>>
      %dma_wait3A_122 = tpu.memref_squeeze %dma_wait3A_121 : memref<1x64x128xf32, #tpu.memory_space<vmem>> -> memref<64x128xf32, #tpu.memory_space<vmem>>
      %dma_wait3A_123 = arith.constant 0 : i32
      %dma_wait3A_124 = tpu.memref_slice %arg7[%add3A_38, %dma_wait3A_123] : memref<10240x128xf32, #tpu.memory_space<vmem_shared>> -> memref<64x128xf32, #tpu.memory_space<vmem_shared>>
      %dma_wait3A_125 = arith.constant 0 : i32
      %dma_wait3A_126 = tpu.memref_slice %arg7[%add3A_38, %dma_wait3A_125] : memref<10240x128xf32, #tpu.memory_space<vmem_shared>> -> memref<64x128xf32, #tpu.memory_space<vmem_shared>>
      %dma_wait3A_127 = arith.constant 0 : i32
      %dma_wait3A_128 = arith.constant 0 : i32
      %dma_wait3A_129 = tpu.memref_slice %arg8[%run_scoped3A_39, %dma_wait3A_127, %dma_wait3A_128] : memref<4x64x128xf32, #tpu.memory_space<vmem>> -> memref<1x64x128xf32, #tpu.memory_space<vmem>>
      %dma_wait3A_130 = tpu.memref_squeeze %dma_wait3A_129 : memref<1x64x128xf32, #tpu.memory_space<vmem>> -> memref<64x128xf32, #tpu.memory_space<vmem>>
      tpu.wait_dma2 semaphore(%run_scoped3A_106 : memref<!tpu.dma_semaphore, #tpu.memory_space<semaphore_mem>>) src(%dma_wait3A_130 : memref<64x128xf32, #tpu.memory_space<vmem>>) dst(%dma_wait3A_126 : memref<64x128xf32, #tpu.memory_space<vmem_shared>>)
      tpu.yield
    }) : () -> ()
    %barrier3A = arith.constant 0 : index
    tpu.barrier barrier_id(%barrier3A)
    "tpu.region"() ({
      %run_scoped3A_106 = tpu.sem_alloc : memref<!tpu.dma_semaphore, #tpu.memory_space<semaphore_mem>>
      %dma_start3A_107 = arith.constant 0 : i32
      %dma_start3A_108 = tpu.memref_slice %arg3[%multiple_of3A, %dma_start3A_107] : memref<5120x64xi32, #tpu.memory_space<hbm>> -> memref<16x64xi32, #tpu.memory_space<hbm>>
      %dma_start3A_109 = arith.constant 0 : i32
      %dma_start3A_110 = tpu.memref_slice %arg3[%multiple_of3A, %dma_start3A_109] : memref<5120x64xi32, #tpu.memory_space<hbm>> -> memref<16x64xi32, #tpu.memory_space<hbm>>
      tpu.enqueue_dma source(%dma_start3A_110 : memref<16x64xi32, #tpu.memory_space<hbm>>) target(%arg9 : memref<16x64xi32, #tpu.memory_space<vmem>>) target_semaphore(%run_scoped3A_106 : memref<!tpu.dma_semaphore, #tpu.memory_space<semaphore_mem>>)
      %dma_wait3A_111 = arith.constant 0 : i32
      %dma_wait3A_112 = tpu.memref_slice %arg3[%multiple_of3A, %dma_wait3A_111] : memref<5120x64xi32, #tpu.memory_space<hbm>> -> memref<16x64xi32, #tpu.memory_space<hbm>>
      %dma_wait3A_113 = arith.constant 0 : i32
      %dma_wait3A_114 = tpu.memref_slice %arg3[%multiple_of3A, %dma_wait3A_113] : memref<5120x64xi32, #tpu.memory_space<hbm>> -> memref<16x64xi32, #tpu.memory_space<hbm>>
      tpu.wait_dma2 semaphore(%run_scoped3A_106 : memref<!tpu.dma_semaphore, #tpu.memory_space<semaphore_mem>>) src(%dma_wait3A_114 : memref<16x64xi32, #tpu.memory_space<hbm>>) dst(%arg9 : memref<16x64xi32, #tpu.memory_space<vmem>>)
      tpu.yield
    }) : () -> ()
    "tpu.region"() ({
      %run_scoped3A_106 = tpu.sem_alloc : memref<!tpu.dma_semaphore, #tpu.memory_space<semaphore_mem>>
      %dma_start3A_107 = arith.constant 0 : i32
      %dma_start3A_108 = tpu.memref_slice %arg4[%multiple_of3A, %dma_start3A_107] : memref<5120x64xi32, #tpu.memory_space<hbm>> -> memref<16x64xi32, #tpu.memory_space<hbm>>
      %dma_start3A_109 = arith.constant 0 : i32
      %dma_start3A_110 = tpu.memref_slice %arg4[%multiple_of3A, %dma_start3A_109] : memref<5120x64xi32, #tpu.memory_space<hbm>> -> memref<16x64xi32, #tpu.memory_space<hbm>>
      tpu.enqueue_dma source(%dma_start3A_110 : memref<16x64xi32, #tpu.memory_space<hbm>>) target(%arg10 : memref<16x64xi32, #tpu.memory_space<vmem>>) target_semaphore(%run_scoped3A_106 : memref<!tpu.dma_semaphore, #tpu.memory_space<semaphore_mem>>)
      %dma_wait3A_111 = arith.constant 0 : i32
      %dma_wait3A_112 = tpu.memref_slice %arg4[%multiple_of3A, %dma_wait3A_111] : memref<5120x64xi32, #tpu.memory_space<hbm>> -> memref<16x64xi32, #tpu.memory_space<hbm>>
      %dma_wait3A_113 = arith.constant 0 : i32
      %dma_wait3A_114 = tpu.memref_slice %arg4[%multiple_of3A, %dma_wait3A_113] : memref<5120x64xi32, #tpu.memory_space<hbm>> -> memref<16x64xi32, #tpu.memory_space<hbm>>
      tpu.wait_dma2 semaphore(%run_scoped3A_106 : memref<!tpu.dma_semaphore, #tpu.memory_space<semaphore_mem>>) src(%dma_wait3A_114 : memref<16x64xi32, #tpu.memory_space<hbm>>) dst(%arg10 : memref<16x64xi32, #tpu.memory_space<vmem>>)
      tpu.yield
    }) : () -> ()
    "tpu.region"() ({
      %run_scoped3A_106 = tpu.sem_alloc : memref<!tpu.dma_semaphore, #tpu.memory_space<semaphore_mem>>
      %dma_start3A_107 = arith.constant 0 : i32
      %dma_start3A_108 = tpu.memref_slice %arg5[%multiple_of3A, %dma_start3A_107] : memref<5120x64xf32, #tpu.memory_space<hbm>> -> memref<16x64xf32, #tpu.memory_space<hbm>>
      %dma_start3A_109 = arith.constant 0 : i32
      %dma_start3A_110 = tpu.memref_slice %arg5[%multiple_of3A, %dma_start3A_109] : memref<5120x64xf32, #tpu.memory_space<hbm>> -> memref<16x64xf32, #tpu.memory_space<hbm>>
      tpu.enqueue_dma source(%dma_start3A_110 : memref<16x64xf32, #tpu.memory_space<hbm>>) target(%arg11 : memref<16x64xf32, #tpu.memory_space<vmem>>) target_semaphore(%run_scoped3A_106 : memref<!tpu.dma_semaphore, #tpu.memory_space<semaphore_mem>>)
      %dma_wait3A_111 = arith.constant 0 : i32
      %dma_wait3A_112 = tpu.memref_slice %arg5[%multiple_of3A, %dma_wait3A_111] : memref<5120x64xf32, #tpu.memory_space<hbm>> -> memref<16x64xf32, #tpu.memory_space<hbm>>
      %dma_wait3A_113 = arith.constant 0 : i32
      %dma_wait3A_114 = tpu.memref_slice %arg5[%multiple_of3A, %dma_wait3A_113] : memref<5120x64xf32, #tpu.memory_space<hbm>> -> memref<16x64xf32, #tpu.memory_space<hbm>>
      tpu.wait_dma2 semaphore(%run_scoped3A_106 : memref<!tpu.dma_semaphore, #tpu.memory_space<semaphore_mem>>) src(%dma_wait3A_114 : memref<16x64xf32, #tpu.memory_space<hbm>>) dst(%arg11 : memref<16x64xf32, #tpu.memory_space<vmem>>)
      tpu.yield
    }) : () -> ()
    %dma_start3A = arith.constant 0 : i32
    %dma_start3A_40 = arith.constant 0 : i32
    %dma_start3A_41 = arith.constant 0 : i32
    %dma_start3A_42 = arith.constant 0 : i32
    %dma_start3A_43 = arith.constant 0 : i32
    %dma_start3A_44 = tpu.memref_slice %arg8[%dma_start3A_40, %dma_start3A_42, %dma_start3A_43] : memref<4x64x128xf32, #tpu.memory_space<vmem>> -> memref<1x64x128xf32, #tpu.memory_space<vmem>>
    %dma_start3A_45 = tpu.memref_squeeze %dma_start3A_44 : memref<1x64x128xf32, #tpu.memory_space<vmem>> -> memref<64x128xf32, #tpu.memory_space<vmem>>
    %dma_start3A_46 = arith.constant 0 : i32
    %dma_start3A_47 = tpu.memref_slice %arg9[%dma_start3A, %dma_start3A_46] : memref<16x64xi32, #tpu.memory_space<vmem>> -> memref<1x64xi32, #tpu.memory_space<vmem>>
    %dma_start3A_48 = tpu.memref_squeeze %dma_start3A_47 : memref<1x64xi32, #tpu.memory_space<vmem>> -> memref<64xi32, #tpu.memory_space<vmem>>
    %dma_start3A_49 = arith.constant 0 : i32
    %dma_start3A_50 = arith.constant 0 : i32
    %dma_start3A_51 = tpu.memref_slice %arg2[%dma_start3A_49, %dma_start3A_50] : memref<10000x128xf32, #tpu.memory_space<hbm>> -> memref<10000x128xf32, #tpu.memory_space<hbm>>
    %dma_start3A_52 = tpu.memref_slice %arg12[%dma_start3A_41] : memref<4x!tpu.dma_semaphore, #tpu.memory_space<semaphore_mem>> -> memref<1x!tpu.dma_semaphore, #tpu.memory_space<semaphore_mem>>
    %dma_start3A_53 = tpu.memref_squeeze %dma_start3A_52 : memref<1x!tpu.dma_semaphore, #tpu.memory_space<semaphore_mem>> -> memref<!tpu.dma_semaphore, #tpu.memory_space<semaphore_mem>>
    tpu.enqueue_indirect_dma source(%dma_start3A_51 : memref<10000x128xf32, #tpu.memory_space<hbm>>) target(%dma_start3A_45 : memref<64x128xf32, #tpu.memory_space<vmem>>) offsets(%dma_start3A_48 : memref<64xi32, #tpu.memory_space<vmem>>) semaphore(%dma_start3A_53 : memref<!tpu.dma_semaphore, #tpu.memory_space<semaphore_mem>>)
    %dma_start3A_54 = arith.constant 1 : i32
    %dma_start3A_55 = arith.constant 1 : i32
    %dma_start3A_56 = arith.constant 1 : i32
    %dma_start3A_57 = arith.constant 0 : i32
    %dma_start3A_58 = arith.constant 0 : i32
    %dma_start3A_59 = tpu.memref_slice %arg8[%dma_start3A_55, %dma_start3A_57, %dma_start3A_58] : memref<4x64x128xf32, #tpu.memory_space<vmem>> -> memref<1x64x128xf32, #tpu.memory_space<vmem>>
    %dma_start3A_60 = tpu.memref_squeeze %dma_start3A_59 : memref<1x64x128xf32, #tpu.memory_space<vmem>> -> memref<64x128xf32, #tpu.memory_space<vmem>>
    %dma_start3A_61 = arith.constant 0 : i32
    %dma_start3A_62 = tpu.memref_slice %arg9[%dma_start3A_54, %dma_start3A_61] : memref<16x64xi32, #tpu.memory_space<vmem>> -> memref<1x64xi32, #tpu.memory_space<vmem>>
    %dma_start3A_63 = tpu.memref_squeeze %dma_start3A_62 : memref<1x64xi32, #tpu.memory_space<vmem>> -> memref<64xi32, #tpu.memory_space<vmem>>
    %dma_start3A_64 = arith.constant 0 : i32
    %dma_start3A_65 = arith.constant 0 : i32
    %dma_start3A_66 = tpu.memref_slice %arg2[%dma_start3A_64, %dma_start3A_65] : memref<10000x128xf32, #tpu.memory_space<hbm>> -> memref<10000x128xf32, #tpu.memory_space<hbm>>
    %dma_start3A_67 = tpu.memref_slice %arg12[%dma_start3A_56] : memref<4x!tpu.dma_semaphore, #tpu.memory_space<semaphore_mem>> -> memref<1x!tpu.dma_semaphore, #tpu.memory_space<semaphore_mem>>
    %dma_start3A_68 = tpu.memref_squeeze %dma_start3A_67 : memref<1x!tpu.dma_semaphore, #tpu.memory_space<semaphore_mem>> -> memref<!tpu.dma_semaphore, #tpu.memory_space<semaphore_mem>>
    tpu.enqueue_indirect_dma source(%dma_start3A_66 : memref<10000x128xf32, #tpu.memory_space<hbm>>) target(%dma_start3A_60 : memref<64x128xf32, #tpu.memory_space<vmem>>) offsets(%dma_start3A_63 : memref<64xi32, #tpu.memory_space<vmem>>) semaphore(%dma_start3A_68 : memref<!tpu.dma_semaphore, #tpu.memory_space<semaphore_mem>>)
    %scan3A_69 = arith.constant 0 : i32
    %scan3A_70 = arith.constant 0 : i32
    %scan3A_71 = arith.constant 160 : i32
    %scan3A_72 = arith.addi %scan3A_70, %scan3A_71 : i32
    %scan3A_73 = arith.constant 1 : i32
    %scan3A_74 = scf.for %scan3A_106 = %scan3A_70 to %scan3A_72 step %scan3A_73 iter_args(%scan3A_107 = %scan3A_69) -> (i32)  : i32 {
      %and3A = arith.constant 7 : i32
      %and3A_108 = arith.andi %scan3A_106, %and3A : i32
      %eq3A = arith.constant 0 : i32
      %eq3A_109 = arith.cmpi eq, %and3A_108, %eq3A : i32
      %add3A_110 = arith.constant 8 : i32
      %add3A_111 = arith.addi %scan3A_106, %add3A_110 : i32
      %lt3A = arith.constant 160 : i32
      %lt3A_112 = arith.cmpi slt, %add3A_111, %lt3A : i32
      %and3A_113 = arith.andi %eq3A_109, %lt3A_112 : i1
      %convert_element_type3A = arith.extui %and3A_113 : i1 to i32
      %cond3A = arith.constant 0 : i32
      %cond3A_114 = arith.cmpi ne, %convert_element_type3A, %cond3A : i32
      scf.if %cond3A_114 {
        %add3A_282 = arith.addi %multiple_of3A, %scan3A_106 : i32
        %add3A_283 = arith.constant 8 : i32
        %add3A_284 = arith.addi %add3A_282, %add3A_283 : i32
        %multiple_of3A_285 = tpu.assume_multiple %add3A_284, 8 : i32
        %add3A_286 = arith.constant 8 : i32
        %add3A_287 = arith.addi %scan3A_106, %add3A_286 : i32
        %and3A_288 = arith.constant 15 : i32
        %and3A_289 = arith.andi %add3A_287, %and3A_288 : i32
        %multiple_of3A_290 = tpu.assume_multiple %and3A_289, 8 : i32
        "tpu.region"() ({
          %run_scoped3A_291 = tpu.sem_alloc : memref<!tpu.dma_semaphore, #tpu.memory_space<semaphore_mem>>
          %dma_start3A_292 = arith.constant 0 : i32
          %dma_start3A_293 = tpu.memref_slice %arg9[%multiple_of3A_290, %dma_start3A_292] : memref<16x64xi32, #tpu.memory_space<vmem>> -> memref<8x64xi32, #tpu.memory_space<vmem>>
          %dma_start3A_294 = arith.constant 0 : i32
          %dma_start3A_295 = tpu.memref_slice %arg3[%multiple_of3A_285, %dma_start3A_294] : memref<5120x64xi32, #tpu.memory_space<hbm>> -> memref<8x64xi32, #tpu.memory_space<hbm>>
          %dma_start3A_296 = arith.constant 0 : i32
          %dma_start3A_297 = tpu.memref_slice %arg9[%multiple_of3A_290, %dma_start3A_296] : memref<16x64xi32, #tpu.memory_space<vmem>> -> memref<8x64xi32, #tpu.memory_space<vmem>>
          %dma_start3A_298 = arith.constant 0 : i32
          %dma_start3A_299 = tpu.memref_slice %arg3[%multiple_of3A_285, %dma_start3A_298] : memref<5120x64xi32, #tpu.memory_space<hbm>> -> memref<8x64xi32, #tpu.memory_space<hbm>>
          tpu.enqueue_dma source(%dma_start3A_299 : memref<8x64xi32, #tpu.memory_space<hbm>>) target(%dma_start3A_297 : memref<8x64xi32, #tpu.memory_space<vmem>>) target_semaphore(%run_scoped3A_291 : memref<!tpu.dma_semaphore, #tpu.memory_space<semaphore_mem>>)
          %dma_wait3A_300 = arith.constant 0 : i32
          %dma_wait3A_301 = tpu.memref_slice %arg9[%multiple_of3A_290, %dma_wait3A_300] : memref<16x64xi32, #tpu.memory_space<vmem>> -> memref<8x64xi32, #tpu.memory_space<vmem>>
          %dma_wait3A_302 = arith.constant 0 : i32
          %dma_wait3A_303 = tpu.memref_slice %arg3[%multiple_of3A_285, %dma_wait3A_302] : memref<5120x64xi32, #tpu.memory_space<hbm>> -> memref<8x64xi32, #tpu.memory_space<hbm>>
          %dma_wait3A_304 = arith.constant 0 : i32
          %dma_wait3A_305 = tpu.memref_slice %arg9[%multiple_of3A_290, %dma_wait3A_304] : memref<16x64xi32, #tpu.memory_space<vmem>> -> memref<8x64xi32, #tpu.memory_space<vmem>>
          %dma_wait3A_306 = arith.constant 0 : i32
          %dma_wait3A_307 = tpu.memref_slice %arg3[%multiple_of3A_285, %dma_wait3A_306] : memref<5120x64xi32, #tpu.memory_space<hbm>> -> memref<8x64xi32, #tpu.memory_space<hbm>>
          tpu.wait_dma2 semaphore(%run_scoped3A_291 : memref<!tpu.dma_semaphore, #tpu.memory_space<semaphore_mem>>) src(%dma_wait3A_307 : memref<8x64xi32, #tpu.memory_space<hbm>>) dst(%dma_wait3A_305 : memref<8x64xi32, #tpu.memory_space<vmem>>)
          tpu.yield
        }) : () -> ()
        "tpu.region"() ({
          %run_scoped3A_291 = tpu.sem_alloc : memref<!tpu.dma_semaphore, #tpu.memory_space<semaphore_mem>>
          %dma_start3A_292 = arith.constant 0 : i32
          %dma_start3A_293 = tpu.memref_slice %arg10[%multiple_of3A_290, %dma_start3A_292] : memref<16x64xi32, #tpu.memory_space<vmem>> -> memref<8x64xi32, #tpu.memory_space<vmem>>
          %dma_start3A_294 = arith.constant 0 : i32
          %dma_start3A_295 = tpu.memref_slice %arg4[%multiple_of3A_285, %dma_start3A_294] : memref<5120x64xi32, #tpu.memory_space<hbm>> -> memref<8x64xi32, #tpu.memory_space<hbm>>
          %dma_start3A_296 = arith.constant 0 : i32
          %dma_start3A_297 = tpu.memref_slice %arg10[%multiple_of3A_290, %dma_start3A_296] : memref<16x64xi32, #tpu.memory_space<vmem>> -> memref<8x64xi32, #tpu.memory_space<vmem>>
          %dma_start3A_298 = arith.constant 0 : i32
          %dma_start3A_299 = tpu.memref_slice %arg4[%multiple_of3A_285, %dma_start3A_298] : memref<5120x64xi32, #tpu.memory_space<hbm>> -> memref<8x64xi32, #tpu.memory_space<hbm>>
          tpu.enqueue_dma source(%dma_start3A_299 : memref<8x64xi32, #tpu.memory_space<hbm>>) target(%dma_start3A_297 : memref<8x64xi32, #tpu.memory_space<vmem>>) target_semaphore(%run_scoped3A_291 : memref<!tpu.dma_semaphore, #tpu.memory_space<semaphore_mem>>)
          %dma_wait3A_300 = arith.constant 0 : i32
          %dma_wait3A_301 = tpu.memref_slice %arg10[%multiple_of3A_290, %dma_wait3A_300] : memref<16x64xi32, #tpu.memory_space<vmem>> -> memref<8x64xi32, #tpu.memory_space<vmem>>
          %dma_wait3A_302 = arith.constant 0 : i32
          %dma_wait3A_303 = tpu.memref_slice %arg4[%multiple_of3A_285, %dma_wait3A_302] : memref<5120x64xi32, #tpu.memory_space<hbm>> -> memref<8x64xi32, #tpu.memory_space<hbm>>
          %dma_wait3A_304 = arith.constant 0 : i32
          %dma_wait3A_305 = tpu.memref_slice %arg10[%multiple_of3A_290, %dma_wait3A_304] : memref<16x64xi32, #tpu.memory_space<vmem>> -> memref<8x64xi32, #tpu.memory_space<vmem>>
          %dma_wait3A_306 = arith.constant 0 : i32
          %dma_wait3A_307 = tpu.memref_slice %arg4[%multiple_of3A_285, %dma_wait3A_306] : memref<5120x64xi32, #tpu.memory_space<hbm>> -> memref<8x64xi32, #tpu.memory_space<hbm>>
          tpu.wait_dma2 semaphore(%run_scoped3A_291 : memref<!tpu.dma_semaphore, #tpu.memory_space<semaphore_mem>>) src(%dma_wait3A_307 : memref<8x64xi32, #tpu.memory_space<hbm>>) dst(%dma_wait3A_305 : memref<8x64xi32, #tpu.memory_space<vmem>>)
          tpu.yield
        }) : () -> ()
        "tpu.region"() ({
          %run_scoped3A_291 = tpu.sem_alloc : memref<!tpu.dma_semaphore, #tpu.memory_space<semaphore_mem>>
          %dma_start3A_292 = arith.constant 0 : i32
          %dma_start3A_293 = tpu.memref_slice %arg11[%multiple_of3A_290, %dma_start3A_292] : memref<16x64xf32, #tpu.memory_space<vmem>> -> memref<8x64xf32, #tpu.memory_space<vmem>>
          %dma_start3A_294 = arith.constant 0 : i32
          %dma_start3A_295 = tpu.memref_slice %arg5[%multiple_of3A_285, %dma_start3A_294] : memref<5120x64xf32, #tpu.memory_space<hbm>> -> memref<8x64xf32, #tpu.memory_space<hbm>>
          %dma_start3A_296 = arith.constant 0 : i32
          %dma_start3A_297 = tpu.memref_slice %arg11[%multiple_of3A_290, %dma_start3A_296] : memref<16x64xf32, #tpu.memory_space<vmem>> -> memref<8x64xf32, #tpu.memory_space<vmem>>
          %dma_start3A_298 = arith.constant 0 : i32
          %dma_start3A_299 = tpu.memref_slice %arg5[%multiple_of3A_285, %dma_start3A_298] : memref<5120x64xf32, #tpu.memory_space<hbm>> -> memref<8x64xf32, #tpu.memory_space<hbm>>
          tpu.enqueue_dma source(%dma_start3A_299 : memref<8x64xf32, #tpu.memory_space<hbm>>) target(%dma_start3A_297 : memref<8x64xf32, #tpu.memory_space<vmem>>) target_semaphore(%run_scoped3A_291 : memref<!tpu.dma_semaphore, #tpu.memory_space<semaphore_mem>>)
          %dma_wait3A_300 = arith.constant 0 : i32
          %dma_wait3A_301 = tpu.memref_slice %arg11[%multiple_of3A_290, %dma_wait3A_300] : memref<16x64xf32, #tpu.memory_space<vmem>> -> memref<8x64xf32, #tpu.memory_space<vmem>>
          %dma_wait3A_302 = arith.constant 0 : i32
          %dma_wait3A_303 = tpu.memref_slice %arg5[%multiple_of3A_285, %dma_wait3A_302] : memref<5120x64xf32, #tpu.memory_space<hbm>> -> memref<8x64xf32, #tpu.memory_space<hbm>>
          %dma_wait3A_304 = arith.constant 0 : i32
          %dma_wait3A_305 = tpu.memref_slice %arg11[%multiple_of3A_290, %dma_wait3A_304] : memref<16x64xf32, #tpu.memory_space<vmem>> -> memref<8x64xf32, #tpu.memory_space<vmem>>
          %dma_wait3A_306 = arith.constant 0 : i32
          %dma_wait3A_307 = tpu.memref_slice %arg5[%multiple_of3A_285, %dma_wait3A_306] : memref<5120x64xf32, #tpu.memory_space<hbm>> -> memref<8x64xf32, #tpu.memory_space<hbm>>
          tpu.wait_dma2 semaphore(%run_scoped3A_291 : memref<!tpu.dma_semaphore, #tpu.memory_space<semaphore_mem>>) src(%dma_wait3A_307 : memref<8x64xf32, #tpu.memory_space<hbm>>) dst(%dma_wait3A_305 : memref<8x64xf32, #tpu.memory_space<vmem>>)
          tpu.yield
        }) : () -> ()
      } else {
      }
      %ge3A = arith.constant 2 : i32
      %ge3A_115 = arith.cmpi sge, %scan3A_106, %ge3A : i32
      %convert_element_type3A_116 = arith.extui %ge3A_115 : i1 to i32
      %cond3A_117 = arith.constant 0 : i32
      %cond3A_118 = arith.cmpi ne, %convert_element_type3A_116, %cond3A_117 : i32
      scf.if %cond3A_118 {
        %sub3A = arith.constant 2 : i32
        %sub3A_282 = arith.subi %scan3A_106, %sub3A : i32
        %jit3A_283 = arith.constant 4 : i32
        %eq3A_284 = arith.constant 0 : i32
        %eq3A_285 = arith.cmpi eq, %jit3A_283, %eq3A_284 : i32
        %jit3A_286 = arith.constant 1 : i32
        %select_n3A_287 = arith.select %eq3A_285, %jit3A_286, %jit3A_283 : i32
        %rem3A_288 = arith.remsi %sub3A_282, %select_n3A_287 : i32
        %ne3A_289 = arith.constant 0 : i32
        %ne3A_290 = arith.cmpi ne, %rem3A_288, %ne3A_289 : i32
        %lt3A_291 = arith.constant 0 : i32
        %lt3A_292 = arith.cmpi slt, %rem3A_288, %lt3A_291 : i32
        %lt3A_293 = arith.constant 0 : i32
        %lt3A_294 = arith.cmpi slt, %select_n3A_287, %lt3A_293 : i32
        %ne3A_295 = arith.xori %lt3A_292, %lt3A_294 : i1
        %and3A_296 = arith.andi %ne3A_295, %ne3A_290 : i1
        %add3A_297 = arith.addi %rem3A_288, %select_n3A_287 : i32
        %select_n3A_298 = arith.select %and3A_296, %add3A_297, %rem3A_288 : i32
        %jit3A_299 = arith.constant 16 : i32
        %eq3A_300 = arith.constant 0 : i32
        %eq3A_301 = arith.cmpi eq, %jit3A_299, %eq3A_300 : i32
        %jit3A_302 = arith.constant 1 : i32
        %select_n3A_303 = arith.select %eq3A_301, %jit3A_302, %jit3A_299 : i32
        %rem3A_304 = arith.remsi %sub3A_282, %select_n3A_303 : i32
        %ne3A_305 = arith.constant 0 : i32
        %ne3A_306 = arith.cmpi ne, %rem3A_304, %ne3A_305 : i32
        %lt3A_307 = arith.constant 0 : i32
        %lt3A_308 = arith.cmpi slt, %rem3A_304, %lt3A_307 : i32
        %lt3A_309 = arith.constant 0 : i32
        %lt3A_310 = arith.cmpi slt, %select_n3A_303, %lt3A_309 : i32
        %ne3A_311 = arith.xori %lt3A_308, %lt3A_310 : i1
        %and3A_312 = arith.andi %ne3A_311, %ne3A_306 : i1
        %add3A_313 = arith.addi %rem3A_304, %select_n3A_303 : i32
        %select_n3A_314 = arith.select %and3A_312, %add3A_313, %rem3A_304 : i32
        %jit3A_315 = arith.constant 4 : i32
        %eq3A_316 = arith.constant 0 : i32
        %eq3A_317 = arith.cmpi eq, %jit3A_315, %eq3A_316 : i32
        %jit3A_318 = arith.constant 1 : i32
        %select_n3A_319 = arith.select %eq3A_317, %jit3A_318, %jit3A_315 : i32
        %rem3A_320 = arith.remsi %sub3A_282, %select_n3A_319 : i32
        %ne3A_321 = arith.constant 0 : i32
        %ne3A_322 = arith.cmpi ne, %rem3A_320, %ne3A_321 : i32
        %lt3A_323 = arith.constant 0 : i32
        %lt3A_324 = arith.cmpi slt, %rem3A_320, %lt3A_323 : i32
        %lt3A_325 = arith.constant 0 : i32
        %lt3A_326 = arith.cmpi slt, %select_n3A_319, %lt3A_325 : i32
        %ne3A_327 = arith.xori %lt3A_324, %lt3A_326 : i1
        %and3A_328 = arith.andi %ne3A_327, %ne3A_322 : i1
        %add3A_329 = arith.addi %rem3A_320, %select_n3A_319 : i32
        %select_n3A_330 = arith.select %and3A_328, %add3A_329, %rem3A_320 : i32
        %dma_wait3A_331 = arith.constant 0 : i32
        %dma_wait3A_332 = arith.constant 0 : i32
        %dma_wait3A_333 = tpu.memref_slice %arg8[%select_n3A_298, %dma_wait3A_331, %dma_wait3A_332] : memref<4x64x128xf32, #tpu.memory_space<vmem>> -> memref<1x64x128xf32, #tpu.memory_space<vmem>>
        %dma_wait3A_334 = tpu.memref_squeeze %dma_wait3A_333 : memref<1x64x128xf32, #tpu.memory_space<vmem>> -> memref<64x128xf32, #tpu.memory_space<vmem>>
        %dma_wait3A_335 = arith.constant 0 : i32
        %dma_wait3A_336 = tpu.memref_slice %arg10[%select_n3A_314, %dma_wait3A_335] : memref<16x64xi32, #tpu.memory_space<vmem>> -> memref<1x64xi32, #tpu.memory_space<vmem>>
        %dma_wait3A_337 = tpu.memref_squeeze %dma_wait3A_336 : memref<1x64xi32, #tpu.memory_space<vmem>> -> memref<64xi32, #tpu.memory_space<vmem>>
        %dma_wait3A_338 = arith.constant 0 : i32
        %dma_wait3A_339 = arith.constant 0 : i32
        %dma_wait3A_340 = tpu.memref_slice %arg7[%dma_wait3A_338, %dma_wait3A_339] : memref<10240x128xf32, #tpu.memory_space<vmem_shared>> -> memref<10240x128xf32, #tpu.memory_space<vmem_shared>>
        %dma_wait3A_341 = tpu.memref_slice %arg13[%select_n3A_330] : memref<4x!tpu.dma_semaphore, #tpu.memory_space<semaphore_mem>> -> memref<1x!tpu.dma_semaphore, #tpu.memory_space<semaphore_mem>>
        %dma_wait3A_342 = tpu.memref_squeeze %dma_wait3A_341 : memref<1x!tpu.dma_semaphore, #tpu.memory_space<semaphore_mem>> -> memref<!tpu.dma_semaphore, #tpu.memory_space<semaphore_mem>>
        tpu.wait_indirect_dma semaphore(%dma_wait3A_342 : memref<!tpu.dma_semaphore, #tpu.memory_space<semaphore_mem>>) src(%dma_wait3A_334 : memref<64x128xf32, #tpu.memory_space<vmem>>) dst(%dma_wait3A_340 : memref<10240x128xf32, #tpu.memory_space<vmem_shared>>)
      } else {
      }
      %add3A_119 = arith.constant 2 : i32
      %add3A_120 = arith.addi %scan3A_106, %add3A_119 : i32
      %lt3A_121 = arith.constant 160 : i32
      %lt3A_122 = arith.cmpi slt, %add3A_120, %lt3A_121 : i32
      %convert_element_type3A_123 = arith.extui %lt3A_122 : i1 to i32
      %cond3A_124 = arith.constant 0 : i32
      %cond3A_125 = arith.cmpi ne, %convert_element_type3A_123, %cond3A_124 : i32
      scf.if %cond3A_125 {
        %add3A_282 = arith.constant 2 : i32
        %add3A_283 = arith.addi %scan3A_106, %add3A_282 : i32
        %jit3A_284 = arith.constant 16 : i32
        %eq3A_285 = arith.constant 0 : i32
        %eq3A_286 = arith.cmpi eq, %jit3A_284, %eq3A_285 : i32
        %jit3A_287 = arith.constant 1 : i32
        %select_n3A_288 = arith.select %eq3A_286, %jit3A_287, %jit3A_284 : i32
        %rem3A_289 = arith.remsi %add3A_283, %select_n3A_288 : i32
        %ne3A_290 = arith.constant 0 : i32
        %ne3A_291 = arith.cmpi ne, %rem3A_289, %ne3A_290 : i32
        %lt3A_292 = arith.constant 0 : i32
        %lt3A_293 = arith.cmpi slt, %rem3A_289, %lt3A_292 : i32
        %lt3A_294 = arith.constant 0 : i32
        %lt3A_295 = arith.cmpi slt, %select_n3A_288, %lt3A_294 : i32
        %ne3A_296 = arith.xori %lt3A_293, %lt3A_295 : i1
        %and3A_297 = arith.andi %ne3A_296, %ne3A_291 : i1
        %add3A_298 = arith.addi %rem3A_289, %select_n3A_288 : i32
        %select_n3A_299 = arith.select %and3A_297, %add3A_298, %rem3A_289 : i32
        %jit3A_300 = arith.constant 4 : i32
        %eq3A_301 = arith.constant 0 : i32
        %eq3A_302 = arith.cmpi eq, %jit3A_300, %eq3A_301 : i32
        %jit3A_303 = arith.constant 1 : i32
        %select_n3A_304 = arith.select %eq3A_302, %jit3A_303, %jit3A_300 : i32
        %rem3A_305 = arith.remsi %add3A_283, %select_n3A_304 : i32
        %ne3A_306 = arith.constant 0 : i32
        %ne3A_307 = arith.cmpi ne, %rem3A_305, %ne3A_306 : i32
        %lt3A_308 = arith.constant 0 : i32
        %lt3A_309 = arith.cmpi slt, %rem3A_305, %lt3A_308 : i32
        %lt3A_310 = arith.constant 0 : i32
        %lt3A_311 = arith.cmpi slt, %select_n3A_304, %lt3A_310 : i32
        %ne3A_312 = arith.xori %lt3A_309, %lt3A_311 : i1
        %and3A_313 = arith.andi %ne3A_312, %ne3A_307 : i1
        %add3A_314 = arith.addi %rem3A_305, %select_n3A_304 : i32
        %select_n3A_315 = arith.select %and3A_313, %add3A_314, %rem3A_305 : i32
        %jit3A_316 = arith.constant 4 : i32
        %eq3A_317 = arith.constant 0 : i32
        %eq3A_318 = arith.cmpi eq, %jit3A_316, %eq3A_317 : i32
        %jit3A_319 = arith.constant 1 : i32
        %select_n3A_320 = arith.select %eq3A_318, %jit3A_319, %jit3A_316 : i32
        %rem3A_321 = arith.remsi %add3A_283, %select_n3A_320 : i32
        %ne3A_322 = arith.constant 0 : i32
        %ne3A_323 = arith.cmpi ne, %rem3A_321, %ne3A_322 : i32
        %lt3A_324 = arith.constant 0 : i32
        %lt3A_325 = arith.cmpi slt, %rem3A_321, %lt3A_324 : i32
        %lt3A_326 = arith.constant 0 : i32
        %lt3A_327 = arith.cmpi slt, %select_n3A_320, %lt3A_326 : i32
        %ne3A_328 = arith.xori %lt3A_325, %lt3A_327 : i1
        %and3A_329 = arith.andi %ne3A_328, %ne3A_323 : i1
        %add3A_330 = arith.addi %rem3A_321, %select_n3A_320 : i32
        %select_n3A_331 = arith.select %and3A_329, %add3A_330, %rem3A_321 : i32
        %dma_start3A_332 = arith.constant 0 : i32
        %dma_start3A_333 = arith.constant 0 : i32
        %dma_start3A_334 = tpu.memref_slice %arg8[%select_n3A_315, %dma_start3A_332, %dma_start3A_333] : memref<4x64x128xf32, #tpu.memory_space<vmem>> -> memref<1x64x128xf32, #tpu.memory_space<vmem>>
        %dma_start3A_335 = tpu.memref_squeeze %dma_start3A_334 : memref<1x64x128xf32, #tpu.memory_space<vmem>> -> memref<64x128xf32, #tpu.memory_space<vmem>>
        %dma_start3A_336 = arith.constant 0 : i32
        %dma_start3A_337 = tpu.memref_slice %arg9[%select_n3A_299, %dma_start3A_336] : memref<16x64xi32, #tpu.memory_space<vmem>> -> memref<1x64xi32, #tpu.memory_space<vmem>>
        %dma_start3A_338 = tpu.memref_squeeze %dma_start3A_337 : memref<1x64xi32, #tpu.memory_space<vmem>> -> memref<64xi32, #tpu.memory_space<vmem>>
        %dma_start3A_339 = arith.constant 0 : i32
        %dma_start3A_340 = arith.constant 0 : i32
        %dma_start3A_341 = tpu.memref_slice %arg2[%dma_start3A_339, %dma_start3A_340] : memref<10000x128xf32, #tpu.memory_space<hbm>> -> memref<10000x128xf32, #tpu.memory_space<hbm>>
        %dma_start3A_342 = tpu.memref_slice %arg12[%select_n3A_331] : memref<4x!tpu.dma_semaphore, #tpu.memory_space<semaphore_mem>> -> memref<1x!tpu.dma_semaphore, #tpu.memory_space<semaphore_mem>>
        %dma_start3A_343 = tpu.memref_squeeze %dma_start3A_342 : memref<1x!tpu.dma_semaphore, #tpu.memory_space<semaphore_mem>> -> memref<!tpu.dma_semaphore, #tpu.memory_space<semaphore_mem>>
        tpu.enqueue_indirect_dma source(%dma_start3A_341 : memref<10000x128xf32, #tpu.memory_space<hbm>>) target(%dma_start3A_335 : memref<64x128xf32, #tpu.memory_space<vmem>>) offsets(%dma_start3A_338 : memref<64xi32, #tpu.memory_space<vmem>>) semaphore(%dma_start3A_343 : memref<!tpu.dma_semaphore, #tpu.memory_space<semaphore_mem>>)
      } else {
      }
      %jit3A = arith.constant 16 : i32
      %eq3A_126 = arith.constant 0 : i32
      %eq3A_127 = arith.cmpi eq, %jit3A, %eq3A_126 : i32
      %jit3A_128 = arith.constant 1 : i32
      %select_n3A = arith.select %eq3A_127, %jit3A_128, %jit3A : i32
      %rem3A = arith.remsi %scan3A_106, %select_n3A : i32
      %ne3A = arith.constant 0 : i32
      %ne3A_129 = arith.cmpi ne, %rem3A, %ne3A : i32
      %lt3A_130 = arith.constant 0 : i32
      %lt3A_131 = arith.cmpi slt, %rem3A, %lt3A_130 : i32
      %lt3A_132 = arith.constant 0 : i32
      %lt3A_133 = arith.cmpi slt, %select_n3A, %lt3A_132 : i32
      %ne3A_134 = arith.xori %lt3A_131, %lt3A_133 : i1
      %and3A_135 = arith.andi %ne3A_134, %ne3A_129 : i1
      %add3A_136 = arith.addi %rem3A, %select_n3A : i32
      %select_n3A_137 = arith.select %and3A_135, %add3A_136, %rem3A : i32
      %jit3A_138 = arith.constant 4 : i32
      %eq3A_139 = arith.constant 0 : i32
      %eq3A_140 = arith.cmpi eq, %jit3A_138, %eq3A_139 : i32
      %jit3A_141 = arith.constant 1 : i32
      %select_n3A_142 = arith.select %eq3A_140, %jit3A_141, %jit3A_138 : i32
      %rem3A_143 = arith.remsi %scan3A_106, %select_n3A_142 : i32
      %ne3A_144 = arith.constant 0 : i32
      %ne3A_145 = arith.cmpi ne, %rem3A_143, %ne3A_144 : i32
      %lt3A_146 = arith.constant 0 : i32
      %lt3A_147 = arith.cmpi slt, %rem3A_143, %lt3A_146 : i32
      %lt3A_148 = arith.constant 0 : i32
      %lt3A_149 = arith.cmpi slt, %select_n3A_142, %lt3A_148 : i32
      %ne3A_150 = arith.xori %lt3A_147, %lt3A_149 : i1
      %and3A_151 = arith.andi %ne3A_150, %ne3A_145 : i1
      %add3A_152 = arith.addi %rem3A_143, %select_n3A_142 : i32
      %select_n3A_153 = arith.select %and3A_151, %add3A_152, %rem3A_143 : i32
      %jit3A_154 = arith.constant 4 : i32
      %eq3A_155 = arith.constant 0 : i32
      %eq3A_156 = arith.cmpi eq, %jit3A_154, %eq3A_155 : i32
      %jit3A_157 = arith.constant 1 : i32
      %select_n3A_158 = arith.select %eq3A_156, %jit3A_157, %jit3A_154 : i32
      %rem3A_159 = arith.remsi %scan3A_106, %select_n3A_158 : i32
      %ne3A_160 = arith.constant 0 : i32
      %ne3A_161 = arith.cmpi ne, %rem3A_159, %ne3A_160 : i32
      %lt3A_162 = arith.constant 0 : i32
      %lt3A_163 = arith.cmpi slt, %rem3A_159, %lt3A_162 : i32
      %lt3A_164 = arith.constant 0 : i32
      %lt3A_165 = arith.cmpi slt, %select_n3A_158, %lt3A_164 : i32
      %ne3A_166 = arith.xori %lt3A_163, %lt3A_165 : i1
      %and3A_167 = arith.andi %ne3A_166, %ne3A_161 : i1
      %add3A_168 = arith.addi %rem3A_159, %select_n3A_158 : i32
      %select_n3A_169 = arith.select %and3A_167, %add3A_168, %rem3A_159 : i32
      %dma_wait3A_170 = arith.constant 0 : i32
      %dma_wait3A_171 = arith.constant 0 : i32
      %dma_wait3A_172 = tpu.memref_slice %arg8[%select_n3A_153, %dma_wait3A_170, %dma_wait3A_171] : memref<4x64x128xf32, #tpu.memory_space<vmem>> -> memref<1x64x128xf32, #tpu.memory_space<vmem>>
      %dma_wait3A_173 = tpu.memref_squeeze %dma_wait3A_172 : memref<1x64x128xf32, #tpu.memory_space<vmem>> -> memref<64x128xf32, #tpu.memory_space<vmem>>
      %dma_wait3A_174 = arith.constant 0 : i32
      %dma_wait3A_175 = tpu.memref_slice %arg9[%select_n3A_137, %dma_wait3A_174] : memref<16x64xi32, #tpu.memory_space<vmem>> -> memref<1x64xi32, #tpu.memory_space<vmem>>
      %dma_wait3A_176 = tpu.memref_squeeze %dma_wait3A_175 : memref<1x64xi32, #tpu.memory_space<vmem>> -> memref<64xi32, #tpu.memory_space<vmem>>
      %dma_wait3A_177 = arith.constant 0 : i32
      %dma_wait3A_178 = arith.constant 0 : i32
      %dma_wait3A_179 = tpu.memref_slice %arg2[%dma_wait3A_177, %dma_wait3A_178] : memref<10000x128xf32, #tpu.memory_space<hbm>> -> memref<10000x128xf32, #tpu.memory_space<hbm>>
      %dma_wait3A_180 = tpu.memref_slice %arg12[%select_n3A_169] : memref<4x!tpu.dma_semaphore, #tpu.memory_space<semaphore_mem>> -> memref<1x!tpu.dma_semaphore, #tpu.memory_space<semaphore_mem>>
      %dma_wait3A_181 = tpu.memref_squeeze %dma_wait3A_180 : memref<1x!tpu.dma_semaphore, #tpu.memory_space<semaphore_mem>> -> memref<!tpu.dma_semaphore, #tpu.memory_space<semaphore_mem>>
      tpu.wait_indirect_dma semaphore(%dma_wait3A_181 : memref<!tpu.dma_semaphore, #tpu.memory_space<semaphore_mem>>) src(%dma_wait3A_179 : memref<10000x128xf32, #tpu.memory_space<hbm>>) dst(%dma_wait3A_173 : memref<64x128xf32, #tpu.memory_space<vmem>>)
      %jit3A_182 = arith.constant 4 : i32
      %eq3A_183 = arith.constant 0 : i32
      %eq3A_184 = arith.cmpi eq, %jit3A_182, %eq3A_183 : i32
      %jit3A_185 = arith.constant 1 : i32
      %select_n3A_186 = arith.select %eq3A_184, %jit3A_185, %jit3A_182 : i32
      %rem3A_187 = arith.remsi %scan3A_106, %select_n3A_186 : i32
      %ne3A_188 = arith.constant 0 : i32
      %ne3A_189 = arith.cmpi ne, %rem3A_187, %ne3A_188 : i32
      %lt3A_190 = arith.constant 0 : i32
      %lt3A_191 = arith.cmpi slt, %rem3A_187, %lt3A_190 : i32
      %lt3A_192 = arith.constant 0 : i32
      %lt3A_193 = arith.cmpi slt, %select_n3A_186, %lt3A_192 : i32
      %ne3A_194 = arith.xori %lt3A_191, %lt3A_193 : i1
      %and3A_195 = arith.andi %ne3A_194, %ne3A_189 : i1
      %add3A_196 = arith.addi %rem3A_187, %select_n3A_186 : i32
      %select_n3A_197 = arith.select %and3A_195, %add3A_196, %rem3A_187 : i32
      %jit3A_198 = arith.constant 16 : i32
      %eq3A_199 = arith.constant 0 : i32
      %eq3A_200 = arith.cmpi eq, %jit3A_198, %eq3A_199 : i32
      %jit3A_201 = arith.constant 1 : i32
      %select_n3A_202 = arith.select %eq3A_200, %jit3A_201, %jit3A_198 : i32
      %rem3A_203 = arith.remsi %scan3A_106, %select_n3A_202 : i32
      %ne3A_204 = arith.constant 0 : i32
      %ne3A_205 = arith.cmpi ne, %rem3A_203, %ne3A_204 : i32
      %lt3A_206 = arith.constant 0 : i32
      %lt3A_207 = arith.cmpi slt, %rem3A_203, %lt3A_206 : i32
      %lt3A_208 = arith.constant 0 : i32
      %lt3A_209 = arith.cmpi slt, %select_n3A_202, %lt3A_208 : i32
      %ne3A_210 = arith.xori %lt3A_207, %lt3A_209 : i1
      %and3A_211 = arith.andi %ne3A_210, %ne3A_205 : i1
      %add3A_212 = arith.addi %rem3A_203, %select_n3A_202 : i32
      %select_n3A_213 = arith.select %and3A_211, %add3A_212, %rem3A_203 : i32
      %scan3A_214 = arith.constant 0 : i32
      %scan3A_215 = arith.constant 0 : i32
      %scan3A_216 = arith.constant 64 : i32
      %scan3A_217 = arith.addi %scan3A_215, %scan3A_216 : i32
      %scan3A_218 = arith.constant 4 : i32
      %scan3A_219 = scf.for %scan3A_282 = %scan3A_215 to %scan3A_217 step %scan3A_218 iter_args(%scan3A_283 = %scan3A_214) -> (i32)  : i32 {
        %broadcast_in_dim3A = vector.broadcast %select_n3A_213 : i32 to vector<16xi32>
        %broadcast_in_dim3A_284 = vector.broadcast %scan3A_282 : i32 to vector<16xi32>
        %gather3A = tpu.vector_load_idx %arg11[%broadcast_in_dim3A, %broadcast_in_dim3A_284] : memref<16x64xf32, #tpu.memory_space<vmem>>[vector<16xi32>, vector<16xi32>], vector<16xf32>,
        %get3A = arith.index_cast %select_n3A_197 : i32 to index
        %get3A_285 = arith.index_cast %scan3A_282 : i32 to index
        %get3A_286 = arith.constant 0 : index
        %get3A_287 = tpu.vector_load %arg8[%get3A, %get3A_285, %get3A_286] {strides = array<i32>} : memref<4x64x128xf32, #tpu.memory_space<vmem>>, vector<16xf32>,
        %mul3A_288 = arith.mulf %get3A_287, %gather3A : vector<16xf32>
        %swap3A = arith.index_cast %select_n3A_197 : i32 to index
        %swap3A_289 = arith.index_cast %scan3A_282 : i32 to index
        %swap3A_290 = arith.constant 0 : index
        %swap3A_291 = tpu.vector_load %arg8[%swap3A, %swap3A_289, %swap3A_290] {strides = array<i32>} : memref<4x64x128xf32, #tpu.memory_space<vmem>>, vector<16xf32>,
        tpu.vector_store %arg8[%swap3A, %swap3A_289, %swap3A_290], %mul3A_288 {strides = array<i32>} : memref<4x64x128xf32, #tpu.memory_space<vmem>>, vector<16xf32>,
        %get3A_292 = arith.index_cast %select_n3A_197 : i32 to index
        %get3A_293 = arith.index_cast %scan3A_282 : i32 to index
        %get3A_294 = arith.constant 16 : index
        %get3A_295 = tpu.vector_load %arg8[%get3A_292, %get3A_293, %get3A_294] {strides = array<i32>} : memref<4x64x128xf32, #tpu.memory_space<vmem>>, vector<16xf32>,
        %mul3A_296 = arith.mulf %get3A_295, %gather3A : vector<16xf32>
        %swap3A_297 = arith.index_cast %select_n3A_197 : i32 to index
        %swap3A_298 = arith.index_cast %scan3A_282 : i32 to index
        %swap3A_299 = arith.constant 16 : index
        %swap3A_300 = tpu.vector_load %arg8[%swap3A_297, %swap3A_298, %swap3A_299] {strides = array<i32>} : memref<4x64x128xf32, #tpu.memory_space<vmem>>, vector<16xf32>,
        tpu.vector_store %arg8[%swap3A_297, %swap3A_298, %swap3A_299], %mul3A_296 {strides = array<i32>} : memref<4x64x128xf32, #tpu.memory_space<vmem>>, vector<16xf32>,
        %get3A_301 = arith.index_cast %select_n3A_197 : i32 to index
        %get3A_302 = arith.index_cast %scan3A_282 : i32 to index
        %get3A_303 = arith.constant 32 : index
        %get3A_304 = tpu.vector_load %arg8[%get3A_301, %get3A_302, %get3A_303] {strides = array<i32>} : memref<4x64x128xf32, #tpu.memory_space<vmem>>, vector<16xf32>,
        %mul3A_305 = arith.mulf %get3A_304, %gather3A : vector<16xf32>
        %swap3A_306 = arith.index_cast %select_n3A_197 : i32 to index
        %swap3A_307 = arith.index_cast %scan3A_282 : i32 to index
        %swap3A_308 = arith.constant 32 : index
        %swap3A_309 = tpu.vector_load %arg8[%swap3A_306, %swap3A_307, %swap3A_308] {strides = array<i32>} : memref<4x64x128xf32, #tpu.memory_space<vmem>>, vector<16xf32>,
        tpu.vector_store %arg8[%swap3A_306, %swap3A_307, %swap3A_308], %mul3A_305 {strides = array<i32>} : memref<4x64x128xf32, #tpu.memory_space<vmem>>, vector<16xf32>,
        %get3A_310 = arith.index_cast %select_n3A_197 : i32 to index
        %get3A_311 = arith.index_cast %scan3A_282 : i32 to index
        %get3A_312 = arith.constant 48 : index
        %get3A_313 = tpu.vector_load %arg8[%get3A_310, %get3A_311, %get3A_312] {strides = array<i32>} : memref<4x64x128xf32, #tpu.memory_space<vmem>>, vector<16xf32>,
        %mul3A_314 = arith.mulf %get3A_313, %gather3A : vector<16xf32>
        %swap3A_315 = arith.index_cast %select_n3A_197 : i32 to index
        %swap3A_316 = arith.index_cast %scan3A_282 : i32 to index
        %swap3A_317 = arith.constant 48 : index
        %swap3A_318 = tpu.vector_load %arg8[%swap3A_315, %swap3A_316, %swap3A_317] {strides = array<i32>} : memref<4x64x128xf32, #tpu.memory_space<vmem>>, vector<16xf32>,
        tpu.vector_store %arg8[%swap3A_315, %swap3A_316, %swap3A_317], %mul3A_314 {strides = array<i32>} : memref<4x64x128xf32, #tpu.memory_space<vmem>>, vector<16xf32>,
        %get3A_319 = arith.index_cast %select_n3A_197 : i32 to index
        %get3A_320 = arith.index_cast %scan3A_282 : i32 to index
        %get3A_321 = arith.constant 64 : index
        %get3A_322 = tpu.vector_load %arg8[%get3A_319, %get3A_320, %get3A_321] {strides = array<i32>} : memref<4x64x128xf32, #tpu.memory_space<vmem>>, vector<16xf32>,
        %mul3A_323 = arith.mulf %get3A_322, %gather3A : vector<16xf32>
        %swap3A_324 = arith.index_cast %select_n3A_197 : i32 to index
        %swap3A_325 = arith.index_cast %scan3A_282 : i32 to index
        %swap3A_326 = arith.constant 64 : index
        %swap3A_327 = tpu.vector_load %arg8[%swap3A_324, %swap3A_325, %swap3A_326] {strides = array<i32>} : memref<4x64x128xf32, #tpu.memory_space<vmem>>, vector<16xf32>,
        tpu.vector_store %arg8[%swap3A_324, %swap3A_325, %swap3A_326], %mul3A_323 {strides = array<i32>} : memref<4x64x128xf32, #tpu.memory_space<vmem>>, vector<16xf32>,
        %get3A_328 = arith.index_cast %select_n3A_197 : i32 to index
        %get3A_329 = arith.index_cast %scan3A_282 : i32 to index
        %get3A_330 = arith.constant 80 : index
        %get3A_331 = tpu.vector_load %arg8[%get3A_328, %get3A_329, %get3A_330] {strides = array<i32>} : memref<4x64x128xf32, #tpu.memory_space<vmem>>, vector<16xf32>,
        %mul3A_332 = arith.mulf %get3A_331, %gather3A : vector<16xf32>
        %swap3A_333 = arith.index_cast %select_n3A_197 : i32 to index
        %swap3A_334 = arith.index_cast %scan3A_282 : i32 to index
        %swap3A_335 = arith.constant 80 : index
        %swap3A_336 = tpu.vector_load %arg8[%swap3A_333, %swap3A_334, %swap3A_335] {strides = array<i32>} : memref<4x64x128xf32, #tpu.memory_space<vmem>>, vector<16xf32>,
        tpu.vector_store %arg8[%swap3A_333, %swap3A_334, %swap3A_335], %mul3A_332 {strides = array<i32>} : memref<4x64x128xf32, #tpu.memory_space<vmem>>, vector<16xf32>,
        %get3A_337 = arith.index_cast %select_n3A_197 : i32 to index
        %get3A_338 = arith.index_cast %scan3A_282 : i32 to index
        %get3A_339 = arith.constant 96 : index
        %get3A_340 = tpu.vector_load %arg8[%get3A_337, %get3A_338, %get3A_339] {strides = array<i32>} : memref<4x64x128xf32, #tpu.memory_space<vmem>>, vector<16xf32>,
        %mul3A_341 = arith.mulf %get3A_340, %gather3A : vector<16xf32>
        %swap3A_342 = arith.index_cast %select_n3A_197 : i32 to index
        %swap3A_343 = arith.index_cast %scan3A_282 : i32 to index
        %swap3A_344 = arith.constant 96 : index
        %swap3A_345 = tpu.vector_load %arg8[%swap3A_342, %swap3A_343, %swap3A_344] {strides = array<i32>} : memref<4x64x128xf32, #tpu.memory_space<vmem>>, vector<16xf32>,
        tpu.vector_store %arg8[%swap3A_342, %swap3A_343, %swap3A_344], %mul3A_341 {strides = array<i32>} : memref<4x64x128xf32, #tpu.memory_space<vmem>>, vector<16xf32>,
        %get3A_346 = arith.index_cast %select_n3A_197 : i32 to index
        %get3A_347 = arith.index_cast %scan3A_282 : i32 to index
        %get3A_348 = arith.constant 112 : index
        %get3A_349 = tpu.vector_load %arg8[%get3A_346, %get3A_347, %get3A_348] {strides = array<i32>} : memref<4x64x128xf32, #tpu.memory_space<vmem>>, vector<16xf32>,
        %mul3A_350 = arith.mulf %get3A_349, %gather3A : vector<16xf32>
        %swap3A_351 = arith.index_cast %select_n3A_197 : i32 to index
        %swap3A_352 = arith.index_cast %scan3A_282 : i32 to index
        %swap3A_353 = arith.constant 112 : index
        %swap3A_354 = tpu.vector_load %arg8[%swap3A_351, %swap3A_352, %swap3A_353] {strides = array<i32>} : memref<4x64x128xf32, #tpu.memory_space<vmem>>, vector<16xf32>,
        tpu.vector_store %arg8[%swap3A_351, %swap3A_352, %swap3A_353], %mul3A_350 {strides = array<i32>} : memref<4x64x128xf32, #tpu.memory_space<vmem>>, vector<16xf32>,
        %scan3A_355 = arith.constant 0 : i32
        %scan3A_356 = arith.constant 1 : i32
        %scan3A_357 = arith.addi %scan3A_282, %scan3A_356 : i32
        %broadcast_in_dim3A_358 = vector.broadcast %select_n3A_213 : i32 to vector<16xi32>
        %broadcast_in_dim3A_359 = vector.broadcast %scan3A_357 : i32 to vector<16xi32>
        %gather3A_360 = tpu.vector_load_idx %arg11[%broadcast_in_dim3A_358, %broadcast_in_dim3A_359] : memref<16x64xf32, #tpu.memory_space<vmem>>[vector<16xi32>, vector<16xi32>], vector<16xf32>,
        %get3A_361 = arith.index_cast %select_n3A_197 : i32 to index
        %get3A_362 = arith.index_cast %scan3A_357 : i32 to index
        %get3A_363 = arith.constant 0 : index
        %get3A_364 = tpu.vector_load %arg8[%get3A_361, %get3A_362, %get3A_363] {strides = array<i32>} : memref<4x64x128xf32, #tpu.memory_space<vmem>>, vector<16xf32>,
        %mul3A_365 = arith.mulf %get3A_364, %gather3A_360 : vector<16xf32>
        %swap3A_366 = arith.index_cast %select_n3A_197 : i32 to index
        %swap3A_367 = arith.index_cast %scan3A_357 : i32 to index
        %swap3A_368 = arith.constant 0 : index
        %swap3A_369 = tpu.vector_load %arg8[%swap3A_366, %swap3A_367, %swap3A_368] {strides = array<i32>} : memref<4x64x128xf32, #tpu.memory_space<vmem>>, vector<16xf32>,
        tpu.vector_store %arg8[%swap3A_366, %swap3A_367, %swap3A_368], %mul3A_365 {strides = array<i32>} : memref<4x64x128xf32, #tpu.memory_space<vmem>>, vector<16xf32>,
        %get3A_370 = arith.index_cast %select_n3A_197 : i32 to index
        %get3A_371 = arith.index_cast %scan3A_357 : i32 to index
        %get3A_372 = arith.constant 16 : index
        %get3A_373 = tpu.vector_load %arg8[%get3A_370, %get3A_371, %get3A_372] {strides = array<i32>} : memref<4x64x128xf32, #tpu.memory_space<vmem>>, vector<16xf32>,
        %mul3A_374 = arith.mulf %get3A_373, %gather3A_360 : vector<16xf32>
        %swap3A_375 = arith.index_cast %select_n3A_197 : i32 to index
        %swap3A_376 = arith.index_cast %scan3A_357 : i32 to index
        %swap3A_377 = arith.constant 16 : index
        %swap3A_378 = tpu.vector_load %arg8[%swap3A_375, %swap3A_376, %swap3A_377] {strides = array<i32>} : memref<4x64x128xf32, #tpu.memory_space<vmem>>, vector<16xf32>,
        tpu.vector_store %arg8[%swap3A_375, %swap3A_376, %swap3A_377], %mul3A_374 {strides = array<i32>} : memref<4x64x128xf32, #tpu.memory_space<vmem>>, vector<16xf32>,
        %get3A_379 = arith.index_cast %select_n3A_197 : i32 to index
        %get3A_380 = arith.index_cast %scan3A_357 : i32 to index
        %get3A_381 = arith.constant 32 : index
        %get3A_382 = tpu.vector_load %arg8[%get3A_379, %get3A_380, %get3A_381] {strides = array<i32>} : memref<4x64x128xf32, #tpu.memory_space<vmem>>, vector<16xf32>,
        %mul3A_383 = arith.mulf %get3A_382, %gather3A_360 : vector<16xf32>
        %swap3A_384 = arith.index_cast %select_n3A_197 : i32 to index
        %swap3A_385 = arith.index_cast %scan3A_357 : i32 to index
        %swap3A_386 = arith.constant 32 : index
        %swap3A_387 = tpu.vector_load %arg8[%swap3A_384, %swap3A_385, %swap3A_386] {strides = array<i32>} : memref<4x64x128xf32, #tpu.memory_space<vmem>>, vector<16xf32>,
        tpu.vector_store %arg8[%swap3A_384, %swap3A_385, %swap3A_386], %mul3A_383 {strides = array<i32>} : memref<4x64x128xf32, #tpu.memory_space<vmem>>, vector<16xf32>,
        %get3A_388 = arith.index_cast %select_n3A_197 : i32 to index
        %get3A_389 = arith.index_cast %scan3A_357 : i32 to index
        %get3A_390 = arith.constant 48 : index
        %get3A_391 = tpu.vector_load %arg8[%get3A_388, %get3A_389, %get3A_390] {strides = array<i32>} : memref<4x64x128xf32, #tpu.memory_space<vmem>>, vector<16xf32>,
        %mul3A_392 = arith.mulf %get3A_391, %gather3A_360 : vector<16xf32>
        %swap3A_393 = arith.index_cast %select_n3A_197 : i32 to index
        %swap3A_394 = arith.index_cast %scan3A_357 : i32 to index
        %swap3A_395 = arith.constant 48 : index
        %swap3A_396 = tpu.vector_load %arg8[%swap3A_393, %swap3A_394, %swap3A_395] {strides = array<i32>} : memref<4x64x128xf32, #tpu.memory_space<vmem>>, vector<16xf32>,
        tpu.vector_store %arg8[%swap3A_393, %swap3A_394, %swap3A_395], %mul3A_392 {strides = array<i32>} : memref<4x64x128xf32, #tpu.memory_space<vmem>>, vector<16xf32>,
        %get3A_397 = arith.index_cast %select_n3A_197 : i32 to index
        %get3A_398 = arith.index_cast %scan3A_357 : i32 to index
        %get3A_399 = arith.constant 64 : index
        %get3A_400 = tpu.vector_load %arg8[%get3A_397, %get3A_398, %get3A_399] {strides = array<i32>} : memref<4x64x128xf32, #tpu.memory_space<vmem>>, vector<16xf32>,
        %mul3A_401 = arith.mulf %get3A_400, %gather3A_360 : vector<16xf32>
        %swap3A_402 = arith.index_cast %select_n3A_197 : i32 to index
        %swap3A_403 = arith.index_cast %scan3A_357 : i32 to index
        %swap3A_404 = arith.constant 64 : index
        %swap3A_405 = tpu.vector_load %arg8[%swap3A_402, %swap3A_403, %swap3A_404] {strides = array<i32>} : memref<4x64x128xf32, #tpu.memory_space<vmem>>, vector<16xf32>,
        tpu.vector_store %arg8[%swap3A_402, %swap3A_403, %swap3A_404], %mul3A_401 {strides = array<i32>} : memref<4x64x128xf32, #tpu.memory_space<vmem>>, vector<16xf32>,
        %get3A_406 = arith.index_cast %select_n3A_197 : i32 to index
        %get3A_407 = arith.index_cast %scan3A_357 : i32 to index
        %get3A_408 = arith.constant 80 : index
        %get3A_409 = tpu.vector_load %arg8[%get3A_406, %get3A_407, %get3A_408] {strides = array<i32>} : memref<4x64x128xf32, #tpu.memory_space<vmem>>, vector<16xf32>,
        %mul3A_410 = arith.mulf %get3A_409, %gather3A_360 : vector<16xf32>
        %swap3A_411 = arith.index_cast %select_n3A_197 : i32 to index
        %swap3A_412 = arith.index_cast %scan3A_357 : i32 to index
        %swap3A_413 = arith.constant 80 : index
        %swap3A_414 = tpu.vector_load %arg8[%swap3A_411, %swap3A_412, %swap3A_413] {strides = array<i32>} : memref<4x64x128xf32, #tpu.memory_space<vmem>>, vector<16xf32>,
        tpu.vector_store %arg8[%swap3A_411, %swap3A_412, %swap3A_413], %mul3A_410 {strides = array<i32>} : memref<4x64x128xf32, #tpu.memory_space<vmem>>, vector<16xf32>,
        %get3A_415 = arith.index_cast %select_n3A_197 : i32 to index
        %get3A_416 = arith.index_cast %scan3A_357 : i32 to index
        %get3A_417 = arith.constant 96 : index
        %get3A_418 = tpu.vector_load %arg8[%get3A_415, %get3A_416, %get3A_417] {strides = array<i32>} : memref<4x64x128xf32, #tpu.memory_space<vmem>>, vector<16xf32>,
        %mul3A_419 = arith.mulf %get3A_418, %gather3A_360 : vector<16xf32>
        %swap3A_420 = arith.index_cast %select_n3A_197 : i32 to index
        %swap3A_421 = arith.index_cast %scan3A_357 : i32 to index
        %swap3A_422 = arith.constant 96 : index
        %swap3A_423 = tpu.vector_load %arg8[%swap3A_420, %swap3A_421, %swap3A_422] {strides = array<i32>} : memref<4x64x128xf32, #tpu.memory_space<vmem>>, vector<16xf32>,
        tpu.vector_store %arg8[%swap3A_420, %swap3A_421, %swap3A_422], %mul3A_419 {strides = array<i32>} : memref<4x64x128xf32, #tpu.memory_space<vmem>>, vector<16xf32>,
        %get3A_424 = arith.index_cast %select_n3A_197 : i32 to index
        %get3A_425 = arith.index_cast %scan3A_357 : i32 to index
        %get3A_426 = arith.constant 112 : index
        %get3A_427 = tpu.vector_load %arg8[%get3A_424, %get3A_425, %get3A_426] {strides = array<i32>} : memref<4x64x128xf32, #tpu.memory_space<vmem>>, vector<16xf32>,
        %mul3A_428 = arith.mulf %get3A_427, %gather3A_360 : vector<16xf32>
        %swap3A_429 = arith.index_cast %select_n3A_197 : i32 to index
        %swap3A_430 = arith.index_cast %scan3A_357 : i32 to index
        %swap3A_431 = arith.constant 112 : index
        %swap3A_432 = tpu.vector_load %arg8[%swap3A_429, %swap3A_430, %swap3A_431] {strides = array<i32>} : memref<4x64x128xf32, #tpu.memory_space<vmem>>, vector<16xf32>,
        tpu.vector_store %arg8[%swap3A_429, %swap3A_430, %swap3A_431], %mul3A_428 {strides = array<i32>} : memref<4x64x128xf32, #tpu.memory_space<vmem>>, vector<16xf32>,
        %scan3A_433 = arith.constant 0 : i32
        %scan3A_434 = arith.constant 2 : i32
        %scan3A_435 = arith.addi %scan3A_282, %scan3A_434 : i32
        %broadcast_in_dim3A_436 = vector.broadcast %select_n3A_213 : i32 to vector<16xi32>
        %broadcast_in_dim3A_437 = vector.broadcast %scan3A_435 : i32 to vector<16xi32>
        %gather3A_438 = tpu.vector_load_idx %arg11[%broadcast_in_dim3A_436, %broadcast_in_dim3A_437] : memref<16x64xf32, #tpu.memory_space<vmem>>[vector<16xi32>, vector<16xi32>], vector<16xf32>,
        %get3A_439 = arith.index_cast %select_n3A_197 : i32 to index
        %get3A_440 = arith.index_cast %scan3A_435 : i32 to index
        %get3A_441 = arith.constant 0 : index
        %get3A_442 = tpu.vector_load %arg8[%get3A_439, %get3A_440, %get3A_441] {strides = array<i32>} : memref<4x64x128xf32, #tpu.memory_space<vmem>>, vector<16xf32>,
        %mul3A_443 = arith.mulf %get3A_442, %gather3A_438 : vector<16xf32>
        %swap3A_444 = arith.index_cast %select_n3A_197 : i32 to index
        %swap3A_445 = arith.index_cast %scan3A_435 : i32 to index
        %swap3A_446 = arith.constant 0 : index
        %swap3A_447 = tpu.vector_load %arg8[%swap3A_444, %swap3A_445, %swap3A_446] {strides = array<i32>} : memref<4x64x128xf32, #tpu.memory_space<vmem>>, vector<16xf32>,
        tpu.vector_store %arg8[%swap3A_444, %swap3A_445, %swap3A_446], %mul3A_443 {strides = array<i32>} : memref<4x64x128xf32, #tpu.memory_space<vmem>>, vector<16xf32>,
        %get3A_448 = arith.index_cast %select_n3A_197 : i32 to index
        %get3A_449 = arith.index_cast %scan3A_435 : i32 to index
        %get3A_450 = arith.constant 16 : index
        %get3A_451 = tpu.vector_load %arg8[%get3A_448, %get3A_449, %get3A_450] {strides = array<i32>} : memref<4x64x128xf32, #tpu.memory_space<vmem>>, vector<16xf32>,
        %mul3A_452 = arith.mulf %get3A_451, %gather3A_438 : vector<16xf32>
        %swap3A_453 = arith.index_cast %select_n3A_197 : i32 to index
        %swap3A_454 = arith.index_cast %scan3A_435 : i32 to index
        %swap3A_455 = arith.constant 16 : index
        %swap3A_456 = tpu.vector_load %arg8[%swap3A_453, %swap3A_454, %swap3A_455] {strides = array<i32>} : memref<4x64x128xf32, #tpu.memory_space<vmem>>, vector<16xf32>,
        tpu.vector_store %arg8[%swap3A_453, %swap3A_454, %swap3A_455], %mul3A_452 {strides = array<i32>} : memref<4x64x128xf32, #tpu.memory_space<vmem>>, vector<16xf32>,
        %get3A_457 = arith.index_cast %select_n3A_197 : i32 to index
        %get3A_458 = arith.index_cast %scan3A_435 : i32 to index
        %get3A_459 = arith.constant 32 : index
        %get3A_460 = tpu.vector_load %arg8[%get3A_457, %get3A_458, %get3A_459] {strides = array<i32>} : memref<4x64x128xf32, #tpu.memory_space<vmem>>, vector<16xf32>,
        %mul3A_461 = arith.mulf %get3A_460, %gather3A_438 : vector<16xf32>
        %swap3A_462 = arith.index_cast %select_n3A_197 : i32 to index
        %swap3A_463 = arith.index_cast %scan3A_435 : i32 to index
        %swap3A_464 = arith.constant 32 : index
        %swap3A_465 = tpu.vector_load %arg8[%swap3A_462, %swap3A_463, %swap3A_464] {strides = array<i32>} : memref<4x64x128xf32, #tpu.memory_space<vmem>>, vector<16xf32>,
        tpu.vector_store %arg8[%swap3A_462, %swap3A_463, %swap3A_464], %mul3A_461 {strides = array<i32>} : memref<4x64x128xf32, #tpu.memory_space<vmem>>, vector<16xf32>,
        %get3A_466 = arith.index_cast %select_n3A_197 : i32 to index
        %get3A_467 = arith.index_cast %scan3A_435 : i32 to index
        %get3A_468 = arith.constant 48 : index
        %get3A_469 = tpu.vector_load %arg8[%get3A_466, %get3A_467, %get3A_468] {strides = array<i32>} : memref<4x64x128xf32, #tpu.memory_space<vmem>>, vector<16xf32>,
        %mul3A_470 = arith.mulf %get3A_469, %gather3A_438 : vector<16xf32>
        %swap3A_471 = arith.index_cast %select_n3A_197 : i32 to index
        %swap3A_472 = arith.index_cast %scan3A_435 : i32 to index
        %swap3A_473 = arith.constant 48 : index
        %swap3A_474 = tpu.vector_load %arg8[%swap3A_471, %swap3A_472, %swap3A_473] {strides = array<i32>} : memref<4x64x128xf32, #tpu.memory_space<vmem>>, vector<16xf32>,
        tpu.vector_store %arg8[%swap3A_471, %swap3A_472, %swap3A_473], %mul3A_470 {strides = array<i32>} : memref<4x64x128xf32, #tpu.memory_space<vmem>>, vector<16xf32>,
        %get3A_475 = arith.index_cast %select_n3A_197 : i32 to index
        %get3A_476 = arith.index_cast %scan3A_435 : i32 to index
        %get3A_477 = arith.constant 64 : index
        %get3A_478 = tpu.vector_load %arg8[%get3A_475, %get3A_476, %get3A_477] {strides = array<i32>} : memref<4x64x128xf32, #tpu.memory_space<vmem>>, vector<16xf32>,
        %mul3A_479 = arith.mulf %get3A_478, %gather3A_438 : vector<16xf32>
        %swap3A_480 = arith.index_cast %select_n3A_197 : i32 to index
        %swap3A_481 = arith.index_cast %scan3A_435 : i32 to index
        %swap3A_482 = arith.constant 64 : index
        %swap3A_483 = tpu.vector_load %arg8[%swap3A_480, %swap3A_481, %swap3A_482] {strides = array<i32>} : memref<4x64x128xf32, #tpu.memory_space<vmem>>, vector<16xf32>,
        tpu.vector_store %arg8[%swap3A_480, %swap3A_481, %swap3A_482], %mul3A_479 {strides = array<i32>} : memref<4x64x128xf32, #tpu.memory_space<vmem>>, vector<16xf32>,
        %get3A_484 = arith.index_cast %select_n3A_197 : i32 to index
        %get3A_485 = arith.index_cast %scan3A_435 : i32 to index
        %get3A_486 = arith.constant 80 : index
        %get3A_487 = tpu.vector_load %arg8[%get3A_484, %get3A_485, %get3A_486] {strides = array<i32>} : memref<4x64x128xf32, #tpu.memory_space<vmem>>, vector<16xf32>,
        %mul3A_488 = arith.mulf %get3A_487, %gather3A_438 : vector<16xf32>
        %swap3A_489 = arith.index_cast %select_n3A_197 : i32 to index
        %swap3A_490 = arith.index_cast %scan3A_435 : i32 to index
        %swap3A_491 = arith.constant 80 : index
        %swap3A_492 = tpu.vector_load %arg8[%swap3A_489, %swap3A_490, %swap3A_491] {strides = array<i32>} : memref<4x64x128xf32, #tpu.memory_space<vmem>>, vector<16xf32>,
        tpu.vector_store %arg8[%swap3A_489, %swap3A_490, %swap3A_491], %mul3A_488 {strides = array<i32>} : memref<4x64x128xf32, #tpu.memory_space<vmem>>, vector<16xf32>,
        %get3A_493 = arith.index_cast %select_n3A_197 : i32 to index
        %get3A_494 = arith.index_cast %scan3A_435 : i32 to index
        %get3A_495 = arith.constant 96 : index
        %get3A_496 = tpu.vector_load %arg8[%get3A_493, %get3A_494, %get3A_495] {strides = array<i32>} : memref<4x64x128xf32, #tpu.memory_space<vmem>>, vector<16xf32>,
        %mul3A_497 = arith.mulf %get3A_496, %gather3A_438 : vector<16xf32>
        %swap3A_498 = arith.index_cast %select_n3A_197 : i32 to index
        %swap3A_499 = arith.index_cast %scan3A_435 : i32 to index
        %swap3A_500 = arith.constant 96 : index
        %swap3A_501 = tpu.vector_load %arg8[%swap3A_498, %swap3A_499, %swap3A_500] {strides = array<i32>} : memref<4x64x128xf32, #tpu.memory_space<vmem>>, vector<16xf32>,
        tpu.vector_store %arg8[%swap3A_498, %swap3A_499, %swap3A_500], %mul3A_497 {strides = array<i32>} : memref<4x64x128xf32, #tpu.memory_space<vmem>>, vector<16xf32>,
        %get3A_502 = arith.index_cast %select_n3A_197 : i32 to index
        %get3A_503 = arith.index_cast %scan3A_435 : i32 to index
        %get3A_504 = arith.constant 112 : index
        %get3A_505 = tpu.vector_load %arg8[%get3A_502, %get3A_503, %get3A_504] {strides = array<i32>} : memref<4x64x128xf32, #tpu.memory_space<vmem>>, vector<16xf32>,
        %mul3A_506 = arith.mulf %get3A_505, %gather3A_438 : vector<16xf32>
        %swap3A_507 = arith.index_cast %select_n3A_197 : i32 to index
        %swap3A_508 = arith.index_cast %scan3A_435 : i32 to index
        %swap3A_509 = arith.constant 112 : index
        %swap3A_510 = tpu.vector_load %arg8[%swap3A_507, %swap3A_508, %swap3A_509] {strides = array<i32>} : memref<4x64x128xf32, #tpu.memory_space<vmem>>, vector<16xf32>,
        tpu.vector_store %arg8[%swap3A_507, %swap3A_508, %swap3A_509], %mul3A_506 {strides = array<i32>} : memref<4x64x128xf32, #tpu.memory_space<vmem>>, vector<16xf32>,
        %scan3A_511 = arith.constant 0 : i32
        %scan3A_512 = arith.constant 3 : i32
        %scan3A_513 = arith.addi %scan3A_282, %scan3A_512 : i32
        %broadcast_in_dim3A_514 = vector.broadcast %select_n3A_213 : i32 to vector<16xi32>
        %broadcast_in_dim3A_515 = vector.broadcast %scan3A_513 : i32 to vector<16xi32>
        %gather3A_516 = tpu.vector_load_idx %arg11[%broadcast_in_dim3A_514, %broadcast_in_dim3A_515] : memref<16x64xf32, #tpu.memory_space<vmem>>[vector<16xi32>, vector<16xi32>], vector<16xf32>,
        %get3A_517 = arith.index_cast %select_n3A_197 : i32 to index
        %get3A_518 = arith.index_cast %scan3A_513 : i32 to index
        %get3A_519 = arith.constant 0 : index
        %get3A_520 = tpu.vector_load %arg8[%get3A_517, %get3A_518, %get3A_519] {strides = array<i32>} : memref<4x64x128xf32, #tpu.memory_space<vmem>>, vector<16xf32>,
        %mul3A_521 = arith.mulf %get3A_520, %gather3A_516 : vector<16xf32>
        %swap3A_522 = arith.index_cast %select_n3A_197 : i32 to index
        %swap3A_523 = arith.index_cast %scan3A_513 : i32 to index
        %swap3A_524 = arith.constant 0 : index
        %swap3A_525 = tpu.vector_load %arg8[%swap3A_522, %swap3A_523, %swap3A_524] {strides = array<i32>} : memref<4x64x128xf32, #tpu.memory_space<vmem>>, vector<16xf32>,
        tpu.vector_store %arg8[%swap3A_522, %swap3A_523, %swap3A_524], %mul3A_521 {strides = array<i32>} : memref<4x64x128xf32, #tpu.memory_space<vmem>>, vector<16xf32>,
        %get3A_526 = arith.index_cast %select_n3A_197 : i32 to index
        %get3A_527 = arith.index_cast %scan3A_513 : i32 to index
        %get3A_528 = arith.constant 16 : index
        %get3A_529 = tpu.vector_load %arg8[%get3A_526, %get3A_527, %get3A_528] {strides = array<i32>} : memref<4x64x128xf32, #tpu.memory_space<vmem>>, vector<16xf32>,
        %mul3A_530 = arith.mulf %get3A_529, %gather3A_516 : vector<16xf32>
        %swap3A_531 = arith.index_cast %select_n3A_197 : i32 to index
        %swap3A_532 = arith.index_cast %scan3A_513 : i32 to index
        %swap3A_533 = arith.constant 16 : index
        %swap3A_534 = tpu.vector_load %arg8[%swap3A_531, %swap3A_532, %swap3A_533] {strides = array<i32>} : memref<4x64x128xf32, #tpu.memory_space<vmem>>, vector<16xf32>,
        tpu.vector_store %arg8[%swap3A_531, %swap3A_532, %swap3A_533], %mul3A_530 {strides = array<i32>} : memref<4x64x128xf32, #tpu.memory_space<vmem>>, vector<16xf32>,
        %get3A_535 = arith.index_cast %select_n3A_197 : i32 to index
        %get3A_536 = arith.index_cast %scan3A_513 : i32 to index
        %get3A_537 = arith.constant 32 : index
        %get3A_538 = tpu.vector_load %arg8[%get3A_535, %get3A_536, %get3A_537] {strides = array<i32>} : memref<4x64x128xf32, #tpu.memory_space<vmem>>, vector<16xf32>,
        %mul3A_539 = arith.mulf %get3A_538, %gather3A_516 : vector<16xf32>
        %swap3A_540 = arith.index_cast %select_n3A_197 : i32 to index
        %swap3A_541 = arith.index_cast %scan3A_513 : i32 to index
        %swap3A_542 = arith.constant 32 : index
        %swap3A_543 = tpu.vector_load %arg8[%swap3A_540, %swap3A_541, %swap3A_542] {strides = array<i32>} : memref<4x64x128xf32, #tpu.memory_space<vmem>>, vector<16xf32>,
        tpu.vector_store %arg8[%swap3A_540, %swap3A_541, %swap3A_542], %mul3A_539 {strides = array<i32>} : memref<4x64x128xf32, #tpu.memory_space<vmem>>, vector<16xf32>,
        %get3A_544 = arith.index_cast %select_n3A_197 : i32 to index
        %get3A_545 = arith.index_cast %scan3A_513 : i32 to index
        %get3A_546 = arith.constant 48 : index
        %get3A_547 = tpu.vector_load %arg8[%get3A_544, %get3A_545, %get3A_546] {strides = array<i32>} : memref<4x64x128xf32, #tpu.memory_space<vmem>>, vector<16xf32>,
        %mul3A_548 = arith.mulf %get3A_547, %gather3A_516 : vector<16xf32>
        %swap3A_549 = arith.index_cast %select_n3A_197 : i32 to index
        %swap3A_550 = arith.index_cast %scan3A_513 : i32 to index
        %swap3A_551 = arith.constant 48 : index
        %swap3A_552 = tpu.vector_load %arg8[%swap3A_549, %swap3A_550, %swap3A_551] {strides = array<i32>} : memref<4x64x128xf32, #tpu.memory_space<vmem>>, vector<16xf32>,
        tpu.vector_store %arg8[%swap3A_549, %swap3A_550, %swap3A_551], %mul3A_548 {strides = array<i32>} : memref<4x64x128xf32, #tpu.memory_space<vmem>>, vector<16xf32>,
        %get3A_553 = arith.index_cast %select_n3A_197 : i32 to index
        %get3A_554 = arith.index_cast %scan3A_513 : i32 to index
        %get3A_555 = arith.constant 64 : index
        %get3A_556 = tpu.vector_load %arg8[%get3A_553, %get3A_554, %get3A_555] {strides = array<i32>} : memref<4x64x128xf32, #tpu.memory_space<vmem>>, vector<16xf32>,
        %mul3A_557 = arith.mulf %get3A_556, %gather3A_516 : vector<16xf32>
        %swap3A_558 = arith.index_cast %select_n3A_197 : i32 to index
        %swap3A_559 = arith.index_cast %scan3A_513 : i32 to index
        %swap3A_560 = arith.constant 64 : index
        %swap3A_561 = tpu.vector_load %arg8[%swap3A_558, %swap3A_559, %swap3A_560] {strides = array<i32>} : memref<4x64x128xf32, #tpu.memory_space<vmem>>, vector<16xf32>,
        tpu.vector_store %arg8[%swap3A_558, %swap3A_559, %swap3A_560], %mul3A_557 {strides = array<i32>} : memref<4x64x128xf32, #tpu.memory_space<vmem>>, vector<16xf32>,
        %get3A_562 = arith.index_cast %select_n3A_197 : i32 to index
        %get3A_563 = arith.index_cast %scan3A_513 : i32 to index
        %get3A_564 = arith.constant 80 : index
        %get3A_565 = tpu.vector_load %arg8[%get3A_562, %get3A_563, %get3A_564] {strides = array<i32>} : memref<4x64x128xf32, #tpu.memory_space<vmem>>, vector<16xf32>,
        %mul3A_566 = arith.mulf %get3A_565, %gather3A_516 : vector<16xf32>
        %swap3A_567 = arith.index_cast %select_n3A_197 : i32 to index
        %swap3A_568 = arith.index_cast %scan3A_513 : i32 to index
        %swap3A_569 = arith.constant 80 : index
        %swap3A_570 = tpu.vector_load %arg8[%swap3A_567, %swap3A_568, %swap3A_569] {strides = array<i32>} : memref<4x64x128xf32, #tpu.memory_space<vmem>>, vector<16xf32>,
        tpu.vector_store %arg8[%swap3A_567, %swap3A_568, %swap3A_569], %mul3A_566 {strides = array<i32>} : memref<4x64x128xf32, #tpu.memory_space<vmem>>, vector<16xf32>,
        %get3A_571 = arith.index_cast %select_n3A_197 : i32 to index
        %get3A_572 = arith.index_cast %scan3A_513 : i32 to index
        %get3A_573 = arith.constant 96 : index
        %get3A_574 = tpu.vector_load %arg8[%get3A_571, %get3A_572, %get3A_573] {strides = array<i32>} : memref<4x64x128xf32, #tpu.memory_space<vmem>>, vector<16xf32>,
        %mul3A_575 = arith.mulf %get3A_574, %gather3A_516 : vector<16xf32>
        %swap3A_576 = arith.index_cast %select_n3A_197 : i32 to index
        %swap3A_577 = arith.index_cast %scan3A_513 : i32 to index
        %swap3A_578 = arith.constant 96 : index
        %swap3A_579 = tpu.vector_load %arg8[%swap3A_576, %swap3A_577, %swap3A_578] {strides = array<i32>} : memref<4x64x128xf32, #tpu.memory_space<vmem>>, vector<16xf32>,
        tpu.vector_store %arg8[%swap3A_576, %swap3A_577, %swap3A_578], %mul3A_575 {strides = array<i32>} : memref<4x64x128xf32, #tpu.memory_space<vmem>>, vector<16xf32>,
        %get3A_580 = arith.index_cast %select_n3A_197 : i32 to index
        %get3A_581 = arith.index_cast %scan3A_513 : i32 to index
        %get3A_582 = arith.constant 112 : index
        %get3A_583 = tpu.vector_load %arg8[%get3A_580, %get3A_581, %get3A_582] {strides = array<i32>} : memref<4x64x128xf32, #tpu.memory_space<vmem>>, vector<16xf32>,
        %mul3A_584 = arith.mulf %get3A_583, %gather3A_516 : vector<16xf32>
        %swap3A_585 = arith.index_cast %select_n3A_197 : i32 to index
        %swap3A_586 = arith.index_cast %scan3A_513 : i32 to index
        %swap3A_587 = arith.constant 112 : index
        %swap3A_588 = tpu.vector_load %arg8[%swap3A_585, %swap3A_586, %swap3A_587] {strides = array<i32>} : memref<4x64x128xf32, #tpu.memory_space<vmem>>, vector<16xf32>,
        tpu.vector_store %arg8[%swap3A_585, %swap3A_586, %swap3A_587], %mul3A_584 {strides = array<i32>} : memref<4x64x128xf32, #tpu.memory_space<vmem>>, vector<16xf32>,
        %scan3A_589 = arith.constant 0 : i32
        scf.yield %scan3A_589 : i32
      }
      %scan3A_220 = arith.constant 64 : i32
      %jit3A_221 = arith.constant 4 : i32
      %eq3A_222 = arith.constant 0 : i32
      %eq3A_223 = arith.cmpi eq, %jit3A_221, %eq3A_222 : i32
      %jit3A_224 = arith.constant 1 : i32
      %select_n3A_225 = arith.select %eq3A_223, %jit3A_224, %jit3A_221 : i32
      %rem3A_226 = arith.remsi %scan3A_106, %select_n3A_225 : i32
      %ne3A_227 = arith.constant 0 : i32
      %ne3A_228 = arith.cmpi ne, %rem3A_226, %ne3A_227 : i32
      %lt3A_229 = arith.constant 0 : i32
      %lt3A_230 = arith.cmpi slt, %rem3A_226, %lt3A_229 : i32
      %lt3A_231 = arith.constant 0 : i32
      %lt3A_232 = arith.cmpi slt, %select_n3A_225, %lt3A_231 : i32
      %ne3A_233 = arith.xori %lt3A_230, %lt3A_232 : i1
      %and3A_234 = arith.andi %ne3A_233, %ne3A_228 : i1
      %add3A_235 = arith.addi %rem3A_226, %select_n3A_225 : i32
      %select_n3A_236 = arith.select %and3A_234, %add3A_235, %rem3A_226 : i32
      %jit3A_237 = arith.constant 16 : i32
      %eq3A_238 = arith.constant 0 : i32
      %eq3A_239 = arith.cmpi eq, %jit3A_237, %eq3A_238 : i32
      %jit3A_240 = arith.constant 1 : i32
      %select_n3A_241 = arith.select %eq3A_239, %jit3A_240, %jit3A_237 : i32
      %rem3A_242 = arith.remsi %scan3A_106, %select_n3A_241 : i32
      %ne3A_243 = arith.constant 0 : i32
      %ne3A_244 = arith.cmpi ne, %rem3A_242, %ne3A_243 : i32
      %lt3A_245 = arith.constant 0 : i32
      %lt3A_246 = arith.cmpi slt, %rem3A_242, %lt3A_245 : i32
      %lt3A_247 = arith.constant 0 : i32
      %lt3A_248 = arith.cmpi slt, %select_n3A_241, %lt3A_247 : i32
      %ne3A_249 = arith.xori %lt3A_246, %lt3A_248 : i1
      %and3A_250 = arith.andi %ne3A_249, %ne3A_244 : i1
      %add3A_251 = arith.addi %rem3A_242, %select_n3A_241 : i32
      %select_n3A_252 = arith.select %and3A_250, %add3A_251, %rem3A_242 : i32
      %jit3A_253 = arith.constant 4 : i32
      %eq3A_254 = arith.constant 0 : i32
      %eq3A_255 = arith.cmpi eq, %jit3A_253, %eq3A_254 : i32
      %jit3A_256 = arith.constant 1 : i32
      %select_n3A_257 = arith.select %eq3A_255, %jit3A_256, %jit3A_253 : i32
      %rem3A_258 = arith.remsi %scan3A_106, %select_n3A_257 : i32
      %ne3A_259 = arith.constant 0 : i32
      %ne3A_260 = arith.cmpi ne, %rem3A_258, %ne3A_259 : i32
      %lt3A_261 = arith.constant 0 : i32
      %lt3A_262 = arith.cmpi slt, %rem3A_258, %lt3A_261 : i32
      %lt3A_263 = arith.constant 0 : i32
      %lt3A_264 = arith.cmpi slt, %select_n3A_257, %lt3A_263 : i32
      %ne3A_265 = arith.xori %lt3A_262, %lt3A_264 : i1
      %and3A_266 = arith.andi %ne3A_265, %ne3A_260 : i1
      %add3A_267 = arith.addi %rem3A_258, %select_n3A_257 : i32
      %select_n3A_268 = arith.select %and3A_266, %add3A_267, %rem3A_258 : i32
      %dma_start3A_269 = arith.constant 0 : i32
      %dma_start3A_270 = arith.constant 0 : i32
      %dma_start3A_271 = tpu.memref_slice %arg8[%select_n3A_236, %dma_start3A_269, %dma_start3A_270] : memref<4x64x128xf32, #tpu.memory_space<vmem>> -> memref<1x64x128xf32, #tpu.memory_space<vmem>>
      %dma_start3A_272 = tpu.memref_squeeze %dma_start3A_271 : memref<1x64x128xf32, #tpu.memory_space<vmem>> -> memref<64x128xf32, #tpu.memory_space<vmem>>
      %dma_start3A_273 = arith.constant 0 : i32
      %dma_start3A_274 = tpu.memref_slice %arg10[%select_n3A_252, %dma_start3A_273] : memref<16x64xi32, #tpu.memory_space<vmem>> -> memref<1x64xi32, #tpu.memory_space<vmem>>
      %dma_start3A_275 = tpu.memref_squeeze %dma_start3A_274 : memref<1x64xi32, #tpu.memory_space<vmem>> -> memref<64xi32, #tpu.memory_space<vmem>>
      %dma_start3A_276 = arith.constant 0 : i32
      %dma_start3A_277 = arith.constant 0 : i32
      %dma_start3A_278 = tpu.memref_slice %arg7[%dma_start3A_276, %dma_start3A_277] : memref<10240x128xf32, #tpu.memory_space<vmem_shared>> -> memref<10240x128xf32, #tpu.memory_space<vmem_shared>>
      %dma_start3A_279 = tpu.memref_slice %arg13[%select_n3A_268] : memref<4x!tpu.dma_semaphore, #tpu.memory_space<semaphore_mem>> -> memref<1x!tpu.dma_semaphore, #tpu.memory_space<semaphore_mem>>
      %dma_start3A_280 = tpu.memref_squeeze %dma_start3A_279 : memref<1x!tpu.dma_semaphore, #tpu.memory_space<semaphore_mem>> -> memref<!tpu.dma_semaphore, #tpu.memory_space<semaphore_mem>>
      tpu.enqueue_indirect_dma source(%dma_start3A_272 : memref<64x128xf32, #tpu.memory_space<vmem>>) target(%dma_start3A_278 : memref<10240x128xf32, #tpu.memory_space<vmem_shared>>) offsets(%dma_start3A_275 : memref<64xi32, #tpu.memory_space<vmem>>) semaphore(%dma_start3A_280 : memref<!tpu.dma_semaphore, #tpu.memory_space<semaphore_mem>>) {add = true}
      %scan3A_281 = arith.constant 0 : i32
      scf.yield %scan3A_281 : i32
    }
    %scan3A_75 = arith.constant 160 : i32
    %dma_wait3A = arith.constant 2 : i32
    %dma_wait3A_76 = arith.constant 14 : i32
    %dma_wait3A_77 = arith.constant 2 : i32
    %dma_wait3A_78 = arith.constant 0 : i32
    %dma_wait3A_79 = arith.constant 0 : i32
    %dma_wait3A_80 = tpu.memref_slice %arg8[%dma_wait3A, %dma_wait3A_78, %dma_wait3A_79] : memref<4x64x128xf32, #tpu.memory_space<vmem>> -> memref<1x64x128xf32, #tpu.memory_space<vmem>>
    %dma_wait3A_81 = tpu.memref_squeeze %dma_wait3A_80 : memref<1x64x128xf32, #tpu.memory_space<vmem>> -> memref<64x128xf32, #tpu.memory_space<vmem>>
    %dma_wait3A_82 = arith.constant 0 : i32
    %dma_wait3A_83 = tpu.memref_slice %arg10[%dma_wait3A_76, %dma_wait3A_82] : memref<16x64xi32, #tpu.memory_space<vmem>> -> memref<1x64xi32, #tpu.memory_space<vmem>>
    %dma_wait3A_84 = tpu.memref_squeeze %dma_wait3A_83 : memref<1x64xi32, #tpu.memory_space<vmem>> -> memref<64xi32, #tpu.memory_space<vmem>>
    %dma_wait3A_85 = arith.constant 0 : i32
    %dma_wait3A_86 = arith.constant 0 : i32
    %dma_wait3A_87 = tpu.memref_slice %arg7[%dma_wait3A_85, %dma_wait3A_86] : memref<10240x128xf32, #tpu.memory_space<vmem_shared>> -> memref<10240x128xf32, #tpu.memory_space<vmem_shared>>
    %dma_wait3A_88 = tpu.memref_slice %arg13[%dma_wait3A_77] : memref<4x!tpu.dma_semaphore, #tpu.memory_space<semaphore_mem>> -> memref<1x!tpu.dma_semaphore, #tpu.memory_space<semaphore_mem>>
    %dma_wait3A_89 = tpu.memref_squeeze %dma_wait3A_88 : memref<1x!tpu.dma_semaphore, #tpu.memory_space<semaphore_mem>> -> memref<!tpu.dma_semaphore, #tpu.memory_space<semaphore_mem>>
    tpu.wait_indirect_dma semaphore(%dma_wait3A_89 : memref<!tpu.dma_semaphore, #tpu.memory_space<semaphore_mem>>) src(%dma_wait3A_81 : memref<64x128xf32, #tpu.memory_space<vmem>>) dst(%dma_wait3A_87 : memref<10240x128xf32, #tpu.memory_space<vmem_shared>>)
    %dma_wait3A_90 = arith.constant 3 : i32
    %dma_wait3A_91 = arith.constant 15 : i32
    %dma_wait3A_92 = arith.constant 3 : i32
    %dma_wait3A_93 = arith.constant 0 : i32
    %dma_wait3A_94 = arith.constant 0 : i32
    %dma_wait3A_95 = tpu.memref_slice %arg8[%dma_wait3A_90, %dma_wait3A_93, %dma_wait3A_94] : memref<4x64x128xf32, #tpu.memory_space<vmem>> -> memref<1x64x128xf32, #tpu.memory_space<vmem>>
    %dma_wait3A_96 = tpu.memref_squeeze %dma_wait3A_95 : memref<1x64x128xf32, #tpu.memory_space<vmem>> -> memref<64x128xf32, #tpu.memory_space<vmem>>
    %dma_wait3A_97 = arith.constant 0 : i32
    %dma_wait3A_98 = tpu.memref_slice %arg10[%dma_wait3A_91, %dma_wait3A_97] : memref<16x64xi32, #tpu.memory_space<vmem>> -> memref<1x64xi32, #tpu.memory_space<vmem>>
    %dma_wait3A_99 = tpu.memref_squeeze %dma_wait3A_98 : memref<1x64xi32, #tpu.memory_space<vmem>> -> memref<64xi32, #tpu.memory_space<vmem>>
    %dma_wait3A_100 = arith.constant 0 : i32
    %dma_wait3A_101 = arith.constant 0 : i32
    %dma_wait3A_102 = tpu.memref_slice %arg7[%dma_wait3A_100, %dma_wait3A_101] : memref<10240x128xf32, #tpu.memory_space<vmem_shared>> -> memref<10240x128xf32, #tpu.memory_space<vmem_shared>>
    %dma_wait3A_103 = tpu.memref_slice %arg13[%dma_wait3A_92] : memref<4x!tpu.dma_semaphore, #tpu.memory_space<semaphore_mem>> -> memref<1x!tpu.dma_semaphore, #tpu.memory_space<semaphore_mem>>
    %dma_wait3A_104 = tpu.memref_squeeze %dma_wait3A_103 : memref<1x!tpu.dma_semaphore, #tpu.memory_space<semaphore_mem>> -> memref<!tpu.dma_semaphore, #tpu.memory_space<semaphore_mem>>
    tpu.wait_indirect_dma semaphore(%dma_wait3A_104 : memref<!tpu.dma_semaphore, #tpu.memory_space<semaphore_mem>>) src(%dma_wait3A_96 : memref<64x128xf32, #tpu.memory_space<vmem>>) dst(%dma_wait3A_102 : memref<10240x128xf32, #tpu.memory_space<vmem_shared>>)
    %barrier3A_105 = arith.constant 0 : index
    tpu.barrier barrier_id(%barrier3A_105)
    "tpu.region"() ({
      %run_scoped3A_106 = tpu.sem_alloc : memref<!tpu.dma_semaphore, #tpu.memory_space<semaphore_mem>>
      %dma_start3A_107 = arith.constant 0 : i32
      %dma_start3A_108 = tpu.memref_slice %arg6[%arg0, %mul3A_0, %dma_start3A_107] : memref<2x10240x128xf32, #tpu.memory_space<hbm>> -> memref<1x640x128xf32, #tpu.memory_space<hbm>>
      %dma_start3A_109 = tpu.memref_squeeze %dma_start3A_108 : memref<1x640x128xf32, #tpu.memory_space<hbm>> -> memref<640x128xf32, #tpu.memory_space<hbm>>
      %dma_start3A_110 = arith.constant 0 : i32
      %dma_start3A_111 = tpu.memref_slice %arg7[%mul3A_0, %dma_start3A_110] : memref<10240x128xf32, #tpu.memory_space<vmem_shared>> -> memref<640x128xf32, #tpu.memory_space<vmem_shared>>
      tpu.enqueue_dma source(%dma_start3A_111 : memref<640x128xf32, #tpu.memory_space<vmem_shared>>) target(%dma_start3A_109 : memref<640x128xf32, #tpu.memory_space<hbm>>) target_semaphore(%run_scoped3A_106 : memref<!tpu.dma_semaphore, #tpu.memory_space<semaphore_mem>>)
      %dma_wait3A_112 = arith.constant 0 : i32
      %dma_wait3A_113 = tpu.memref_slice %arg6[%arg0, %mul3A_0, %dma_wait3A_112] : memref<2x10240x128xf32, #tpu.memory_space<hbm>> -> memref<1x640x128xf32, #tpu.memory_space<hbm>>
      %dma_wait3A_114 = tpu.memref_squeeze %dma_wait3A_113 : memref<1x640x128xf32, #tpu.memory_space<hbm>> -> memref<640x128xf32, #tpu.memory_space<hbm>>
      %dma_wait3A_115 = arith.constant 0 : i32
      %dma_wait3A_116 = tpu.memref_slice %arg7[%mul3A_0, %dma_wait3A_115] : memref<10240x128xf32, #tpu.memory_space<vmem_shared>> -> memref<640x128xf32, #tpu.memory_space<vmem_shared>>
      tpu.wait_dma2 semaphore(%run_scoped3A_106 : memref<!tpu.dma_semaphore, #tpu.memory_space<semaphore_mem>>) src(%dma_wait3A_116 : memref<640x128xf32, #tpu.memory_space<vmem_shared>>) dst(%dma_wait3A_114 : memref<640x128xf32, #tpu.memory_space<hbm>>)
      tpu.yield
    }) : () -> ()
    return
  }
}

module attributes {stable_mosaic.version = 14 : i64} {
  func.func @_gru_body(%arg0: memref<128x128xf32, #tpu.memory_space<vmem>>, %arg1: memref<128x128xf32, #tpu.memory_space<vmem>>, %arg2: memref<384x128xf32, #tpu.memory_space<vmem>>, %arg3: memref<384x128xf32, #tpu.memory_space<vmem>>, %arg4: memref<1x384xf32, #tpu.memory_space<vmem>>, %arg5: memref<1x384xf32, #tpu.memory_space<vmem>>, %arg6: memref<128x128xf32, #tpu.memory_space<vmem>>) attributes {dimension_semantics = [], scalar_prefetch = 0 : i64, scratch_operands = 0 : i64, tpu.core_type = #tpu.core_type<tc>} {
    %get3A = arith.constant 0 : index
    %get3A_0 = arith.constant 0 : index
    %get3A_1 = vector.load %arg0[%get3A, %get3A_0] : memref<128x128xf32, #tpu.memory_space<vmem>>, vector<128x128xf32>
    %get3A_2 = arith.constant 0 : index
    %get3A_3 = arith.constant 0 : index
    %get3A_4 = vector.load %arg1[%get3A_2, %get3A_3] : memref<128x128xf32, #tpu.memory_space<vmem>>, vector<128x128xf32>
    %get3A_5 = arith.constant 0 : index
    %get3A_6 = arith.constant 0 : index
    %get3A_7 = vector.load %arg2[%get3A_5, %get3A_6] : memref<384x128xf32, #tpu.memory_space<vmem>>, vector<384x128xf32>
    %dot_general3A = arith.constant dense<0.000000e+00> : vector<128x384xf32>
    %dot_general3A_8 = tpu.matmul %get3A_1, %get3A_7, %dot_general3A {dimension_numbers = #tpu.dot_dimension_numbers<[1], [1], [0], [0], [0, 0, 1, 0], [], []>, transpose_lhs_hint = false} : vector<128x128xf32>, vector<384x128xf32>, vector<128x384xf32> -> vector<128x384xf32>
    %get3A_9 = arith.constant 0 : index
    %get3A_10 = arith.constant 0 : index
    %get3A_11 = vector.load %arg4[%get3A_9, %get3A_10] : memref<1x384xf32, #tpu.memory_space<vmem>>, vector<1x384xf32>
    %add3A = vector.broadcast %get3A_11 : vector<1x384xf32> to vector<128x384xf32>
    %add3A_12 = arith.addf %dot_general3A_8, %add3A : vector<128x384xf32>
    %get3A_13 = arith.constant 0 : index
    %get3A_14 = arith.constant 0 : index
    %get3A_15 = vector.load %arg3[%get3A_13, %get3A_14] : memref<384x128xf32, #tpu.memory_space<vmem>>, vector<384x128xf32>
    %dot_general3A_16 = arith.constant dense<0.000000e+00> : vector<128x384xf32>
    %dot_general3A_17 = tpu.matmul %get3A_4, %get3A_15, %dot_general3A_16 {dimension_numbers = #tpu.dot_dimension_numbers<[1], [1], [0], [0], [0, 0, 1, 0], [], []>, transpose_lhs_hint = false} : vector<128x128xf32>, vector<384x128xf32>, vector<128x384xf32> -> vector<128x384xf32>
    %get3A_18 = arith.constant 0 : index
    %get3A_19 = arith.constant 0 : index
    %get3A_20 = vector.load %arg5[%get3A_18, %get3A_19] : memref<1x384xf32, #tpu.memory_space<vmem>>, vector<1x384xf32>
    %add3A_21 = vector.broadcast %get3A_20 : vector<1x384xf32> to vector<128x384xf32>
    %add3A_22 = arith.addf %dot_general3A_17, %add3A_21 : vector<128x384xf32>
    %slice3A = vector.extract_strided_slice %add3A_12 {offsets = [0, 0], sizes = [128, 128], strides = [1, 1]} : vector<128x384xf32> to vector<128x128xf32>
    %slice3A_23 = vector.extract_strided_slice %add3A_12 {offsets = [0, 128], sizes = [128, 128], strides = [1, 1]} : vector<128x384xf32> to vector<128x128xf32>
    %slice3A_24 = vector.extract_strided_slice %add3A_12 {offsets = [0, 256], sizes = [128, 128], strides = [1, 1]} : vector<128x384xf32> to vector<128x128xf32>
    %slice3A_25 = vector.extract_strided_slice %add3A_22 {offsets = [0, 0], sizes = [128, 128], strides = [1, 1]} : vector<128x384xf32> to vector<128x128xf32>
    %slice3A_26 = vector.extract_strided_slice %add3A_22 {offsets = [0, 128], sizes = [128, 128], strides = [1, 1]} : vector<128x384xf32> to vector<128x128xf32>
    %slice3A_27 = vector.extract_strided_slice %add3A_22 {offsets = [0, 256], sizes = [128, 128], strides = [1, 1]} : vector<128x384xf32> to vector<128x128xf32>
    %add3A_28 = arith.addf %slice3A, %slice3A_25 : vector<128x128xf32>
    %logistic3A = arith.negf %add3A_28 : vector<128x128xf32>
    %logistic3A_29 = math.exp %logistic3A : vector<128x128xf32>
    %logistic3A_30 = arith.constant 1.000000e+00 : f32
    %logistic3A_31 = vector.broadcast %logistic3A_30 : f32 to vector<128x128xf32>
    %logistic3A_32 = arith.addf %logistic3A_31, %logistic3A_29 : vector<128x128xf32>
    %logistic3A_33 = arith.divf %logistic3A_31, %logistic3A_32 : vector<128x128xf32>
    %add3A_34 = arith.addf %slice3A_23, %slice3A_26 : vector<128x128xf32>
    %logistic3A_35 = arith.negf %add3A_34 : vector<128x128xf32>
    %logistic3A_36 = math.exp %logistic3A_35 : vector<128x128xf32>
    %logistic3A_37 = arith.constant 1.000000e+00 : f32
    %logistic3A_38 = vector.broadcast %logistic3A_37 : f32 to vector<128x128xf32>
    %logistic3A_39 = arith.addf %logistic3A_38, %logistic3A_36 : vector<128x128xf32>
    %logistic3A_40 = arith.divf %logistic3A_38, %logistic3A_39 : vector<128x128xf32>
    %mul3A = arith.mulf %logistic3A_33, %slice3A_27 : vector<128x128xf32>
    %add3A_41 = arith.addf %slice3A_24, %mul3A : vector<128x128xf32>
    %tanh3A = math.tanh %add3A_41 : vector<128x128xf32>
    %sub3A = arith.constant 1.000000e+00 : f32
    %sub3A_42 = vector.broadcast %sub3A : f32 to vector<128x128xf32>
    %sub3A_43 = arith.subf %sub3A_42, %logistic3A_40 : vector<128x128xf32>
    %mul3A_44 = arith.mulf %sub3A_43, %tanh3A : vector<128x128xf32>
    %mul3A_45 = arith.mulf %logistic3A_40, %get3A_4 : vector<128x128xf32>
    %add3A_46 = arith.addf %mul3A_44, %mul3A_45 : vector<128x128xf32>
    %swap3A = arith.constant 0 : index
    %swap3A_47 = arith.constant 0 : index
    %swap3A_48 = vector.load %arg6[%swap3A, %swap3A_47] : memref<128x128xf32, #tpu.memory_space<vmem>>, vector<128x128xf32>
    tpu.vector_store %arg6[%swap3A, %swap3A_47], %add3A_46 {strides = array<i32>} : memref<128x128xf32, #tpu.memory_space<vmem>>, vector<128x128xf32>,
    return
  }
}

module attributes {stable_mosaic.version = 14 : i64} {
  func.func @_final_body(%arg0: i32, %arg1: memref<2000x128xf32, #tpu.memory_space<vmem>>, %arg2: memref<2000x128xf32, #tpu.memory_space<vmem>>, %arg3: memref<2000x128xf32, #tpu.memory_space<vmem>>, %arg4: memref<2000x1xf32, #tpu.memory_space<vmem>>, %arg5: memref<128x128xf32, #tpu.memory_space<vmem>>, %arg6: memref<128x128xf32, #tpu.memory_space<vmem>>, %arg7: memref<1x128xf32, #tpu.memory_space<vmem>>, %arg8: memref<2000x128xf32, #tpu.memory_space<vmem>>) attributes {dimension_semantics = [#tpu.dimension_semantics<arbitrary>], iteration_bounds = array<i64: 5>, scalar_prefetch = 0 : i64, scratch_operands = 0 : i64, tpu.core_type = #tpu.core_type<tc>, window_params = [{transform_indices = @transform_0, window_bounds = array<i64: 2000, 128>}, {transform_indices = @transform_1, window_bounds = array<i64: 2000, 128>}, {transform_indices = @transform_2, window_bounds = array<i64: 2000, 128>}, {transform_indices = @transform_3, window_bounds = array<i64: 2000, 1>}, {pipeline_mode = #tpu.pipeline_mode<synchronous>, transform_indices = @transform_4, window_bounds = array<i64: 128, 128>}, {pipeline_mode = #tpu.pipeline_mode<synchronous>, transform_indices = @transform_5, window_bounds = array<i64: 128, 128>}, {pipeline_mode = #tpu.pipeline_mode<synchronous>, transform_indices = @transform_6, window_bounds = array<i64: 1, 128>}, {transform_indices = @transform_7, window_bounds = array<i64: 2000, 128>}]} {
    %get3A = arith.constant 0 : index
    %get3A_0 = arith.constant 0 : index
    %get3A_1 = vector.load %arg4[%get3A, %get3A_0] : memref<2000x1xf32, #tpu.memory_space<vmem>>, vector<2000x1xf32>
    %get3A_2 = arith.constant 0 : index
    %get3A_3 = arith.constant 0 : index
    %get3A_4 = vector.load %arg1[%get3A_2, %get3A_3] : memref<2000x128xf32, #tpu.memory_space<vmem>>, vector<2000x128xf32>
    %get3A_5 = arith.constant 0 : index
    %get3A_6 = arith.constant 0 : index
    %get3A_7 = vector.load %arg2[%get3A_5, %get3A_6] : memref<2000x128xf32, #tpu.memory_space<vmem>>, vector<2000x128xf32>
    %add3A = arith.addf %get3A_4, %get3A_7 : vector<2000x128xf32>
    %mul3A = vector.broadcast %get3A_1 : vector<2000x1xf32> to vector<2000x128xf32>
    %mul3A_8 = arith.mulf %mul3A, %add3A : vector<2000x128xf32>
    %mul3A_9 = arith.mulf %get3A_1, %get3A_1 : vector<2000x1xf32>
    %get3A_10 = arith.constant 0 : index
    %get3A_11 = arith.constant 0 : index
    %get3A_12 = vector.load %arg3[%get3A_10, %get3A_11] : memref<2000x128xf32, #tpu.memory_space<vmem>>, vector<2000x128xf32>
    %mul3A_13 = vector.broadcast %mul3A_9 : vector<2000x1xf32> to vector<2000x128xf32>
    %mul3A_14 = arith.mulf %mul3A_13, %get3A_12 : vector<2000x128xf32>
    %add3A_15 = arith.addf %mul3A_8, %mul3A_14 : vector<2000x128xf32>
    %get3A_16 = arith.constant 0 : index
    %get3A_17 = arith.constant 0 : index
    %get3A_18 = vector.load %arg5[%get3A_16, %get3A_17] : memref<128x128xf32, #tpu.memory_space<vmem>>, vector<128x128xf32>
    %dot_general3A = arith.constant dense<0.000000e+00> : vector<2000x128xf32>
    %dot_general3A_19 = tpu.matmul %add3A_15, %get3A_18, %dot_general3A {dimension_numbers = #tpu.dot_dimension_numbers<[1], [0], [0], [1], [0, 0, 1, 1], [], []>, transpose_lhs_hint = false} : vector<2000x128xf32>, vector<128x128xf32>, vector<2000x128xf32> -> vector<2000x128xf32>
    %max3A = arith.constant 0.000000e+00 : f32
    %max3A_20 = vector.broadcast %max3A : f32 to vector<2000x128xf32>
    %max3A_21 = arith.maximumf %dot_general3A_19, %max3A_20 : vector<2000x128xf32>
    %get3A_22 = arith.constant 0 : index
    %get3A_23 = arith.constant 0 : index
    %get3A_24 = vector.load %arg6[%get3A_22, %get3A_23] : memref<128x128xf32, #tpu.memory_space<vmem>>, vector<128x128xf32>
    %dot_general3A_25 = arith.constant dense<0.000000e+00> : vector<2000x128xf32>
    %dot_general3A_26 = tpu.matmul %max3A_21, %get3A_24, %dot_general3A_25 {dimension_numbers = #tpu.dot_dimension_numbers<[1], [1], [0], [0], [0, 0, 1, 0], [], []>, transpose_lhs_hint = false} : vector<2000x128xf32>, vector<128x128xf32>, vector<2000x128xf32> -> vector<2000x128xf32>
    %get3A_27 = arith.constant 0 : index
    %get3A_28 = arith.constant 0 : index
    %get3A_29 = vector.load %arg7[%get3A_27, %get3A_28] : memref<1x128xf32, #tpu.memory_space<vmem>>, vector<1x128xf32>
    %add3A_30 = vector.broadcast %get3A_29 : vector<1x128xf32> to vector<2000x128xf32>
    %add3A_31 = arith.addf %dot_general3A_26, %add3A_30 : vector<2000x128xf32>
    %swap3A = arith.constant 0 : index
    %swap3A_32 = arith.constant 0 : index
    %swap3A_33 = vector.load %arg8[%swap3A, %swap3A_32] : memref<2000x128xf32, #tpu.memory_space<vmem>>, vector<2000x128xf32>
    tpu.vector_store %arg8[%swap3A, %swap3A_32], %add3A_31 {strides = array<i32>} : memref<2000x128xf32, #tpu.memory_space<vmem>>, vector<2000x128xf32>,
    return
  }
  func.func @transform_0(%arg0: i32) -> (i32, i32) {
    %c0_i32 = arith.constant 0 : i32
    %c0_i32_0 = arith.constant 0 : i32
    return %arg0, %c0_i32 : i32, i32
  }
  func.func @transform_1(%arg0: i32) -> (i32, i32) {
    %c0_i32 = arith.constant 0 : i32
    %c0_i32_0 = arith.constant 0 : i32
    return %arg0, %c0_i32 : i32, i32
  }
  func.func @transform_2(%arg0: i32) -> (i32, i32) {
    %c0_i32 = arith.constant 0 : i32
    %c0_i32_0 = arith.constant 0 : i32
    return %arg0, %c0_i32 : i32, i32
  }
  func.func @transform_3(%arg0: i32) -> (i32, i32) {
    %c0_i32 = arith.constant 0 : i32
    %c0_i32_0 = arith.constant 0 : i32
    return %arg0, %c0_i32 : i32, i32
  }
  func.func @transform_4(%arg0: i32) -> (i32, i32) {
    %c0_i32 = arith.constant 0 : i32
    %c0_i32_0 = arith.constant 0 : i32
    %c0_i32_1 = arith.constant 0 : i32
    return %c0_i32, %c0_i32_0 : i32, i32
  }
  func.func @transform_5(%arg0: i32) -> (i32, i32) {
    %c0_i32 = arith.constant 0 : i32
    %c0_i32_0 = arith.constant 0 : i32
    %c0_i32_1 = arith.constant 0 : i32
    return %c0_i32, %c0_i32_0 : i32, i32
  }
  func.func @transform_6(%arg0: i32) -> (i32, i32) {
    %c0_i32 = arith.constant 0 : i32
    %c0_i32_0 = arith.constant 0 : i32
    %c0_i32_1 = arith.constant 0 : i32
    return %c0_i32, %c0_i32_0 : i32, i32
  }
  func.func @transform_7(%arg0: i32) -> (i32, i32) {
    %c0_i32 = arith.constant 0 : i32
    %c0_i32_0 = arith.constant 0 : i32
    return %arg0, %c0_i32 : i32, i32
  }
}

</mosaic_0001>

<sc_bundles>
// kernel: kernel.6.cloned.1.call-start
scs
__scs_entry_jumppad:
0x0: {  	(pc) =	sbr.rel $0x88, $3  }
0x1: {  	(tag) =	ssettag $0x0;
	lr =	simm.s32 $0x1  }
0x2: {  	[smem:$0x3F96] =	sst lr;
	_ =	strace $0xD0000000  }
0x3: {  	_ = 	snop  }
0x4: {  	_ = 	snop  }
0x5: {  	_ = 	snop  }
0x6: {  	_ = 	snop  }
0x7: {  	_ = 	snop  }
__scs_overlays_trampoline_lowered:
0x8: {  	[smem:$0x3FA5] =	sst s0  }
0x9: {  	[smem:$0x3FA6] =	sst s1  }
0xa: {  	[smem:$0x3FA7] =	sst s2  }
0xb: {  	[smem:$0x3FA8] =	sst s3  }
0xc: {  	[smem:$0x3FA9] =	sst s4  }
0xd: {  	[smem:$0x3FAA] =	sst s5  }
0xe: {  	[smem:$0x3FAB] =	sst s6  }
0xf: {  	[smem:$0x3FAC] =	sst s7  }
0x10: {  	[smem:$0x3FAD] =	sst s8  }
0x11: {  	[smem:$0x3FAE] =	sst s9;
	s0 =	simm.s32 @!p0 $0x0  }
0x12: {  	s1 =	sld [smem:$0x3F94];
	s0 =	simm.s32 @p0 $0x1  }
0x13: {  	[smem:$0x3FAF] =	sst s0;
	s0 =	simm.s32 @!p1 $0x0  }
0x14: {  	s2 =	sld [smem:$0x3F93];
	s0 =	simm.s32 @p1 $0x1  }
0x15: {  	[smem:$0x3FB0] =	sst s0;
	s0 =	simm.s32 @!p2 $0x0  }
0x16: {  	s3 =	sld [smem:$0x3FDB];
	s0 =	simm.s32 @p2 $0x1  }
0x17: {  	s4 =	simm.s32 $0x1BF5;
	[smem:$0x3FB2] =	sst s0  }
0x18: {  	s0 =	sld [smem:$0x3F95];
	_ =	swait.ge [sflag:s4], $0x0  }
0x19: {  	s7 =	sld [smem:$0x3F96]  }
0x1a: {  	s8 =	sadd.s32 $0xFFFFE003, lr  }
0x1b: {  	s9 =	sadd.s32 $0xFFFFFEF7, lr;
	s5 =	simm.s32 $0xFFFFFFFF;
	p2 =	slt.u32 s8, $0xFFFFF086  }
0x1c: {  	p1 =	slt.u32 s9, $0xF7A;
	s5 =	simm.s32 @!p2 $0x0  }
0x1d: {  	s5 =	simm.s32 @p1 $0x1;
	p0 =	seq.s32 s7, s2  }
0x1e: {  	s7 =	smul.u32 @!p0 $0xF7A, s2;
	p2 =	seq.s32 @!p0 s5, $0x0  }
0x1f: {  	s9 =	smul.u32 $0xF7A, s1;
	s8 =	simm.s32 @!p0 $0x1BF5;
	p2 =	por !p2, p0  }
0x20: {  	[sflag:s8] =	ssyncset.s32 @!p0 $0xFFFFF086;
	s6 =	sadd.s32 @!p0 s3, s7;
	s7 =	simm.s32 @!p0 $0x108  }
0x21: {  	s3 =	sadd.s32 s3, s9;
	s6 =	sadd.s32 @!p0 $0x88, s6;
	s7 =	simm.s32 @p2 $0x1082  }
0x22: {  	[simem:s7], [sflag:s8] =	dma.local @!p0 [hbm:s6], $0xF7A  }
0x23: {  	s9 =	sor.u32 $0xD0000000, s2;
	s6 =	simm.s32 $0x108;
	_ =	swait.ge @!p0 [sflag:s8], $0x0  }
0x24: {  	s3 =	sadd.s32 $0x88, s3;
	s6 =	simm.s32 @!p1 $0x1082;
	[sflag:s4] =	ssyncset.s32 $0xFFFFF086  }
0x25: {  	[simem:s6], [sflag:s4] =	dma.local [hbm:s3], $0xF7A  }
0x26: {  	[smem:$0x3F96] =	sst s1;
	(tag) =	ssettag s2;
	_ =	strace s9  }
0x27: {  	s1 =	sld [smem:$0x3FA6]  }
0x28: {  	s2 =	sld [smem:$0x3FA7]  }
0x29: {  	s4 =	sld [smem:$0x3FA9]  }
0x2a: {  	p0 =	seq.s32 s5, $0x0;
	s5 =	sld [smem:$0x3FAA]  }
0x2b: {  	s6 =	sld [smem:$0x3FAB]  }
0x2c: {  	s7 =	sld [smem:$0x3FAC]  }
0x2d: {  	s3 =	simm.s32 $0x108;
	s8 =	sld [smem:$0x3FAD]  }
0x2e: {  	s3 =	simm.s32 @!p0 $0x1082;
	s9 =	sld [smem:$0x3FAE]  }
0x2f: {  	lr =	sadd.s32 s0, s3;
	s0 =	sld [smem:$0x3FA5]  }
0x30: {  	s3 =	sld [smem:$0x3FA8]  }
0x31: {  	[smem:$0x3FB1] =	sst s10  }
0x32: {  	s10 =	sld [smem:$0x3FAF];
	_ =	sdelay $0x3  }
0x33: {  	p0 =	seq.s32 s10, $0x1;
	s10 =	sld [smem:$0x3FB1];
	_ =	sdelay $0x3  }
0x34: {  	[smem:$0x3FB1] =	sst s10  }
0x35: {  	s10 =	sld [smem:$0x3FB0];
	_ =	sdelay $0x3  }
0x36: {  	p1 =	seq.s32 s10, $0x1;
	s10 =	sld [smem:$0x3FB1];
	_ =	sdelay $0x3  }
0x37: {  	[smem:$0x3FB1] =	sst s10  }
0x38: {  	s10 =	sld [smem:$0x3FB2]  }
0x39: {  	_ = 	snop;
	(pc) =	sbr.ind lr, $3  }
0x3a: {  	_ = 	snop  }
0x3b: {  	_ = 	snop  }
0x3c: {  	p2 =	seq.s32 s10, $0x1;
	s10 =	sld [smem:$0x3FB1]  }
0x3d: {  	_ =	shalt  }
0x3e: {  	_ =	shalt  }
0x3f: {  	_ =	shalt  }
0x40: {  	_ =	shalt  }
0x41: {  	_ =	shalt  }
0x42: {  	_ =	shalt  }
0x43: {  	_ =	shalt  }
0x44: {  	_ =	shalt  }
0x45: {  	_ =	shalt  }
0x46: {  	_ =	shalt  }
0x47: {  	_ =	shalt  }
0x48: {  	_ =	shalt  }
0x49: {  	_ =	shalt  }
0x4a: {  	_ =	shalt  }
0x4b: {  	_ =	shalt  }
0x4c: {  	_ =	shalt  }
0x4d: {  	_ =	shalt  }
0x4e: {  	_ =	shalt  }
0x4f: {  	_ =	shalt  }
0x50: {  	_ =	shalt  }
0x51: {  	_ =	shalt  }
0x52: {  	_ =	shalt  }
0x53: {  	_ =	shalt  }
0x54: {  	_ =	shalt  }
0x55: {  	_ =	shalt  }
0x56: {  	_ =	shalt  }
0x57: {  	_ =	shalt  }
0x58: {  	_ =	shalt  }
0x59: {  	_ =	shalt  }
0x5a: {  	_ =	shalt  }
0x5b: {  	_ =	shalt  }
0x5c: {  	_ =	shalt  }
0x5d: {  	_ =	shalt  }
0x5e: {  	_ =	shalt  }
0x5f: {  	_ =	shalt  }
0x60: {  	_ =	shalt  }
0x61: {  	_ =	shalt  }
0x62: {  	_ =	shalt  }
0x63: {  	_ =	shalt  }
0x64: {  	_ =	shalt  }
0x65: {  	_ =	shalt  }
0x66: {  	_ =	shalt  }
0x67: {  	_ =	shalt  }
0x68: {  	_ =	shalt  }
0x69: {  	_ =	shalt  }
0x6a: {  	_ =	shalt  }
0x6b: {  	_ =	shalt  }
0x6c: {  	_ =	shalt  }
0x6d: {  	_ =	shalt  }
0x6e: {  	_ =	shalt  }
0x6f: {  	_ =	shalt  }
0x70: {  	_ =	shalt  }
0x71: {  	_ =	shalt  }
0x72: {  	_ =	shalt  }
0x73: {  	_ =	shalt  }
0x74: {  	_ =	shalt  }
0x75: {  	_ =	shalt  }
0x76: {  	_ =	shalt  }
0x77: {  	_ =	shalt  }
0x78: {  	_ =	shalt  }
0x79: {  	_ =	shalt  }
0x7a: {  	_ =	shalt  }
0x7b: {  	_ =	shalt  }
0x7c: {  	_ =	shalt  }
0x7d: {  	_ =	shalt  }
0x7e: {  	_ =	shalt  }
0x7f: {  	_ =	shalt  }
0x80: {  	_ =	shalt  }
0x81: {  	_ =	shalt  }
0x82: {  	_ =	shalt  }
0x83: {  	_ =	shalt  }
0x84: {  	_ =	shalt  }
0x85: {  	_ =	shalt  }
0x86: {  	_ =	shalt  }
0x87: {  	_ =	shalt  }
.Lfunc_end0:
.L_simem_size_0:
called_computation_lowered:
.L_overlay_start_0:
0x88: {  	s2 =	sld [smem:$0x3FD9]  }
0x89: {  	s3 =	sld [smem:$0x3FFE];
	_ =	sdelay $0x1  }
0x8a: {  	s1 =	srdreg.scid  }
0x8b: {  	s0 =	sand.u32 $0x1, s1  }
0x8c: {  	s17 =	sshll.u32 s0, $0xA;
	s2 =	sadd.s32 s3, s2  }
0x8d: {  	s2 =	sadd.s32 s2, s17  }
0x8e: {  	[smem:$0x3FBD] =	sst s2  }
0x8f: {  	_ = 	snop  }
0x90: {  	s2 =	sld [smem:$0x3FD0];
	(tm) =	ssettm $0x1  }
0x91: {  	s18 =	sld [smem:$0x3FFB];
	_ =	sdelay $0x3  }
0x92: {  	_ =	strace s18  }
0x93: {  	s3 =	sld [smem:$0x3FFC];
	_ =	sdelay $0x3  }
0x94: {  	_ =	strace s3  }
0x95: {  	s3 =	sld [smem:$0x3FFD];
	_ =	sdelay $0x3  }
0x96: {  	_ =	strace s3  }
0x97: {  	_ =	strace $0x8FFFFFFF  }
0x98: {  	s19 =	sld [smem:$0x3FDB];
	_ =	sdelay $0x1  }
0x99: {  	s4 =	simm.s32 $_scs_section_size  }
0x9a: {  	s5 =	simm.s32 $_size__tile_overlayer_lowered;
	s6 =	simm.s32 $_tile_overlayer_lowered  }
0x9b: {  	s22 =	simm.s32 $0x1BFF;
	s21 =	sshll.u32 s6, $0x1;
	s3 =	sadd.s32 s4, s19  }
0x9c: {  	s7 =	simm.s32 $0x0;
	s20 =	sshll.u32 s5, $0x1;
	s5 =	sadd.s32 s21, s3  }
0x9d: {  	[timem:s7], [sflag:s22] =	dma.local [hbm:s5], s20  }
0x9e: {  	_ =	swait.ge [sflag:s22], s20  }
0x9f: {  	s4 =	ssub.s32 $0x0, s20;
	[sflag:s22] =	ssyncset.done $0x0  }
0xa0: {  	[sflag:s22] =	ssyncadd.s32 s4;
	_ =	sdelay $0x1  }
0xa1: {  	s23 =	simm.s32 $0x1B8B  }
0xa2: {  	_ =	swait.ge [sflag:s23], $0x1  }
0xa3: {  	[sflag:s23] =	ssyncset.done $0x0  }
0xa4: {  	s25 =	simm.s32 $0x1B8E;
	s24 =	sld [smem:$0x3FFE];
	[sflag:s23] =	ssyncadd.s32 $0xFFFFFFFF  }
0xa5: {  	s26 =	simm.s32 $execute0_lowered;
	[smem:$0x3FD2] =	sst s25  }
0xa6: {  	s5 =	sshll.u32 s26, $0x1;
	_ =	strace $0x80000046;
	[dreg:$0x1] =	wrdreg $0xFFFFFFFF  }
0xa7: {  	s28 =	simm.s32 $_size_execute0_lowered;
	s3 =	sadd.s32 s3, s5;
	[dreg:$0x0] =	wrdreg $0x0  }
0xa8: {  	s5 =	sshll.u32 s28, $0x1;
	[dreg:$0x2] =	wrdreg s3  }
0xa9: {  	[dreg:$0x3] =	wrdreg s5  }
0xaa: {  	[dreg:$0x4] =	wrdreg $0xC0  }
0xab: {  	_ =	task [dreg:s7], $0x5FFFF  }
0xac: {  	[dreg:$0x1] =	wrdreg $0xFFFFFFFF  }
0xad: {  	[dreg:$0x0] =	wrdreg $0x60  }
0xae: {  	[dreg:$0x2] =	wrdreg s24  }
0xaf: {  	[dreg:$0x3] =	wrdreg s2  }
0xb0: {  	[dreg:$0x4] =	wrdreg $0x0  }
0xb1: {  	[dreg:$0x5] =	wrdreg $0x9  }
0xb2: {  	_ =	task.clear_ibuf [dreg:s7], $0x6FFFF;
	_ =	strace $0x90000046  }
0xb3: {  	s29 =	simm.s32 $0x9;
	_ =	strace $0x80000048  }
0xb4: {  	_ =	swait.ge [sflag:s29], $0x1  }
0xb5: {  	[sflag:s29] =	ssyncadd.s32 $0xFFFFFFFF  }
0xb6: {  	_ =	strace $0x90000048  }
0xb7: {  	_ =	sfence  }
0xb8: {  	s30 =	sld [smem:$0x0];
	_ =	sdelay $0x2  }
0xb9: {  	s31 =	sshll.u32 s1, $0xD;
	s1 =	sshrl.u32 s1, $0x2  }
0xba: {  	s3 =	sand.u32 $0x4000, s31;
	s1 =	sadd.s32 s1, s30  }
0xbb: {  	s0 =	sor.u32 s3, s0;
	s1 =	sshll.u32 s1, $0x11  }
0xbc: {  	s0 =	sor.u32 s1, s0  }
0xbd: {  	s0 =	sadd.s32 $0x8F2B, s0  }
0xbe: {  	[sflag:s0] =	ssyncadd.remote.s32 $0x1  }
0xbf: {  	_ =	sfence.sel $0xFFFF  }
0xc0: {  	[dreg:$0x0] =	wrdreg $0xFFFFFFFF;
	(pc) =	sbr.abs _section_cstart, $3  }
0xc1: {  	[dreg:$0x1] =	wrdreg $0xFFFFFFFF  }
0xc2: {  	_ =	task.clear_ibuf [dreg:s7], $0x2FFFF;
	_ =	strace $0x9FFFFFFF  }
0xc3: {  	(tm) =	ssettm $0x7FFFFFFF  }
tec
execute0_lowered:
.L_overlay_start_1:
0x0: {  	(tag) =	ssettag $0x1  }
0x1: {  	s0 =	rddreg [dreg:$0x0]  }
0x2: {  	s1 =	srdreg.scid;
	s6 =	rddreg [dreg:$0x1]  }
0x3: {  	s9 =	stileid.u32;
	s2 =	rddreg [dreg:$0x2]  }
0x4: {  	s3 =	simm.s32 $0x0;
	s16 =	simm.s32 $0x300;
	s17 =	simm.s32 $0xB00  }
0x5: {  	s18 =	simm.s32 $0x380;
	s19 =	simm.s32 $0xB80;
	[smem:$0x7FF] =	sst s3  }
0x6: {  	s20 =	simm.s32 $0x400;
	_ =	strace $0x80000047;
	[dreg:$0x5] =	wrdreg s16  }
0x7: {  	s21 =	simm.s32 $0xC00;
	s22 =	simm.s32 $0x480;
	[dreg:$0x6] =	wrdreg s17  }
0x8: {  	s23 =	simm.s32 $0xC80;
	s10 =	simm.s32 $0x280;
	[dreg:$0x7] =	wrdreg s18  }
0x9: {  	s24 =	simm.s32 $0x500;
	s25 =	simm.s32 $0xD00;
	[dreg:$0x8] =	wrdreg s19  }
0xa: {  	s26 =	simm.s32 $0x580;
	s28 =	simm.s32 $0x1100;
	[dreg:$0x9] =	wrdreg s20  }
0xb: {  	s29 =	simm.s32 $0x980;
	s30 =	simm.s32 $0x1180;
	[dreg:$0xa] =	wrdreg s21  }
0xc: {  	s31 =	simm.s32 $0xA00;
	s5 =	smul.u32 $0x5000, s9;
	[dreg:$0xb] =	wrdreg s22  }
0xd: {  	s1 =	sand.u32 $0x1, s1;
	s7 =	smul.u32 $0xA00, s9;
	[dreg:$0xc] =	wrdreg s23  }
0xe: {  	s15 =	smul.u32 $0x500, s9;
	s9 =	simm.s32 $0x2;
	[dreg:$0xd] =	wrdreg s24  }
0xf: {  	s4 =	smul.u32 $0x50000, s1;
	s11 =	ssub.s32 $0x2, s1;
	[dreg:$0xe] =	wrdreg s25  }
0x10: {  	s1 =	sshll.u32 s1, $0x7;
	[dreg:$0xf] =	wrdreg s26;
	s16 =	simm.s32 $0xE00  }
0x11: {  	s17 =	simm.s32 $0xE80;
	s18 =	simm.s32 $0x700;
	s19 =	simm.s32 $0xF00  }
0x12: {  	s20 =	simm.s32 $0x780;
	s21 =	simm.s32 $0xF80;
	s22 =	simm.s32 $0x800  }
0x13: {  	s23 =	simm.s32 $0x1000;
	s24 =	simm.s32 $0x880;
	s25 =	simm.s32 $0x1080  }
0x14: {  	s26 =	simm.s32 $0x900;
	s8 =	sshrl.u32 s11, $0x1;
	s7 =	sshrl.u32 s7, $0x2  }
0x15: {  	s1 =	sor.u32 s1, s15;
	s15 =	simm.s32 $0x600;
	s4 =	sadd.s32 s5, s4  }
0x16: {  	s12 =	ssub.s32 s11, s8;
	s13 =	sadd.s32 s7, s2;
	s1 =	sshrl.u32 s1, $0x3  }
0x17: {  	s11 =	simm.s32 $0xA80;
	s8 =	simm.s32 $0x1;
	s5 =	simm.s32 $0x0  }
0x18: {  	s4 =	sshrl.u32 s4, $0x3;
	[dreg:$0x10] =	wrdreg s13;
	s1 =	sadd.s32 s6, s1  }
0x19: {  	s4 =	sadd.s32 s4, s0;
	[dreg:$0x11] =	wrdreg s1;
	s0 =	smax.u32 s12, $0x1  }
0x1a: {  	s12 =	simm.s32 $0x40;
	s14 =	sadd.s32 $0x14000, s4;
	[dreg:$0x12] =	wrdreg s0  }
0x1b: {  	v0 =	vimm.f32 $0.0e+00;
	s1 =	simm.s32 $0x1200;
	[dreg:$0x4] =	wrdreg s14;
	s14 =	simm.s32 $0xD80  }
.LBB2_1:
0x1c: {  	[dreg:$0x13] =	wrdreg s5;
	s6 =	simm.s32 $0x40;
	s7 =	simm.s32 $0x0  }
.LBB2_2:
0x1d: {  	p0 =	sne.s32 s6, $0x9FC0;
	[tilespmem:s7+$0x1280] =	vst v0;
	s7 =	smov.u32 s6;
	s6 =	sadd.s32 $0x40, s6  }
.Ltmp0:
0x1e: {  	(pc) =	sbr.rel @p0 .LBB2_2-.Ltmp0, $2  }
0x1f: {  	_ =	sdelay $0x2  }
0x20: {  	s7 =	sshra.s32 s7, $0x2  }
0x21: {  	[tilespmem:s7+$0x1280] =	vst v0;
	s5 =	rddreg [dreg:$0x10];
	s0 =	simm.s32 $0x1280  }
0x22: {  	[spmem:s5] =	stream.linear.scatter [tilespmem:s0], [sflag:$0x2], $0x280, $0x38;
	[tilespmem:$0x3A80] =	vst v63  }
0x23: {  	_ =	swait.ge [sflag:s9], $0x280  }
0x24: {  	[sflag:s9] =	ssyncset.done $0x0  }
0x25: {  	[sflag:s9] =	ssyncadd.s32 $0xFFFFFD80  }
0x26: {  	s6 =	sadd.s32 $0x0, s4;
	[bflag:$0x0] =	sbarrier.arrive $0xFFFF  }
0x27: {  	[tilespmem:s10], [sflag:$0x2] =	stream.linear.gather [hbm4b:s6+s3], $0x800, $0x38;
	[tilespmem:$0x3A80] =	vst v63  }
0x28: {  	_ =	swait.ge [sflag:s9], $0x800  }
0x29: {  	s0 =	rddreg [dreg:$0x4];
	[sflag:s9] =	ssyncset.done $0x0  }
0x2a: {  	[sflag:s9] =	ssyncadd.s32 $0xFFFFF800;
	s6 =	sadd.s32 $0x0, s0  }
0x2b: {  	[tilespmem:s11], [sflag:$0x2] =	stream.linear.gather [hbm4b:s6+s3], $0x800, $0x38;
	[tilespmem:$0x3A80] =	vst v63  }
0x2c: {  	_ =	swait.ge [sflag:s9], $0x800  }
0x2d: {  	s6 =	rddreg [dreg:$0x7]  }
0x2e: {  	s5 =	rddreg [dreg:$0x5]  }
0x2f: {  	[sflag:s9] =	ssyncset.done $0x0;
	s0 =	rddreg [dreg:$0x6]  }
0x30: {  	s13 =	rddreg [dreg:$0x8];
	[sflag:s9] =	ssyncadd.s32 $0xFFFFF800  }
0x31: {  	[spmem:s2] =	stream.indirect.scatter.add.f32 [tilespmem:s11], [sflag:$0x1], $0x1, s10, s12, $0xb8;
	[tilespmem:$0x3A80] =	vst v63  }
0x32: {  	s7 =	rddreg [dreg:$0xa]  }
0x33: {  	[spmem:s2] =	stream.indirect.scatter.add.f32 [tilespmem:s0], [sflag:$0x1], $0x1, s5, s12, $0xb8;
	[tilespmem:$0x3A80] =	vst v63  }
0x34: {  	s5 =	rddreg [dreg:$0x9]  }
0x35: {  	[spmem:s2] =	stream.indirect.scatter.add.f32 [tilespmem:s13], [sflag:$0x1], $0x1, s6, s12, $0xb8;
	[tilespmem:$0x3A80] =	vst v63  }
0x36: {  	s6 =	rddreg [dreg:$0xc]  }
0x37: {  	s13 =	rddreg [dreg:$0xb]  }
0x38: {  	[spmem:s2] =	stream.indirect.scatter.add.f32 [tilespmem:s7], [sflag:$0x1], $0x1, s5, s12, $0xb8;
	[tilespmem:$0x3A80] =	vst v63  }
0x39: {  	s5 =	rddreg [dreg:$0xe]  }
0x3a: {  	[spmem:s2] =	stream.indirect.scatter.add.f32 [tilespmem:s6], [sflag:$0x1], $0x1, s13, s12, $0xb8;
	[tilespmem:$0x3A80] =	vst v63  }
0x3b: {  	s7 =	rddreg [dreg:$0xd]  }
0x3c: {  	[spmem:s2] =	stream.indirect.scatter.add.f32 [tilespmem:s5], [sflag:$0x1], $0x1, s7, s12, $0xb8;
	[tilespmem:$0x3A80] =	vst v63  }
0x3d: {  	s13 =	rddreg [dreg:$0xf]  }
0x3e: {  	[spmem:s2] =	stream.indirect.scatter.add.f32 [tilespmem:s14], [sflag:$0x1], $0x1, s13, s12, $0xb8;
	[tilespmem:$0x3A80] =	vst v63  }
0x3f: {  	_ = 	snop  }
0x40: {  	[spmem:s2] =	stream.indirect.scatter.add.f32 [tilespmem:s16], [sflag:$0x1], $0x1, s15, s12, $0xb8;
	[tilespmem:$0x3A80] =	vst v63  }
0x41: {  	s16 =	simm.s32 $0x680  }
0x42: {  	[spmem:s2] =	stream.indirect.scatter.add.f32 [tilespmem:s17], [sflag:$0x1], $0x1, s16, s12, $0xb8;
	[tilespmem:$0x3A80] =	vst v63  }
0x43: {  	_ = 	snop  }
0x44: {  	[spmem:s2] =	stream.indirect.scatter.add.f32 [tilespmem:s19], [sflag:$0x1], $0x1, s18, s12, $0xb8;
	[tilespmem:$0x3A80] =	vst v63  }
0x45: {  	_ = 	snop  }
0x46: {  	[spmem:s2] =	stream.indirect.scatter.add.f32 [tilespmem:s21], [sflag:$0x1], $0x1, s20, s12, $0xb8;
	[tilespmem:$0x3A80] =	vst v63  }
0x47: {  	_ = 	snop  }
0x48: {  	[spmem:s2] =	stream.indirect.scatter.add.f32 [tilespmem:s23], [sflag:$0x1], $0x1, s22, s12, $0xb8;
	[tilespmem:$0x3A80] =	vst v63  }
0x49: {  	_ = 	snop  }
0x4a: {  	[spmem:s2] =	stream.indirect.scatter.add.f32 [tilespmem:s25], [sflag:$0x1], $0x1, s24, s12, $0xb8;
	[tilespmem:$0x3A80] =	vst v63  }
0x4b: {  	_ = 	snop  }
0x4c: {  	[spmem:s2] =	stream.indirect.scatter.add.f32 [tilespmem:s28], [sflag:$0x1], $0x1, s26, s12, $0xb8;
	[tilespmem:$0x3A80] =	vst v63  }
0x4d: {  	_ = 	snop  }
0x4e: {  	[spmem:s2] =	stream.indirect.scatter.add.f32 [tilespmem:s30], [sflag:$0x1], $0x1, s29, s12, $0xb8;
	[tilespmem:$0x3A80] =	vst v63  }
0x4f: {  	_ = 	snop  }
0x50: {  	[spmem:s2] =	stream.indirect.scatter.add.f32 [tilespmem:s1], [sflag:$0x1], $0x1, s31, s12, $0xb8;
	[tilespmem:$0x3A80] =	vst v63  }
0x51: {  	_ =	swait.ge [sflag:s8], $0x40  }
0x52: {  	[sflag:s8] =	ssyncset.done $0x0  }
0x53: {  	[sflag:s8] =	ssyncadd.s32 $0xFFFFFFC0  }
0x54: {  	_ =	swait.ge [sflag:s8], $0x40  }
0x55: {  	[sflag:s8] =	ssyncset.done $0x0  }
0x56: {  	[sflag:s8] =	ssyncadd.s32 $0xFFFFFFC0  }
0x57: {  	_ =	swait.ge [sflag:s8], $0x40  }
0x58: {  	[sflag:s8] =	ssyncset.done $0x0  }
0x59: {  	[sflag:s8] =	ssyncadd.s32 $0xFFFFFFC0  }
0x5a: {  	_ =	swait.ge [sflag:s8], $0x40  }
0x5b: {  	[sflag:s8] =	ssyncset.done $0x0  }
0x5c: {  	[sflag:s8] =	ssyncadd.s32 $0xFFFFFFC0  }
0x5d: {  	_ =	swait.ge [sflag:s8], $0x40  }
0x5e: {  	[sflag:s8] =	ssyncset.done $0x0  }
0x5f: {  	[sflag:s8] =	ssyncadd.s32 $0xFFFFFFC0  }
0x60: {  	_ =	swait.ge [sflag:s8], $0x40  }
0x61: {  	[sflag:s8] =	ssyncset.done $0x0  }
0x62: {  	[sflag:s8] =	ssyncadd.s32 $0xFFFFFFC0  }
0x63: {  	_ =	swait.ge [sflag:s8], $0x40  }
0x64: {  	[sflag:s8] =	ssyncset.done $0x0  }
0x65: {  	[sflag:s8] =	ssyncadd.s32 $0xFFFFFFC0  }
0x66: {  	_ =	swait.ge [sflag:s8], $0x40  }
0x67: {  	[sflag:s8] =	ssyncset.done $0x0  }
0x68: {  	[sflag:s8] =	ssyncadd.s32 $0xFFFFFFC0  }
0x69: {  	_ =	swait.ge [sflag:s8], $0x40  }
0x6a: {  	[sflag:s8] =	ssyncset.done $0x0  }
0x6b: {  	[sflag:s8] =	ssyncadd.s32 $0xFFFFFFC0  }
0x6c: {  	_ =	swait.ge [sflag:s8], $0x40  }
0x6d: {  	[sflag:s8] =	ssyncset.done $0x0  }
0x6e: {  	[sflag:s8] =	ssyncadd.s32 $0xFFFFFFC0  }
0x6f: {  	_ =	swait.ge [sflag:s8], $0x40  }
0x70: {  	[sflag:s8] =	ssyncset.done $0x0  }
0x71: {  	[sflag:s8] =	ssyncadd.s32 $0xFFFFFFC0  }
0x72: {  	_ =	swait.ge [sflag:s8], $0x40  }
0x73: {  	[sflag:s8] =	ssyncset.done $0x0  }
0x74: {  	[sflag:s8] =	ssyncadd.s32 $0xFFFFFFC0  }
0x75: {  	_ =	swait.ge [sflag:s8], $0x40  }
0x76: {  	[sflag:s8] =	ssyncset.done $0x0  }
0x77: {  	[sflag:s8] =	ssyncadd.s32 $0xFFFFFFC0  }
0x78: {  	_ =	swait.ge [sflag:s8], $0x40  }
0x79: {  	[sflag:s8] =	ssyncset.done $0x0  }
0x7a: {  	[sflag:s8] =	ssyncadd.s32 $0xFFFFFFC0  }
0x7b: {  	s6 =	simm.s32 $0x100;
	_ =	swait.ge [sflag:s8], $0x40  }
.LBB2_4:
0x7c: {  	[sflag:s8] =	ssyncset.done $0x0  }
0x7d: {  	[sflag:s8] =	ssyncadd.s32 $0xFFFFFFC0  }
0x7e: {  	_ =	swait.ge [sflag:s8], $0x40  }
0x7f: {  	s0 =	smov.u32 s6;
	[sflag:s8] =	ssyncset.done $0x0  }
0x80: {  	s5 =	sadd.s32 s0, s4;
	[sflag:s8] =	ssyncadd.s32 $0xFFFFFFC0  }
0x81: {  	[tilespmem:s10], [sflag:$0x2] =	stream.linear.gather [hbm4b:s5+s3], $0x800, $0x38;
	[tilespmem:$0x3A80] =	vst v63  }
0x82: {  	_ =	swait.ge [sflag:s9], $0x800  }
0x83: {  	s7 =	rddreg [dreg:$0x4];
	[sflag:s9] =	ssyncset.done $0x0  }
0x84: {  	[sflag:s9] =	ssyncadd.s32 $0xFFFFF800;
	s0 =	sadd.s32 s0, s7  }
0x85: {  	[tilespmem:s11], [sflag:$0x2] =	stream.linear.gather [hbm4b:s0+s3], $0x800, $0x38;
	[tilespmem:$0x3A80] =	vst v63  }
0x86: {  	_ =	swait.ge [sflag:s9], $0x800  }
0x87: {  	s0 =	rddreg [dreg:$0xe]  }
0x88: {  	s5 =	rddreg [dreg:$0xc]  }
0x89: {  	s7 =	rddreg [dreg:$0x9]  }
0x8a: {  	[sflag:s9] =	ssyncset.done $0x0;
	s13 =	rddreg [dreg:$0x7]  }
0x8b: {  	s14 =	rddreg [dreg:$0x5];
	[sflag:s9] =	ssyncadd.s32 $0xFFFFF800  }
0x8c: {  	[spmem:s2] =	stream.indirect.scatter.add.f32 [tilespmem:s11], [sflag:$0x1], $0x1, s10, s12, $0xb8;
	[tilespmem:$0x3A80] =	vst v63  }
0x8d: {  	s15 =	rddreg [dreg:$0x6]  }
0x8e: {  	[spmem:s2] =	stream.indirect.scatter.add.f32 [tilespmem:s15], [sflag:$0x1], $0x1, s14, s12, $0xb8;
	[tilespmem:$0x3A80] =	vst v63  }
0x8f: {  	s16 =	rddreg [dreg:$0x8]  }
0x90: {  	[spmem:s2] =	stream.indirect.scatter.add.f32 [tilespmem:s16], [sflag:$0x1], $0x1, s13, s12, $0xb8;
	[tilespmem:$0x3A80] =	vst v63  }
0x91: {  	s14 =	rddreg [dreg:$0xa]  }
0x92: {  	[spmem:s2] =	stream.indirect.scatter.add.f32 [tilespmem:s14], [sflag:$0x1], $0x1, s7, s12, $0xb8;
	[tilespmem:$0x3A80] =	vst v63  }
0x93: {  	s13 =	rddreg [dreg:$0xb]  }
0x94: {  	[spmem:s2] =	stream.indirect.scatter.add.f32 [tilespmem:s5], [sflag:$0x1], $0x1, s13, s12, $0xb8;
	[tilespmem:$0x3A80] =	vst v63  }
0x95: {  	s7 =	rddreg [dreg:$0xd]  }
0x96: {  	[spmem:s2] =	stream.indirect.scatter.add.f32 [tilespmem:s0], [sflag:$0x1], $0x1, s7, s12, $0xb8;
	[tilespmem:$0x3A80] =	vst v63  }
0x97: {  	s14 =	simm.s32 $0xD80;
	s5 =	rddreg [dreg:$0xf]  }
0x98: {  	[spmem:s2] =	stream.indirect.scatter.add.f32 [tilespmem:s14], [sflag:$0x1], $0x1, s5, s12, $0xb8;
	[tilespmem:$0x3A80] =	vst v63  }
0x99: {  	s15 =	simm.s32 $0x600;
	s16 =	simm.s32 $0xE00  }
0x9a: {  	[spmem:s2] =	stream.indirect.scatter.add.f32 [tilespmem:s16], [sflag:$0x1], $0x1, s15, s12, $0xb8;
	[tilespmem:$0x3A80] =	vst v63  }
0x9b: {  	s13 =	simm.s32 $0x680  }
0x9c: {  	[spmem:s2] =	stream.indirect.scatter.add.f32 [tilespmem:s17], [sflag:$0x1], $0x1, s13, s12, $0xb8;
	[tilespmem:$0x3A80] =	vst v63  }
0x9d: {  	_ = 	snop  }
0x9e: {  	[spmem:s2] =	stream.indirect.scatter.add.f32 [tilespmem:s19], [sflag:$0x1], $0x1, s18, s12, $0xb8;
	[tilespmem:$0x3A80] =	vst v63  }
0x9f: {  	_ = 	snop  }
0xa0: {  	[spmem:s2] =	stream.indirect.scatter.add.f32 [tilespmem:s21], [sflag:$0x1], $0x1, s20, s12, $0xb8;
	[tilespmem:$0x3A80] =	vst v63  }
0xa1: {  	_ = 	snop  }
0xa2: {  	[spmem:s2] =	stream.indirect.scatter.add.f32 [tilespmem:s23], [sflag:$0x1], $0x1, s22, s12, $0xb8;
	[tilespmem:$0x3A80] =	vst v63  }
0xa3: {  	_ = 	snop  }
0xa4: {  	[spmem:s2] =	stream.indirect.scatter.add.f32 [tilespmem:s25], [sflag:$0x1], $0x1, s24, s12, $0xb8;
	[tilespmem:$0x3A80] =	vst v63  }
0xa5: {  	_ = 	snop  }
0xa6: {  	[spmem:s2] =	stream.indirect.scatter.add.f32 [tilespmem:s28], [sflag:$0x1], $0x1, s26, s12, $0xb8;
	[tilespmem:$0x3A80] =	vst v63  }
0xa7: {  	_ = 	snop  }
0xa8: {  	[spmem:s2] =	stream.indirect.scatter.add.f32 [tilespmem:s30], [sflag:$0x1], $0x1, s29, s12, $0xb8;
	[tilespmem:$0x3A80] =	vst v63  }
0xa9: {  	_ = 	snop  }
0xaa: {  	[spmem:s2] =	stream.indirect.scatter.add.f32 [tilespmem:s1], [sflag:$0x1], $0x1, s31, s12, $0xb8;
	[tilespmem:$0x3A80] =	vst v63  }
0xab: {  	_ =	swait.ge [sflag:s8], $0x40  }
0xac: {  	[sflag:s8] =	ssyncset.done $0x0  }
0xad: {  	[sflag:s8] =	ssyncadd.s32 $0xFFFFFFC0  }
0xae: {  	_ =	swait.ge [sflag:s8], $0x40  }
0xaf: {  	[sflag:s8] =	ssyncset.done $0x0  }
0xb0: {  	[sflag:s8] =	ssyncadd.s32 $0xFFFFFFC0  }
0xb1: {  	_ =	swait.ge [sflag:s8], $0x40  }
0xb2: {  	[sflag:s8] =	ssyncset.done $0x0  }
0xb3: {  	[sflag:s8] =	ssyncadd.s32 $0xFFFFFFC0  }
0xb4: {  	_ =	swait.ge [sflag:s8], $0x40  }
0xb5: {  	[sflag:s8] =	ssyncset.done $0x0  }
0xb6: {  	[sflag:s8] =	ssyncadd.s32 $0xFFFFFFC0  }
0xb7: {  	_ =	swait.ge [sflag:s8], $0x40  }
0xb8: {  	[sflag:s8] =	ssyncset.done $0x0  }
0xb9: {  	[sflag:s8] =	ssyncadd.s32 $0xFFFFFFC0  }
0xba: {  	_ =	swait.ge [sflag:s8], $0x40  }
0xbb: {  	[sflag:s8] =	ssyncset.done $0x0  }
0xbc: {  	[sflag:s8] =	ssyncadd.s32 $0xFFFFFFC0  }
0xbd: {  	_ =	swait.ge [sflag:s8], $0x40  }
0xbe: {  	[sflag:s8] =	ssyncset.done $0x0  }
0xbf: {  	[sflag:s8] =	ssyncadd.s32 $0xFFFFFFC0  }
0xc0: {  	_ =	swait.ge [sflag:s8], $0x40  }
0xc1: {  	[sflag:s8] =	ssyncset.done $0x0  }
0xc2: {  	[sflag:s8] =	ssyncadd.s32 $0xFFFFFFC0  }
0xc3: {  	_ =	swait.ge [sflag:s8], $0x40  }
0xc4: {  	[sflag:s8] =	ssyncset.done $0x0  }
0xc5: {  	[sflag:s8] =	ssyncadd.s32 $0xFFFFFFC0  }
0xc6: {  	_ =	swait.ge [sflag:s8], $0x40  }
0xc7: {  	[sflag:s8] =	ssyncset.done $0x0  }
0xc8: {  	[sflag:s8] =	ssyncadd.s32 $0xFFFFFFC0  }
0xc9: {  	_ =	swait.ge [sflag:s8], $0x40  }
0xca: {  	[sflag:s8] =	ssyncset.done $0x0  }
0xcb: {  	[sflag:s8] =	ssyncadd.s32 $0xFFFFFFC0  }
0xcc: {  	_ =	swait.ge [sflag:s8], $0x40  }
0xcd: {  	[sflag:s8] =	ssyncset.done $0x0  }
0xce: {  	[sflag:s8] =	ssyncadd.s32 $0xFFFFFFC0  }
0xcf: {  	_ =	swait.ge [sflag:s8], $0x40  }
0xd0: {  	p0 =	sne.s32 s6, $0x900;
	[sflag:s8] =	ssyncset.done $0x0  }
.Ltmp1:
0xd1: {  	[sflag:s8] =	ssyncadd.s32 $0xFFFFFFC0;
	(pc) =	sbr.rel @p0 .LBB2_4-.Ltmp1, $4  }
0xd2: {  	_ =	swait.ge [sflag:s8], $0x40  }
0xd3: {  	[sflag:s8] =	ssyncset.done $0x0  }
0xd4: {  	[sflag:s8] =	ssyncadd.s32 $0xFFFFFFC0  }
0xd5: {  	s6 =	sadd.s32 $0x100, s6;
	_ =	swait.ge [sflag:s8], $0x40  }
0xd6: {  	[sflag:s8] =	ssyncset.done $0x0  }
0xd7: {  	[sflag:s8] =	ssyncadd.s32 $0xFFFFFFC0  }
0xd8: {  	_ =	swait.ge [sflag:s8], $0x40  }
0xd9: {  	[sflag:s8] =	ssyncset.done $0x0  }
0xda: {  	[sflag:s8] =	ssyncadd.s32 $0xFFFFFFC0  }
0xdb: {  	s0 =	stileid.u32;
	s7 =	simm.s32 $0x20;
	[bflag:$0x0] =	sbarrier.arrive $0xFFFF  }
0xdc: {  	s13 =	simm.s32 $0x10;
	s0 =	sshll.u32 s0, $0x6;
	s5 =	rddreg [dreg:$0x10]  }
0xdd: {  	s0 =	sor.u32 $0x1C02, s0;
	s6 =	rddreg [dreg:$0x11];
	s5 =	sshrl.u32 s5, $0x3  }
0xde: {  	[hbm:s6@s7], [sflag:s0] =	dma.strided [spmem:s5@s13], $0x50, s8, $0x10   }
0xdf: {  	_ =	swait.ge [sflag:s9], $0x50  }
0xe0: {  	s7 =	rddreg [dreg:$0x13]  }
0xe1: {  	s13 =	rddreg [dreg:$0x12];
	s5 =	sadd.s32 $0x1, s7  }
0xe2: {  	p0 =	sne.s32 s5, s13  }
.Ltmp2:
0xe3: {  	_ = 	snop;
	(pc) =	sbr.rel @p0 .LBB2_1-.Ltmp2, $3  }
0xe4: {  	_ =	sdelay $0x1  }
0xe5: {  	[sflag:s9] =	ssyncset.done $0x0  }
0xe6: {  	[sflag:s9] =	ssyncadd.s32 $0xFFFFFFB0  }
0xe7: {  	_ =	sfence.sel $0x180000  }
0xe8: {  	[bflag:$0x0] =	sbarrier.arrive $0xFFFF  }
0xe9: {  	_ =	strace $0x90000047  }
0xea: {  	s0 =	stileid.u32;
	[bflag:$0x2] =	sbarrier.arrive $0xFFFF  }
0xeb: {  	p0 =	sne.s32 s0, $0x0;
	s0 =	rddreg [dreg:$0x3]  }
0xec: {  	s0 =	sadd.s32 @!p0 $0x100000, s0  }
0xed: {  	[sflag:s0] =	ssyncadd.tile.s32 @!p0 $0x1;
	_ =	shalt  }
.Lfunc_end2:
_tile_overlayer_lowered:
.L_overlay_start_2:
0xee: {  	(tag) =	ssettag $0x2  }
0xef: {  	s0 =	rddreg [dreg:$0x0];
	s2 =	stileid.u32  }
0xf0: {  	s1 =	rddreg [dreg:$0x1];
	p0 =	sne.s32 s2, $0x0  }
0xf1: {  	s3 =	rddreg [dreg:$0x2];
	[bflag:$0x3] =	sbarrier.arrive $0xFFFF;
	s2 =	simm.s32 @!p0 $0x1C02  }
0xf2: {  	[timem:s3], [sflag:s2] =	dma.local @!p0 [hbm:s0], s1  }
0xf3: {  	s0 =	simm.s32 @!p0 $0x2  }
0xf4: {  	_ =	swait.ge @!p0 [sflag:s0], s1  }
0xf5: {  	s1 =	ssub.s32 @!p0 $0x0, s1;
	[sflag:s0] =	ssyncset.done @!p0 $0x0  }
0xf6: {  	[sflag:s0] =	ssyncadd.s32 @!p0 s1  }
0xf7: {  	[bflag:$0x3] =	sbarrier.arrive $0xFFFF  }
0xf8: {  	_ =	shalt  }

// kernel: kernel.9.cloned.1.call-start
scs
__scs_entry_jumppad:
0x0: {  	(pc) =	sbr.rel $0x88, $3  }
0x1: {  	(tag) =	ssettag $0x0;
	lr =	simm.s32 $0x1  }
0x2: {  	[smem:$0x3F96] =	sst lr;
	_ =	strace $0xD0000000  }
0x3: {  	_ = 	snop  }
0x4: {  	_ = 	snop  }
0x5: {  	_ = 	snop  }
0x6: {  	_ = 	snop  }
0x7: {  	_ = 	snop  }
__scs_overlays_trampoline_lowered:
0x8: {  	[smem:$0x3FA5] =	sst s0  }
0x9: {  	[smem:$0x3FA6] =	sst s1  }
0xa: {  	[smem:$0x3FA7] =	sst s2  }
0xb: {  	[smem:$0x3FA8] =	sst s3  }
0xc: {  	[smem:$0x3FA9] =	sst s4  }
0xd: {  	[smem:$0x3FAA] =	sst s5  }
0xe: {  	[smem:$0x3FAB] =	sst s6  }
0xf: {  	[smem:$0x3FAC] =	sst s7  }
0x10: {  	[smem:$0x3FAD] =	sst s8  }
0x11: {  	[smem:$0x3FAE] =	sst s9;
	s0 =	simm.s32 @!p0 $0x0  }
0x12: {  	s1 =	sld [smem:$0x3F94];
	s0 =	simm.s32 @p0 $0x1  }
0x13: {  	[smem:$0x3FAF] =	sst s0;
	s0 =	simm.s32 @!p1 $0x0  }
0x14: {  	s2 =	sld [smem:$0x3F93];
	s0 =	simm.s32 @p1 $0x1  }
0x15: {  	[smem:$0x3FB0] =	sst s0;
	s0 =	simm.s32 @!p2 $0x0  }
0x16: {  	s3 =	sld [smem:$0x3FDB];
	s0 =	simm.s32 @p2 $0x1  }
0x17: {  	s4 =	simm.s32 $0x1BF5;
	[smem:$0x3FB2] =	sst s0  }
0x18: {  	s0 =	sld [smem:$0x3F95];
	_ =	swait.ge [sflag:s4], $0x0  }
0x19: {  	s7 =	sld [smem:$0x3F96]  }
0x1a: {  	s8 =	sadd.s32 $0xFFFFE003, lr  }
0x1b: {  	s9 =	sadd.s32 $0xFFFFFEF7, lr;
	s5 =	simm.s32 $0xFFFFFFFF;
	p2 =	slt.u32 s8, $0xFFFFF086  }
0x1c: {  	p1 =	slt.u32 s9, $0xF7A;
	s5 =	simm.s32 @!p2 $0x0  }
0x1d: {  	s5 =	simm.s32 @p1 $0x1;
	p0 =	seq.s32 s7, s2  }
0x1e: {  	s7 =	smul.u32 @!p0 $0xF7A, s2;
	p2 =	seq.s32 @!p0 s5, $0x0  }
0x1f: {  	s9 =	smul.u32 $0xF7A, s1;
	s8 =	simm.s32 @!p0 $0x1BF5;
	p2 =	por !p2, p0  }
0x20: {  	[sflag:s8] =	ssyncset.s32 @!p0 $0xFFFFF086;
	s6 =	sadd.s32 @!p0 s3, s7;
	s7 =	simm.s32 @!p0 $0x108  }
0x21: {  	s3 =	sadd.s32 s3, s9;
	s6 =	sadd.s32 @!p0 $0x88, s6;
	s7 =	simm.s32 @p2 $0x1082  }
0x22: {  	[simem:s7], [sflag:s8] =	dma.local @!p0 [hbm:s6], $0xF7A  }
0x23: {  	s9 =	sor.u32 $0xD0000000, s2;
	s6 =	simm.s32 $0x108;
	_ =	swait.ge @!p0 [sflag:s8], $0x0  }
0x24: {  	s3 =	sadd.s32 $0x88, s3;
	s6 =	simm.s32 @!p1 $0x1082;
	[sflag:s4] =	ssyncset.s32 $0xFFFFF086  }
0x25: {  	[simem:s6], [sflag:s4] =	dma.local [hbm:s3], $0xF7A  }
0x26: {  	[smem:$0x3F96] =	sst s1;
	(tag) =	ssettag s2;
	_ =	strace s9  }
0x27: {  	s1 =	sld [smem:$0x3FA6]  }
0x28: {  	s2 =	sld [smem:$0x3FA7]  }
0x29: {  	s4 =	sld [smem:$0x3FA9]  }
0x2a: {  	p0 =	seq.s32 s5, $0x0;
	s5 =	sld [smem:$0x3FAA]  }
0x2b: {  	s6 =	sld [smem:$0x3FAB]  }
0x2c: {  	s7 =	sld [smem:$0x3FAC]  }
0x2d: {  	s3 =	simm.s32 $0x108;
	s8 =	sld [smem:$0x3FAD]  }
0x2e: {  	s3 =	simm.s32 @!p0 $0x1082;
	s9 =	sld [smem:$0x3FAE]  }
0x2f: {  	lr =	sadd.s32 s0, s3;
	s0 =	sld [smem:$0x3FA5]  }
0x30: {  	s3 =	sld [smem:$0x3FA8]  }
0x31: {  	[smem:$0x3FB1] =	sst s10  }
0x32: {  	s10 =	sld [smem:$0x3FAF];
	_ =	sdelay $0x3  }
0x33: {  	p0 =	seq.s32 s10, $0x1;
	s10 =	sld [smem:$0x3FB1];
	_ =	sdelay $0x3  }
0x34: {  	[smem:$0x3FB1] =	sst s10  }
0x35: {  	s10 =	sld [smem:$0x3FB0];
	_ =	sdelay $0x3  }
0x36: {  	p1 =	seq.s32 s10, $0x1;
	s10 =	sld [smem:$0x3FB1];
	_ =	sdelay $0x3  }
0x37: {  	[smem:$0x3FB1] =	sst s10  }
0x38: {  	s10 =	sld [smem:$0x3FB2]  }
0x39: {  	_ = 	snop;
	(pc) =	sbr.ind lr, $3  }
0x3a: {  	_ = 	snop  }
0x3b: {  	_ = 	snop  }
0x3c: {  	p2 =	seq.s32 s10, $0x1;
	s10 =	sld [smem:$0x3FB1]  }
0x3d: {  	_ =	shalt  }
0x3e: {  	_ =	shalt  }
0x3f: {  	_ =	shalt  }
0x40: {  	_ =	shalt  }
0x41: {  	_ =	shalt  }
0x42: {  	_ =	shalt  }
0x43: {  	_ =	shalt  }
0x44: {  	_ =	shalt  }
0x45: {  	_ =	shalt  }
0x46: {  	_ =	shalt  }
0x47: {  	_ =	shalt  }
0x48: {  	_ =	shalt  }
0x49: {  	_ =	shalt  }
0x4a: {  	_ =	shalt  }
0x4b: {  	_ =	shalt  }
0x4c: {  	_ =	shalt  }
0x4d: {  	_ =	shalt  }
0x4e: {  	_ =	shalt  }
0x4f: {  	_ =	shalt  }
0x50: {  	_ =	shalt  }
0x51: {  	_ =	shalt  }
0x52: {  	_ =	shalt  }
0x53: {  	_ =	shalt  }
0x54: {  	_ =	shalt  }
0x55: {  	_ =	shalt  }
0x56: {  	_ =	shalt  }
0x57: {  	_ =	shalt  }
0x58: {  	_ =	shalt  }
0x59: {  	_ =	shalt  }
0x5a: {  	_ =	shalt  }
0x5b: {  	_ =	shalt  }
0x5c: {  	_ =	shalt  }
0x5d: {  	_ =	shalt  }
0x5e: {  	_ =	shalt  }
0x5f: {  	_ =	shalt  }
0x60: {  	_ =	shalt  }
0x61: {  	_ =	shalt  }
0x62: {  	_ =	shalt  }
0x63: {  	_ =	shalt  }
0x64: {  	_ =	shalt  }
0x65: {  	_ =	shalt  }
0x66: {  	_ =	shalt  }
0x67: {  	_ =	shalt  }
0x68: {  	_ =	shalt  }
0x69: {  	_ =	shalt  }
0x6a: {  	_ =	shalt  }
0x6b: {  	_ =	shalt  }
0x6c: {  	_ =	shalt  }
0x6d: {  	_ =	shalt  }
0x6e: {  	_ =	shalt  }
0x6f: {  	_ =	shalt  }
0x70: {  	_ =	shalt  }
0x71: {  	_ =	shalt  }
0x72: {  	_ =	shalt  }
0x73: {  	_ =	shalt  }
0x74: {  	_ =	shalt  }
0x75: {  	_ =	shalt  }
0x76: {  	_ =	shalt  }
0x77: {  	_ =	shalt  }
0x78: {  	_ =	shalt  }
0x79: {  	_ =	shalt  }
0x7a: {  	_ =	shalt  }
0x7b: {  	_ =	shalt  }
0x7c: {  	_ =	shalt  }
0x7d: {  	_ =	shalt  }
0x7e: {  	_ =	shalt  }
0x7f: {  	_ =	shalt  }
0x80: {  	_ =	shalt  }
0x81: {  	_ =	shalt  }
0x82: {  	_ =	shalt  }
0x83: {  	_ =	shalt  }
0x84: {  	_ =	shalt  }
0x85: {  	_ =	shalt  }
0x86: {  	_ =	shalt  }
0x87: {  	_ =	shalt  }
.Lfunc_end0:
.L_simem_size_0:
called_computation.1_lowered:
.L_overlay_start_0:
0x88: {  	s2 =	sld [smem:$0x3FD9]  }
0x89: {  	s3 =	sld [smem:$0x3FFE];
	_ =	sdelay $0x1  }
0x8a: {  	s1 =	srdreg.scid  }
0x8b: {  	s0 =	sand.u32 $0x1, s1  }
0x8c: {  	s17 =	sshll.u32 s0, $0xA;
	s2 =	sadd.s32 s3, s2  }
0x8d: {  	s2 =	sadd.s32 s2, s17  }
0x8e: {  	[smem:$0x3FBD] =	sst s2  }
0x8f: {  	_ = 	snop  }
0x90: {  	s2 =	sld [smem:$0x3FD0];
	(tm) =	ssettm $0x1  }
0x91: {  	s18 =	sld [smem:$0x3FFB];
	_ =	sdelay $0x3  }
0x92: {  	_ =	strace s18  }
0x93: {  	s3 =	sld [smem:$0x3FFC];
	_ =	sdelay $0x3  }
0x94: {  	_ =	strace s3  }
0x95: {  	s3 =	sld [smem:$0x3FFD];
	_ =	sdelay $0x3  }
0x96: {  	_ =	strace s3  }
0x97: {  	_ =	strace $0x8FFFFFFF  }
0x98: {  	s19 =	sld [smem:$0x3FDB];
	_ =	sdelay $0x1  }
0x99: {  	s4 =	simm.s32 $_scs_section_size  }
0x9a: {  	s5 =	simm.s32 $_size__tile_overlayer_lowered;
	s6 =	simm.s32 $_tile_overlayer_lowered  }
0x9b: {  	s22 =	simm.s32 $0x1BFF;
	s21 =	sshll.u32 s6, $0x1;
	s3 =	sadd.s32 s4, s19  }
0x9c: {  	s7 =	simm.s32 $0x0;
	s20 =	sshll.u32 s5, $0x1;
	s5 =	sadd.s32 s21, s3  }
0x9d: {  	[timem:s7], [sflag:s22] =	dma.local [hbm:s5], s20  }
0x9e: {  	_ =	swait.ge [sflag:s22], s20  }
0x9f: {  	s4 =	ssub.s32 $0x0, s20;
	[sflag:s22] =	ssyncset.done $0x0  }
0xa0: {  	[sflag:s22] =	ssyncadd.s32 s4;
	_ =	sdelay $0x1  }
0xa1: {  	s23 =	simm.s32 $0x1B8B  }
0xa2: {  	_ =	swait.ge [sflag:s23], $0x1  }
0xa3: {  	[sflag:s23] =	ssyncset.done $0x0  }
0xa4: {  	s25 =	simm.s32 $0x1B8E;
	s24 =	sld [smem:$0x3FFE];
	[sflag:s23] =	ssyncadd.s32 $0xFFFFFFFF  }
0xa5: {  	s26 =	simm.s32 $execute0_lowered;
	[smem:$0x3FD2] =	sst s25  }
0xa6: {  	s5 =	sshll.u32 s26, $0x1;
	_ =	strace $0x80000049;
	[dreg:$0x1] =	wrdreg $0xFFFFFFFF  }
0xa7: {  	s28 =	simm.s32 $_size_execute0_lowered;
	s3 =	sadd.s32 s3, s5;
	[dreg:$0x0] =	wrdreg $0x0  }
0xa8: {  	s5 =	sshll.u32 s28, $0x1;
	[dreg:$0x2] =	wrdreg s3  }
0xa9: {  	[dreg:$0x3] =	wrdreg s5  }
0xaa: {  	[dreg:$0x4] =	wrdreg $0xC0  }
0xab: {  	_ =	task [dreg:s7], $0x5FFFF  }
0xac: {  	[dreg:$0x1] =	wrdreg $0xFFFFFFFF  }
0xad: {  	[dreg:$0x0] =	wrdreg $0x60  }
0xae: {  	[dreg:$0x2] =	wrdreg s2  }
0xaf: {  	[dreg:$0x3] =	wrdreg s24  }
0xb0: {  	[dreg:$0x4] =	wrdreg $0x0  }
0xb1: {  	[dreg:$0x5] =	wrdreg $0x9  }
0xb2: {  	_ =	task.clear_ibuf [dreg:s7], $0x6FFFF;
	_ =	strace $0x90000049  }
0xb3: {  	s29 =	simm.s32 $0x9;
	_ =	strace $0x8000004B  }
0xb4: {  	_ =	swait.ge [sflag:s29], $0x1  }
0xb5: {  	[sflag:s29] =	ssyncadd.s32 $0xFFFFFFFF  }
0xb6: {  	_ =	strace $0x9000004B  }
0xb7: {  	_ =	sfence  }
0xb8: {  	s30 =	sld [smem:$0x0];
	_ =	sdelay $0x2  }
0xb9: {  	s31 =	sshll.u32 s1, $0xD;
	s1 =	sshrl.u32 s1, $0x2  }
0xba: {  	s3 =	sand.u32 $0x4000, s31;
	s1 =	sadd.s32 s1, s30  }
0xbb: {  	s0 =	sor.u32 s3, s0;
	s1 =	sshll.u32 s1, $0x11  }
0xbc: {  	s0 =	sor.u32 s1, s0  }
0xbd: {  	s0 =	sadd.s32 $0x8F2B, s0  }
0xbe: {  	[sflag:s0] =	ssyncadd.remote.s32 $0x1  }
0xbf: {  	_ =	sfence.sel $0xFFFF  }
0xc0: {  	[dreg:$0x0] =	wrdreg $0xFFFFFFFF;
	(pc) =	sbr.abs _section_cstart, $3  }
0xc1: {  	[dreg:$0x1] =	wrdreg $0xFFFFFFFF  }
0xc2: {  	_ =	task.clear_ibuf [dreg:s7], $0x2FFFF;
	_ =	strace $0x9FFFFFFF  }
0xc3: {  	(tm) =	ssettm $0x7FFFFFFF  }
tec
execute0_lowered:
.L_overlay_start_1:
0x0: {  	(tag) =	ssettag $0x1  }
0x1: {  	s0 =	rddreg [dreg:$0x0]  }
0x2: {  	s3 =	rddreg [dreg:$0x1];
	s1 =	srdreg.scid  }
0x3: {  	s4 =	rddreg [dreg:$0x2];
	s10 =	stileid.u32  }
0x4: {  	s6 =	simm.s32 $0x0;
	s29 =	simm.s32 $0x1D000;
	s5 =	smul.u32 $0x14000, s10  }
0x5: {  	s30 =	simm.s32 $0x40;
	s1 =	sand.u32 $0x1, s1;
	s19 =	smul.u32 $0x50000, s10  }
0x6: {  	s28 =	simm.s32 $0x8;
	s31 =	simm.s32 $0x0;
	s2 =	smul.u32 $0x140000, s1  }
0x7: {  	[smem:$0x7FF] =	sst s6;
	s6 =	sadd.s32 $0x28000, s3;
	s8 =	ssub.s32 $0x2, s1  }
0x8: {  	s9 =	sshrl.u32 s8, $0x1;
	s2 =	sadd.s32 s5, s2;
	s5 =	sshrl.u32 s19, $0x2  }
0x9: {  	s7 =	sadd.s32 $0x14000, s3;
	s11 =	ssub.s32 s8, s9;
	s8 =	sadd.s32 s5, s4  }
0xa: {  	s10 =	sshll.u32 s10, $0x1;
	_ =	strace $0x8000004A;
	s5 =	sadd.s32 $0x2000, s8  }
0xb: {  	s1 =	sor.u32 s1, s10;
	s20 =	sadd.s32 $0x4000, s8;
	[dreg:$0x4] =	wrdreg s5  }
0xc: {  	s9 =	smul.u32 $0xA0, s1;
	s21 =	sadd.s32 $0x6000, s8;
	[dreg:$0x5] =	wrdreg s20  }
0xd: {  	s1 =	smul.u32 $0xA00, s1;
	s22 =	sadd.s32 $0x8000, s8;
	[dreg:$0x6] =	wrdreg s21  }
0xe: {  	s2 =	sshrl.u32 s2, $0x3;
	s23 =	sadd.s32 $0xA000, s8;
	[dreg:$0x7] =	wrdreg s22  }
0xf: {  	s2 =	sadd.s32 s2, s3;
	s24 =	sadd.s32 $0xC000, s8;
	[dreg:$0x8] =	wrdreg s23  }
0x10: {  	s25 =	sadd.s32 $0xE000, s8;
	s26 =	sadd.s32 $0x10000, s8;
	[dreg:$0x9] =	wrdreg s24  }
0x11: {  	s18 =	sadd.s32 $0x12000, s8;
	s19 =	sadd.s32 s6, s1;
	[dreg:$0xa] =	wrdreg s25  }
0x12: {  	[dreg:$0xb] =	wrdreg s26;
	s20 =	sadd.s32 s3, s1;
	s21 =	sadd.s32 s7, s1  }
0x13: {  	s22 =	sadd.s32 $0x3C000, s2;
	s23 =	smax.u32 s11, $0x1;
	s24 =	simm.s32 $0x14000  }
0x14: {  	v0 =	vimm.f32 $0.0e+00;
	s25 =	simm.s32 $0x9;
	s26 =	simm.s32 $0x1C000;
	s5 =	simm.s32 $0x7  }
.LBB2_1:
0x15: {  	s2 =	simm.s32 $0x0  }
0x16: {  	s1 =	simm.s32 $0x10;
	s2 =	sand.u32 $0x1FF0, s2  }
.LBB2_2:
0x17: {  	p0 =	sne.s32 s1, $0x1FF0;
	[tilespmem:s2+$0x14000] =	vst v0;
	s2 =	smov.u32 s1;
	s1 =	sadd.s32 $0x10, s1  }
.Ltmp0:
0x18: {  	(pc) =	sbr.rel @p0 .LBB2_2-.Ltmp0, $2  }
0x19: {  	_ =	sdelay $0x2  }
0x1a: {  	s2 =	sand.u32 $0x1FF0, s2  }
0x1b: {  	[tilespmem:s2+$0x14000] =	vst v0  }
0x1c: {  	[spmem:s8] =	stream.linear.scatter [tilespmem:s24], [sflag:$0x9], $0x2000, $0x38;
	[tilespmem:$0x1D800] =	vst v63  }
0x1d: {  	_ =	swait.ge [sflag:s25], $0x2000  }
0x1e: {  	[sflag:s25] =	ssyncset.done $0x0  }
0x1f: {  	s1 =	rddreg [dreg:$0x4];
	[sflag:s25] =	ssyncadd.s32 $0xFFFFE000  }
0x20: {  	[spmem:s1] =	stream.linear.scatter [tilespmem:s24], [sflag:$0x9], $0x2000, $0x38;
	[tilespmem:$0x1D800] =	vst v63  }
0x21: {  	_ =	swait.ge [sflag:s25], $0x2000  }
0x22: {  	[sflag:s25] =	ssyncset.done $0x0  }
0x23: {  	s2 =	rddreg [dreg:$0x5];
	[sflag:s25] =	ssyncadd.s32 $0xFFFFE000  }
0x24: {  	[spmem:s2] =	stream.linear.scatter [tilespmem:s24], [sflag:$0x9], $0x2000, $0x38;
	[tilespmem:$0x1D800] =	vst v63  }
0x25: {  	_ =	swait.ge [sflag:s25], $0x2000  }
0x26: {  	[sflag:s25] =	ssyncset.done $0x0  }
0x27: {  	s10 =	rddreg [dreg:$0x6];
	[sflag:s25] =	ssyncadd.s32 $0xFFFFE000  }
0x28: {  	[spmem:s10] =	stream.linear.scatter [tilespmem:s24], [sflag:$0x9], $0x2000, $0x38;
	[tilespmem:$0x1D800] =	vst v63  }
0x29: {  	_ =	swait.ge [sflag:s25], $0x2000  }
0x2a: {  	[sflag:s25] =	ssyncset.done $0x0  }
0x2b: {  	s11 =	rddreg [dreg:$0x7];
	[sflag:s25] =	ssyncadd.s32 $0xFFFFE000  }
0x2c: {  	[spmem:s11] =	stream.linear.scatter [tilespmem:s24], [sflag:$0x9], $0x2000, $0x38;
	[tilespmem:$0x1D800] =	vst v63  }
0x2d: {  	_ =	swait.ge [sflag:s25], $0x2000  }
0x2e: {  	[sflag:s25] =	ssyncset.done $0x0  }
0x2f: {  	s12 =	rddreg [dreg:$0x8];
	[sflag:s25] =	ssyncadd.s32 $0xFFFFE000  }
0x30: {  	[spmem:s12] =	stream.linear.scatter [tilespmem:s24], [sflag:$0x9], $0x2000, $0x38;
	[tilespmem:$0x1D800] =	vst v63  }
0x31: {  	_ =	swait.ge [sflag:s25], $0x2000  }
0x32: {  	[sflag:s25] =	ssyncset.done $0x0  }
0x33: {  	s13 =	rddreg [dreg:$0x9];
	[sflag:s25] =	ssyncadd.s32 $0xFFFFE000  }
0x34: {  	[spmem:s13] =	stream.linear.scatter [tilespmem:s24], [sflag:$0x9], $0x2000, $0x38;
	[tilespmem:$0x1D800] =	vst v63  }
0x35: {  	_ =	swait.ge [sflag:s25], $0x2000  }
0x36: {  	[sflag:s25] =	ssyncset.done $0x0  }
0x37: {  	s14 =	rddreg [dreg:$0xa];
	[sflag:s25] =	ssyncadd.s32 $0xFFFFE000  }
0x38: {  	[spmem:s14] =	stream.linear.scatter [tilespmem:s24], [sflag:$0x9], $0x2000, $0x38;
	[tilespmem:$0x1D800] =	vst v63  }
0x39: {  	_ =	swait.ge [sflag:s25], $0x2000  }
0x3a: {  	[sflag:s25] =	ssyncset.done $0x0  }
0x3b: {  	s15 =	rddreg [dreg:$0xb];
	[sflag:s25] =	ssyncadd.s32 $0xFFFFE000  }
0x3c: {  	[spmem:s15] =	stream.linear.scatter [tilespmem:s24], [sflag:$0x9], $0x2000, $0x38;
	[tilespmem:$0x1D800] =	vst v63  }
0x3d: {  	_ =	swait.ge [sflag:s25], $0x2000  }
0x3e: {  	[sflag:s25] =	ssyncset.done $0x0  }
0x3f: {  	[sflag:s25] =	ssyncadd.s32 $0xFFFFE000  }
0x40: {  	[spmem:s18] =	stream.linear.scatter [tilespmem:s24], [sflag:$0x9], $0x2000, $0x38;
	[tilespmem:$0x1D800] =	vst v63  }
0x41: {  	_ =	swait.ge [sflag:s25], $0x2000  }
0x42: {  	[sflag:s25] =	ssyncset.done $0x0  }
0x43: {  	[sflag:s25] =	ssyncadd.s32 $0xFFFFE000  }
0x44: {  	s1 =	simm.s32 $0x0;
	[bflag:$0x0] =	sbarrier.arrive $0xFFFF  }
0x45: {  	[tilespmem:s26], [sflag:$0x9] =	stream.linear.gather [hbm4b:s19+s1], $0x800, $0x38;
	[tilespmem:$0x1D800] =	vst v63  }
0x46: {  	_ =	swait.ge [sflag:s25], $0x800  }
0x47: {  	[sflag:s25] =	ssyncset.done $0x0  }
0x48: {  	s16 =	simm.s32 $0x1C800;
	[sflag:s25] =	ssyncadd.s32 $0xFFFFF800  }
0x49: {  	[tilespmem:s16], [sflag:$0x9] =	stream.linear.gather [hbm4b:s20+s1], $0x800, $0x38;
	[tilespmem:$0x1D800] =	vst v63  }
0x4a: {  	_ =	swait.ge [sflag:s25], $0x800  }
0x4b: {  	[sflag:s25] =	ssyncset.done $0x0  }
0x4c: {  	[sflag:s25] =	ssyncadd.s32 $0xFFFFF800  }
0x4d: {  	[tilespmem:s29], [sflag:$0x9] =	stream.linear.gather [hbm4b:s21+s1], $0x800, $0x38;
	[tilespmem:$0x1D800] =	vst v63  }
0x4e: {  	_ =	swait.ge [sflag:s25], $0x800  }
0x4f: {  	[sflag:s25] =	ssyncset.done $0x0  }
0x50: {  	[sflag:s25] =	ssyncadd.s32 $0xFFFFF800  }
0x51: {  	[tilespmem:s24], [sflag:$0x1] =	stream.indirect.gather [hbm4b:s0+s30], $0x80, s26, s30, $0xb8;
	[tilespmem:$0x1D800] =	vst v63  }
0x52: {  	s17 =	simm.s32 $0x1C080;
	s10 =	simm.s32 $0x16000  }
0x53: {  	[tilespmem:s10], [sflag:$0x2] =	stream.indirect.gather [hbm4b:s0+s30], $0x80, s17, s30, $0xb8;
	[tilespmem:$0x1D800] =	vst v63  }
.LBB2_4:
0x54: {  	s2 =	sand.u32 $0x7, s1;
	p0 =	sgt.u32 s1, $0x97  }
0x55: {  	p1 =	sne.s32 @!p0 s2, $0x0  }
0x56: {  	p0 =	por p1, p0  }
0x57: {  	s2 =	sxor.u32 @!p0 $0xFFFFFFFF, s1;
	s10 =	sadd.s32 @!p0 s9, s1  }
0x58: {  	s2 =	sshll.u32 @!p0 s2, $0x7;
	s10 =	sshll.u32 @!p0 s10, $0x4  }
0x59: {  	s2 =	sand.u32 @!p0 $0x400, s2;
	s10 =	sadd.s32 @!p0 $0x80, s10  }
0x5a: {  	s13 =	simm.s32 @!p0 $0x0;
	s11 =	sor.u32 @!p0 $0x1C000, s2;
	s12 =	sadd.s32 @!p0 s6, s10  }
0x5b: {  	[tilespmem:s11], [sflag:$0x9] =	stream.linear.gather @!p0 [hbm4b:s12+s13], $0x400, $0x38;
	[tilespmem:$0x1D800] =	vst v63  }
0x5c: {  	s11 =	simm.s32 @!p0 $0x9  }
0x5d: {  	_ =	swait.ge @!p0 [sflag:s11], $0x400  }
0x5e: {  	[sflag:s11] =	ssyncset.done @!p0 $0x0  }
0x5f: {  	s14 =	sadd.s32 @!p0 s3, s10;
	s12 =	sor.u32 @!p0 $0x1C800, s2;
	[sflag:s11] =	ssyncadd.s32 @!p0 $0xFFFFFC00  }
0x60: {  	[tilespmem:s12], [sflag:$0x9] =	stream.linear.gather @!p0 [hbm4b:s14+s13], $0x400, $0x38;
	[tilespmem:$0x1D800] =	vst v63  }
0x61: {  	_ =	swait.ge @!p0 [sflag:s11], $0x400  }
0x62: {  	[sflag:s11] =	ssyncset.done @!p0 $0x0  }
0x63: {  	s10 =	sadd.s32 @!p0 s7, s10;
	s2 =	sor.u32 @!p0 $0x1D000, s2;
	[sflag:s11] =	ssyncadd.s32 @!p0 $0xFFFFFC00  }
0x64: {  	[tilespmem:s2], [sflag:$0x9] =	stream.linear.gather @!p0 [hbm4b:s10+s13], $0x400, $0x38;
	[tilespmem:$0x1D800] =	vst v63  }
0x65: {  	_ =	swait.ge @!p0 [sflag:s11], $0x400  }
0x66: {  	p1 =	slt.u32 s1, $0x2;
	[sflag:s11] =	ssyncset.done @!p0 $0x0  }
0x67: {  	[sflag:s11] =	ssyncadd.s32 @!p0 $0xFFFFFC00;
	p0 =	sgt.u32 @!p1 s1, $0x9D  }
0x68: {  	s2 =	sand.u32 @!p1 $0x3, s1;
	p0 =	por p1, !p0  }
.Ltmp1:
0x69: {  	s10 =	sxor.u32 @!p1 $0x2, s2;
	(pc) =	sbr.rel @!p0 .LBB2_6-.Ltmp1, $4  }
0x6a: {  	s10 =	sadd.s32 @!p1 $0x5, s10  }
0x6b: {  	_ =	swait.ge @!p1 [sflag:s10], $0x2000  }
0x6c: {  	[sflag:s10] =	ssyncset.done @!p1 $0x0  }
0x6d: {  	[sflag:s10] =	ssyncadd.s32 @!p1 $0xFFFFE000  }
0x6e: {  	s10 =	sadd.s32 $0x2, s1  }
0x6f: {  	s11 =	sand.u32 $0x3, s10;
	s10 =	sshll.u32 s10, $0x7  }
0x70: {  	s2 =	smov.u32 @p1 s1;
	s12 =	sshll.u32 s11, $0xD;
	s10 =	sand.u32 $0x780, s10  }
0x71: {  	s11 =	sadd.s32 $0x1, s11;
	s12 =	sadd.s32 $0x14000, s12;
	s10 =	sor.u32 $0x1C000, s10  }
0x72: {  	[tilespmem:s12], [sflag:s11] =	stream.indirect.gather [hbm4b:s0+s30], $0x80, s10, s30, $0xb8;
	[tilespmem:$0x1D800] =	vst v63  }
.LBB2_6:
0x73: {  	s10 =	sand.u32 $0xF, s1;
	s12 =	simm.s32 $0x0  }
0x74: {  	s10 =	sshll.u32 s10, $0x7;
	v2 =	vmov s12  }
0x75: {  	v1 =	vmov s10;
	v2 =	vand.u32 $0x7C, v2  }
0x76: {  	v2 =	vor.u32 v1, v2  }
0x77: {  	v2 =	vbroadcast v2, $0x0  }
0x78: {  	s13 =	sadd.s32 $0x1, s2  }
0x79: {  	s11 =	sshll.u32 s2, $0xF;
	_ =	swait.ge [sflag:s13], $0x2000  }
0x7a: {  	s11 =	sshra.s32 s11, $0x2;
	[sflag:s13] =	ssyncset.done $0x0  }
0x7b: {  	s15 =	sadd.s32 $0x14100, s11;
	[sflag:s13] =	ssyncadd.s32 $0xFFFFE000  }
0x7c: {  	v4 =	vld [tilespmem:s15+$0xFFFFFF70]  }
0x7d: {  	v2 =	vld.idx.msk [tilespmem:v2+s29+$0x0], $0xffff  }
0x7e: {  	v5 =	vld [tilespmem:s15+$0xFFFFFF00]  }
0x7f: {  	v6 =	vld [tilespmem:s15+$0xFFFFFF20]  }
0x80: {  	v7 =	vld [tilespmem:s15+$0xFFFFFF30]  }
0x81: {  	v3 =	vld [tilespmem:s15+$0xFFFFFF50]  }
0x82: {  	s16 =	simm.s32 $0x1;
	v9 =	vld [tilespmem:s15+$0xFFFFFF10];
	v4 =	vmul.f32 v4, v2  }
0x83: {  	v11 =	vmov s16;
	v8 =	vld [tilespmem:s15+$0xFFFFFF60];
	v5 =	vmul.f32 v5, v2  }
0x84: {  	v10 =	vld [tilespmem:s15+$0xFFFFFF40];
	v6 =	vmul.f32 v6, v2;
	[tilespmem:s15+$0xFFFFFF70] =	vst v4;
	v4 =	vand.u32 $0x7D, v11  }
0x85: {  	v7 =	vmul.f32 v7, v2;
	[tilespmem:s15+$0xFFFFFF00] =	vst v5;
	v4 =	vor.u32 v1, v4  }
0x86: {  	v3 =	vmul.f32 v3, v2;
	[tilespmem:s15+$0xFFFFFF20] =	vst v6;
	v4 =	vbroadcast v4, $0x0  }
0x87: {  	v5 =	vmul.f32 v9, v2;
	[tilespmem:s15+$0xFFFFFF30] =	vst v7  }
0x88: {  	v6 =	vmul.f32 v8, v2;
	[tilespmem:s15+$0xFFFFFF50] =	vst v3  }
0x89: {  	v2 =	vmul.f32 v10, v2;
	[tilespmem:s15+$0xFFFFFF10] =	vst v5  }
0x8a: {  	[tilespmem:s15+$0xFFFFFF60] =	vst v6  }
0x8b: {  	[tilespmem:s15+$0xFFFFFF40] =	vst v2;
	v2 =	vld [tilespmem:s15+$0xFFFFFF80]  }
0x8c: {  	v4 =	vld.idx.msk [tilespmem:v4+s29+$0x0], $0xffff  }
0x8d: {  	v3 =	vld [tilespmem:s15+$0xFFFFFFA0]  }
0x8e: {  	v5 =	vld [tilespmem:s15+$0xFFFFFFF0]  }
0x8f: {  	v6 =	vld [tilespmem:s15+$0xFFFFFFC0]  }
0x90: {  	v7 =	vld [tilespmem:s15+$0xFFFFFF90]  }
0x91: {  	s17 =	simm.s32 $0x2;
	v8 =	vld [tilespmem:s15+$0xFFFFFFD0];
	v2 =	vmul.f32 v2, v4  }
0x92: {  	v9 =	vld [tilespmem:s15+$0xFFFFFFB0];
	v10 =	vmov s17;
	v3 =	vmul.f32 v3, v4  }
0x93: {  	v11 =	vld [tilespmem:s15+$0xFFFFFFE0];
	v5 =	vmul.f32 v5, v4;
	[tilespmem:s15+$0xFFFFFF80] =	vst v2;
	v2 =	vand.u32 $0x7E, v10  }
0x94: {  	v6 =	vmul.f32 v6, v4;
	[tilespmem:s15+$0xFFFFFFA0] =	vst v3;
	v2 =	vor.u32 v1, v2  }
0x95: {  	v3 =	vmul.f32 v7, v4;
	[tilespmem:s15+$0xFFFFFFF0] =	vst v5;
	v5 =	vbroadcast v2, $0x0  }
0x96: {  	v7 =	vmul.f32 v8, v4;
	[tilespmem:s15+$0xFFFFFFC0] =	vst v6;
	v8 =	vld [tilespmem:s15+$0x30]  }
0x97: {  	v6 =	vmul.f32 v9, v4;
	v2 =	vld [tilespmem:s15+$0x60];
	[tilespmem:s15+$0xFFFFFF90] =	vst v3  }
0x98: {  	v4 =	vmul.f32 v11, v4;
	v3 =	vld [tilespmem:s15+$0x70];
	[tilespmem:s15+$0xFFFFFFD0] =	vst v7  }
0x99: {  	[tilespmem:s15+$0xFFFFFFB0] =	vst v6;
	v7 =	vld [tilespmem:s15+$0x20]  }
0x9a: {  	[tilespmem:s15+$0xFFFFFFE0] =	vst v4;
	v6 =	vld [tilespmem:s15+$0x0]  }
0x9b: {  	v4 =	vld.idx.msk [tilespmem:v5+s29+$0x0], $0xffff  }
0x9c: {  	s14 =	simm.s32 $0x4;
	s13 =	sadd.s32 $0x14000, s11;
	s11 =	smov.u32 s15;
	v5 =	vld [tilespmem:s15+$0x10]  }
.LBB2_7:
0x9d: {  	p0 =	slt.u32 s14, $0x3C  }
0x9e: {  	v9 =	vld [tilespmem:s15+$0x50];
	s11 =	sadd.s32 $0x200, s11;
	s16 =	smov.u32 s14;
	s14 =	sadd.s32 $0x4, s14  }
0x9f: {  	v10 =	vld [tilespmem:s15+$0x40];
	_ =	sdelay $0x1  }
0xa0: {  	s17 =	sadd.s32 $0x3, s12;
	s12 =	smov.u32 s16;
	v8 =	vmul.f32 v8, v4;
	v6 =	vmul.f32 v6, v4  }
0xa1: {  	v11 =	vmov s17;
	v7 =	vmul.f32 v7, v4;
	v5 =	vmul.f32 v5, v4  }
0xa2: {  	v2 =	vmul.f32 v2, v4;
	v3 =	vmul.f32 v3, v4;
	[tilespmem:s15+$0x30] =	vst v8;
	v8 =	vand.u32 $0x7F, v11  }
0xa3: {  	[tilespmem:s15+$0x20] =	vst v7;
	v7 =	vmul.f32 v10, v4;
	v4 =	vmul.f32 v9, v4;
	v8 =	vor.u32 v1, v8  }
0xa4: {  	[tilespmem:s15+$0x70] =	vst v3;
	v8 =	vbroadcast v8, $0x0;
	v9 =	vld [tilespmem:s15+$0x80]  }
0xa5: {  	[tilespmem:s15+$0x60] =	vst v2;
	v10 =	vld [tilespmem:s15+$0xF0]  }
0xa6: {  	v2 =	vld [tilespmem:s11+$0x60];
	[tilespmem:s15+$0x50] =	vst v4  }
0xa7: {  	v3 =	vld [tilespmem:s11+$0x70];
	[tilespmem:s15+$0x40] =	vst v7  }
0xa8: {  	[tilespmem:s15+$0x0] =	vst v6;
	v4 =	vld [tilespmem:s15+$0xD0]  }
0xa9: {  	[tilespmem:s15+$0x10] =	vst v5;
	v5 =	vld [tilespmem:s15+$0xB0]  }
0xaa: {  	v6 =	vld.idx.msk [tilespmem:v8+s29+$0x0], $0xffff  }
0xab: {  	v7 =	vld [tilespmem:s15+$0x90]  }
0xac: {  	v8 =	vld [tilespmem:s15+$0xA0]  }
0xad: {  	v11 =	vld [tilespmem:s15+$0xC0]  }
0xae: {  	v12 =	vld [tilespmem:s15+$0xE0];
	_ =	sdelay $0x1  }
0xaf: {  	v9 =	vmul.f32 v9, v6;
	v7 =	vmul.f32 v7, v6  }
0xb0: {  	v13 =	vmov s12;
	v5 =	vmul.f32 v5, v6;
	v8 =	vmul.f32 v8, v6  }
0xb1: {  	v13 =	vand.u32 $0x7C, v13;
	v4 =	vmul.f32 v4, v6;
	[tilespmem:s15+$0x80] =	vst v9;
	v9 =	vmul.f32 v11, v6  }
0xb2: {  	v11 =	vor.u32 v1, v13;
	[tilespmem:s15+$0xB0] =	vst v5;
	v5 =	vmul.f32 v12, v6;
	v6 =	vmul.f32 v10, v6  }
0xb3: {  	v10 =	vbroadcast v11, $0x0;
	[tilespmem:s15+$0xA0] =	vst v8  }
0xb4: {  	[tilespmem:s15+$0xD0] =	vst v4  }
0xb5: {  	v4 =	vld [tilespmem:s11+$0xFFFFFF50];
	[tilespmem:s15+$0xF0] =	vst v6  }
0xb6: {  	v6 =	vld [tilespmem:s11+$0xFFFFFF30];
	[tilespmem:s15+$0x90] =	vst v7  }
0xb7: {  	v7 =	vld [tilespmem:s11+$0xFFFFFF60];
	[tilespmem:s15+$0xC0] =	vst v9  }
0xb8: {  	v8 =	vld [tilespmem:s11+$0xFFFFFF70];
	[tilespmem:s15+$0xE0] =	vst v5;
	s15 =	smov.u32 s11  }
0xb9: {  	v5 =	vld.idx.msk [tilespmem:v10+s29+$0x0], $0xffff  }
0xba: {  	v9 =	vld [tilespmem:s11+$0xFFFFFF00]  }
0xbb: {  	v10 =	vld [tilespmem:s11+$0xFFFFFF20]  }
0xbc: {  	v11 =	vld [tilespmem:s11+$0xFFFFFF10]  }
0xbd: {  	v12 =	vld [tilespmem:s11+$0xFFFFFF40];
	_ =	sdelay $0x1  }
0xbe: {  	s16 =	sadd.s32 $0x1, s12;
	v8 =	vmul.f32 v8, v5;
	v9 =	vmul.f32 v9, v5  }
0xbf: {  	v13 =	vmov s16;
	v7 =	vmul.f32 v7, v5;
	v10 =	vmul.f32 v10, v5  }
0xc0: {  	v6 =	vmul.f32 v6, v5;
	v11 =	vmul.f32 v11, v5;
	[tilespmem:s11+$0xFFFFFF70] =	vst v8;
	v8 =	vand.u32 $0x7D, v13  }
0xc1: {  	v4 =	vmul.f32 v4, v5;
	[tilespmem:s11+$0xFFFFFF00] =	vst v9;
	v9 =	vmul.f32 v12, v5;
	v5 =	vor.u32 v1, v8  }
0xc2: {  	[tilespmem:s11+$0xFFFFFF20] =	vst v10;
	v5 =	vbroadcast v5, $0x0  }
0xc3: {  	[tilespmem:s11+$0xFFFFFF30] =	vst v6  }
0xc4: {  	[tilespmem:s11+$0xFFFFFF50] =	vst v4;
	v4 =	vld [tilespmem:s11+$0xFFFFFFD0]  }
0xc5: {  	[tilespmem:s11+$0xFFFFFF10] =	vst v11;
	v6 =	vld [tilespmem:s11+$0xFFFFFFE0]  }
0xc6: {  	[tilespmem:s11+$0xFFFFFF60] =	vst v7;
	v7 =	vld [tilespmem:s11+$0xFFFFFFB0]  }
0xc7: {  	[tilespmem:s11+$0xFFFFFF40] =	vst v9;
	v8 =	vld [tilespmem:s11+$0xFFFFFFF0]  }
0xc8: {  	v5 =	vld.idx.msk [tilespmem:v5+s29+$0x0], $0xffff  }
0xc9: {  	v9 =	vld [tilespmem:s11+$0xFFFFFF80]  }
0xca: {  	v10 =	vld [tilespmem:s11+$0xFFFFFFA0]  }
0xcb: {  	v11 =	vld [tilespmem:s11+$0xFFFFFFC0]  }
0xcc: {  	v12 =	vld [tilespmem:s11+$0xFFFFFF90];
	_ =	sdelay $0x1  }
0xcd: {  	s16 =	sadd.s32 $0x2, s12;
	v8 =	vmul.f32 v8, v5;
	v9 =	vmul.f32 v9, v5  }
0xce: {  	v13 =	vmov s16;
	v7 =	vmul.f32 v7, v5;
	v10 =	vmul.f32 v10, v5  }
0xcf: {  	v6 =	vmul.f32 v6, v5;
	[tilespmem:s11+$0xFFFFFF80] =	vst v9;
	v9 =	vmul.f32 v11, v5;
	v11 =	vand.u32 $0x7E, v13  }
0xd0: {  	v4 =	vmul.f32 v4, v5;
	v12 =	vmul.f32 v12, v5;
	[tilespmem:s11+$0xFFFFFFA0] =	vst v10;
	v5 =	vor.u32 v1, v11  }
0xd1: {  	[tilespmem:s11+$0xFFFFFFF0] =	vst v8;
	v5 =	vbroadcast v5, $0x0  }
0xd2: {  	[tilespmem:s11+$0xFFFFFFC0] =	vst v9  }
0xd3: {  	[tilespmem:s11+$0xFFFFFF90] =	vst v12  }
0xd4: {  	[tilespmem:s11+$0xFFFFFFD0] =	vst v4  }
.Ltmp2:
0xd5: {  	[tilespmem:s11+$0xFFFFFFB0] =	vst v7;
	v8 =	vld [tilespmem:s11+$0x30];
	(pc) =	sbr.rel @p0 .LBB2_7-.Ltmp2, $4  }
0xd6: {  	[tilespmem:s11+$0xFFFFFFE0] =	vst v6;
	v7 =	vld [tilespmem:s11+$0x20]  }
0xd7: {  	v4 =	vld.idx.msk [tilespmem:v5+s29+$0x0], $0xffff  }
0xd8: {  	v6 =	vld [tilespmem:s11+$0x0]  }
0xd9: {  	v5 =	vld [tilespmem:s11+$0x10]  }
0xda: {  	_ =	sdelay $0x1  }
0xdb: {  	v9 =	vld [tilespmem:s15+$0x50];
	s11 =	sadd.s32 $0x3, s12;
	v8 =	vmul.f32 v8, v4  }
0xdc: {  	v10 =	vld [tilespmem:s15+$0x40];
	v11 =	vmov s11;
	v3 =	vmul.f32 v3, v4  }
0xdd: {  	v55 =	vand.u32 $0x7F, v11;
	v2 =	vmul.f32 v2, v4;
	[tilespmem:s15+$0x30] =	vst v8  }
0xde: {  	v7 =	vmul.f32 v7, v4;
	v1 =	vor.u32 v1, v55;
	[tilespmem:s15+$0x70] =	vst v3  }
0xdf: {  	v1 =	vbroadcast v1, $0x0;
	[tilespmem:s15+$0x60] =	vst v2;
	v2 =	vmul.f32 v6, v4  }
0xe0: {  	[tilespmem:s15+$0x20] =	vst v7;
	v3 =	vmul.f32 v9, v4  }
0xe1: {  	v57 =	vmul.f32 v10, v4;
	[tilespmem:s15+$0x0] =	vst v2  }
0xe2: {  	[tilespmem:s15+$0x50] =	vst v3;
	v3 =	vmul.f32 v5, v4  }
0xe3: {  	[tilespmem:s15+$0x40] =	vst v57  }
0xe4: {  	v56 =	vld [tilespmem:s15+$0x80];
	[tilespmem:s15+$0x10] =	vst v3  }
0xe5: {  	v1 =	vld.idx.msk [tilespmem:v1+s29+$0x0], $0xffff  }
0xe6: {  	v2 =	vld [tilespmem:s15+$0xB0]  }
0xe7: {  	v3 =	vld [tilespmem:s15+$0xA0]  }
0xe8: {  	v58 =	vld [tilespmem:s15+$0xD0]  }
0xe9: {  	v61 =	vld [tilespmem:s15+$0xC0]  }
0xea: {  	v59 =	vld [tilespmem:s15+$0xF0];
	v7 =	vmul.f32 v56, v1  }
0xeb: {  	v60 =	vld [tilespmem:s15+$0x90];
	v2 =	vmul.f32 v2, v1  }
0xec: {  	v62 =	vld [tilespmem:s15+$0xE0];
	v3 =	vmul.f32 v3, v1;
	[tilespmem:s15+$0x80] =	vst v7  }
0xed: {  	v4 =	vmul.f32 v58, v1;
	[tilespmem:s15+$0xB0] =	vst v2  }
0xee: {  	s1 =	sadd.s32 $0x1, s1;
	v63 =	vmul.f32 v61, v1;
	[tilespmem:s15+$0xA0] =	vst v3  }
0xef: {  	p0 =	sne.s32 s1, $0xA0;
	v2 =	vmul.f32 v59, v1;
	[tilespmem:s15+$0xD0] =	vst v4  }
.Ltmp3:
0xf0: {  	v3 =	vmul.f32 v60, v1;
	[tilespmem:s15+$0xC0] =	vst v63;
	(pc) =	sbr.rel @p0 .LBB2_4-.Ltmp3, $4  }
0xf1: {  	v1 =	vmul.f32 v62, v1;
	[tilespmem:s15+$0xF0] =	vst v2  }
0xf2: {  	[tilespmem:s15+$0x90] =	vst v3  }
0xf3: {  	s10 =	sor.u32 $0x1C800, s10;
	s2 =	sadd.s32 $0x5, s2;
	[tilespmem:s15+$0xE0] =	vst v1  }
0xf4: {  	[spmem:s4] =	stream.indirect.scatter.add.f32 [tilespmem:s13], [sflag:s2], $0x80, s10, s30, $0xb8;
	[tilespmem:$0x1D800] =	vst v63  }
0xf5: {  	_ =	swait.ge [sflag:s5], $0x2000  }
0xf6: {  	[sflag:s5] =	ssyncset.done $0x0  }
0xf7: {  	[sflag:s5] =	ssyncadd.s32 $0xFFFFE000  }
0xf8: {  	s1 =	stileid.u32;
	_ =	swait.ge [sflag:s28], $0x2000  }
0xf9: {  	s2 =	sshrl.u32 s8, $0x3;
	s31 =	sadd.s32 $0x1, s31;
	[sflag:s28] =	ssyncset.done $0x0  }
0xfa: {  	s1 =	sshll.u32 s1, $0x6;
	p0 =	sne.s32 s31, s23;
	[sflag:s28] =	ssyncadd.s32 $0xFFFFE000  }
.Ltmp4:
0xfb: {  	s1 =	sor.u32 $0x1C09, s1;
	[bflag:$0x0] =	sbarrier.arrive $0xFFFF;
	(pc) =	sbr.rel @p0 .LBB2_1-.Ltmp4, $4  }
0xfc: {  	[hbm:s22], [sflag:s1] =	dma.local [spmem:s2], $0x2800  }
0xfd: {  	_ =	swait.ge [sflag:s25], $0x2800  }
0xfe: {  	[sflag:s25] =	ssyncset.done $0x0  }
0xff: {  	[sflag:s25] =	ssyncadd.s32 $0xFFFFD800  }
0x100: {  	_ =	sfence.sel $0x180000  }
0x101: {  	[bflag:$0x0] =	sbarrier.arrive $0xFFFF  }
0x102: {  	_ =	strace $0x9000004A  }
0x103: {  	s0 =	stileid.u32;
	[bflag:$0x2] =	sbarrier.arrive $0xFFFF  }
0x104: {  	p0 =	sne.s32 s0, $0x0;
	s0 =	rddreg [dreg:$0x3]  }
0x105: {  	s0 =	sadd.s32 @!p0 $0x100000, s0  }
0x106: {  	[sflag:s0] =	ssyncadd.tile.s32 @!p0 $0x1;
	_ =	shalt  }
.Lfunc_end2:
_tile_overlayer_lowered:
.L_overlay_start_2:
0x107: {  	(tag) =	ssettag $0x2  }
0x108: {  	s0 =	rddreg [dreg:$0x0];
	s2 =	stileid.u32  }
0x109: {  	s1 =	rddreg [dreg:$0x1];
	p0 =	sne.s32 s2, $0x0  }
0x10a: {  	s3 =	rddreg [dreg:$0x2];
	[bflag:$0x3] =	sbarrier.arrive $0xFFFF;
	s2 =	simm.s32 @!p0 $0x1C09  }
0x10b: {  	[timem:s3], [sflag:s2] =	dma.local @!p0 [hbm:s0], s1  }
0x10c: {  	s0 =	simm.s32 @!p0 $0x9  }
0x10d: {  	_ =	swait.ge @!p0 [sflag:s0], s1  }
0x10e: {  	s1 =	ssub.s32 @!p0 $0x0, s1;
	[sflag:s0] =	ssyncset.done @!p0 $0x0  }
0x10f: {  	[sflag:s0] =	ssyncadd.s32 @!p0 s1  }
0x110: {  	[bflag:$0x3] =	sbarrier.arrive $0xFFFF  }
0x111: {  	_ =	shalt  }

</sc_bundles>
